<compile_context>
chip_gen: v7x
topology: tpu7x:2x2x1
jax: 0.10.2.dev20260603
libtpu: 0.0.44.dev20260713+nightly
codegen_flags: <defaults>
</compile_context>

<pallas_src>
import jax
import jax.numpy as jnp
from jax import lax
from jax.experimental import pallas as pl
from jax.experimental.pallas import tpu as pltpu
from jax.experimental.pallas import tpu_sc as plsc

_U = jnp.uint32

_KS0 = 0
_KS1 = 42
_KS2 = 0 ^ 42 ^ 0x1BD11BDA

_ROTS = (13, 15, 26, 6, 17, 29, 16, 24, 13, 15, 26, 6, 17, 29, 16, 24, 13, 15, 26, 6)
_INJ = (
    (_KS1, (_KS2 + 1) & 0xFFFFFFFF),
    (_KS2, (_KS0 + 2) & 0xFFFFFFFF),
    (_KS0, (_KS1 + 3) & 0xFFFFFFFF),
    (_KS1, (_KS2 + 4) & 0xFFFFFFFF),
    (_KS2, None),
)


def _keep_bits(idx_u32):
    x0 = jnp.zeros_like(idx_u32)
    x1 = idx_u32 + _U(_KS1)
    for g in range(5):
        for j, r in enumerate(_ROTS[4 * g:4 * g + 4]):
            x0 = x0 + x1
            if g == 4 and j == 3:
                break
            x1 = lax.shift_left(x1, _U(r)) | lax.shift_right_logical(x1, _U(32 - r))
            x1 = x1 ^ x0
        a, b = _INJ[g]
        x0 = x0 + _U(a)
        if b is not None:
            x1 = x1 + _U(b)
    return x0


NNZ = 2684354
NW = 32
CW = 83888
MAIN31 = 83824
TAIL = NNZ - (31 * CW + MAIN31)


def _sc_body(v_hbm, o_hbm, buf, tail_buf):
    nc = 2
    wid = lax.axis_index("s") * jnp.int32(nc) + lax.axis_index("c")
    base = wid * jnp.int32(CW)

    is_last = wid == jnp.int32(NW - 1)

    @pl.when(jnp.logical_not(is_last))
    def _load_full():
        pltpu.sync_copy(v_hbm.at[pl.ds(base, CW)], buf)

    @pl.when(is_last)
    def _load_last():
        pltpu.sync_copy(v_hbm.at[pl.ds(base, MAIN31)], buf.at[pl.ds(0, MAIN31)])
        pltpu.sync_copy(v_hbm.at[pl.ds(NNZ - TAIL, TAIL)], tail_buf.at[pl.ds(0, TAIL)])

    ubase = base.astype(_U)

    def step(_, off):
        idx = lax.iota(_U, 16) + (ubase + off.astype(_U))
        keep = lax.shift_right_logical(_keep_bits(idx), _U(31)) == _U(0)
        v = buf[pl.ds(off, 16)]
        buf[pl.ds(off, 16)] = jnp.where(keep, v * 2.0, 0.0)
        return off + jnp.int32(16)

    lax.fori_loop(0, CW // 16, step, jnp.int32(0), unroll=4)

    @pl.when(is_last)
    def _tail_compute():
        idx = lax.iota(_U, 16) + _U(NNZ - TAIL)
        keep = lax.shift_right_logical(_keep_bits(idx), _U(31)) == _U(0)
        v = tail_buf[...]
        tail_buf[...] = jnp.where(keep, v * 2.0, 0.0)

    @pl.when(jnp.logical_not(is_last))
    def _store_full():
        pltpu.sync_copy(buf, o_hbm.at[pl.ds(base, CW)])

    @pl.when(is_last)
    def _store_last():
        pltpu.sync_copy(buf.at[pl.ds(0, MAIN31)], o_hbm.at[pl.ds(base, MAIN31)])
        pltpu.sync_copy(tail_buf.at[pl.ds(0, TAIL)], o_hbm.at[pl.ds(NNZ - TAIL, TAIL)])


def _sc_dropout(values):
    mesh = plsc.VectorSubcoreMesh(core_axis_name="c", subcore_axis_name="s")
    return pl.kernel(
        _sc_body,
        out_type=jax.ShapeDtypeStruct((NNZ,), jnp.float32),
        mesh=mesh,
        scratch_types=[
            pltpu.VMEM((CW,), jnp.float32),
            pltpu.VMEM((16,), jnp.float32),
        ],
    )(values)


def kernel(indices, values):
    assert values.shape == (NNZ,), values.shape
    drop = _sc_dropout(values)
    lo = lax.convert_element_type(indices, jnp.uint32)
    idx_out = lax.convert_element_type(lo, jnp.int64)
    return (idx_out, drop)

# --- scband reference (transcript-rebuilt; emitter-appended) ---
"""Pipeline reference for scband-sparse-dropout-3178275799583 (READ-ONLY COPY).

The authoritative reference and input builder live on the scoring server;
editing this copy changes nothing except your own understanding.
"""

import jax, jax.numpy as jnp
import numpy as np

jax.config.update("jax_enable_x64", True)

P = 0.5
N = 16384
NNZ = 2684354


def setup_inputs(seed: int = 0) -> dict:
    key = jax.random.key(seed)
    k1, k2 = jax.random.split(key)
    indices = jax.random.randint(k1, (2, NNZ), 0, N, dtype=jnp.int64)
    values = jax.random.normal(k2, (NNZ,), dtype=jnp.float32)
    return {"indices": indices, "values": values}


def reference(indices, values):
    # SparseDropout.forward: coalesce (indices already unique-enough for the
    # elementwise math), apply F.dropout to the values in training mode,
    # return sparse tensor (indices, dropped_values, shape).
    drop_key = jax.random.key(42)
    keep = jax.random.bernoulli(drop_key, 1.0 - P, values.shape)
    drop_val = jnp.where(keep, values / (1.0 - P), jnp.zeros_like(values))
    return (indices, drop_val)

if __name__ == "__main__":
    import jax
    _d = setup_inputs()
    print(jax.jit(kernel)(*tuple(_d.values())))

</pallas_src>

<mosaic_0001>
#map = affine_map<(d0, d1) -> (0)>
module attributes {stable_mosaic.version = 14 : i64} {
  func.func @_sc_body(%arg0: i32, %arg1: i32, %arg2: memref<2684354xf32, #tpu.memory_space<hbm>>, %arg3: memref<2684354xf32, #tpu.memory_space<hbm>>, %arg4: memref<83888xf32, #tpu.memory_space<vmem>>, %arg5: memref<16xf32, #tpu.memory_space<vmem>>) attributes {dimension_semantics = [#tpu.dimension_semantics<core_parallel>, #tpu.dimension_semantics<subcore_parallel>], iteration_bounds = array<i64: 2, 16>, scalar_prefetch = 0 : i64, scratch_operands = 2 : i64, tpu.core_type = #tpu.core_type<sc_vector_subcore>, window_params = [{transform_indices = #map}, {transform_indices = #map}]} {
    %mul3A = arith.constant 2 : i32
    %mul3A_0 = arith.muli %arg1, %mul3A : i32
    %add3A = arith.addi %mul3A_0, %arg0 : i32
    %mul3A_1 = arith.constant 83888 : i32
    %mul3A_2 = arith.muli %add3A, %mul3A_1 : i32
    %eq3A = arith.constant 31 : i32
    %eq3A_3 = arith.cmpi eq, %add3A, %eq3A : i32
    %not3A = arith.constant true
    %not3A_4 = arith.xori %eq3A_3, %not3A : i1
    %convert_element_type3A = arith.extui %not3A_4 : i1 to i32
    %cond3A = arith.constant 0 : i32
    %cond3A_5 = arith.cmpi ne, %convert_element_type3A, %cond3A : i32
    scf.if %cond3A_5 {
      "tpu.region"() ({
        %run_scoped3A = tpu.sem_alloc : memref<!tpu.dma_semaphore, #tpu.memory_space<semaphore_mem>>
        %dma_start3A = tpu.memref_slice %arg2[%mul3A_2] : memref<2684354xf32, #tpu.memory_space<hbm>> -> memref<83888xf32, #tpu.memory_space<hbm>>
        %dma_start3A_712 = tpu.memref_slice %arg2[%mul3A_2] : memref<2684354xf32, #tpu.memory_space<hbm>> -> memref<83888xf32, #tpu.memory_space<hbm>>
        tpu.enqueue_dma source(%dma_start3A_712 : memref<83888xf32, #tpu.memory_space<hbm>>) target(%arg4 : memref<83888xf32, #tpu.memory_space<vmem>>) target_semaphore(%run_scoped3A : memref<!tpu.dma_semaphore, #tpu.memory_space<semaphore_mem>>)
        %dma_wait3A = tpu.memref_slice %arg2[%mul3A_2] : memref<2684354xf32, #tpu.memory_space<hbm>> -> memref<83888xf32, #tpu.memory_space<hbm>>
        %dma_wait3A_713 = tpu.memref_slice %arg2[%mul3A_2] : memref<2684354xf32, #tpu.memory_space<hbm>> -> memref<83888xf32, #tpu.memory_space<hbm>>
        tpu.wait_dma2 semaphore(%run_scoped3A : memref<!tpu.dma_semaphore, #tpu.memory_space<semaphore_mem>>) src(%dma_wait3A_713 : memref<83888xf32, #tpu.memory_space<hbm>>) dst(%arg4 : memref<83888xf32, #tpu.memory_space<vmem>>)
        tpu.yield
      }) : () -> ()
    } else {
    }
    %convert_element_type3A_6 = arith.extui %eq3A_3 : i1 to i32
    %cond3A_7 = arith.constant 0 : i32
    %cond3A_8 = arith.cmpi ne, %convert_element_type3A_6, %cond3A_7 : i32
    scf.if %cond3A_8 {
      "tpu.region"() ({
        %run_scoped3A = tpu.sem_alloc : memref<!tpu.dma_semaphore, #tpu.memory_space<semaphore_mem>>
        %dma_start3A = arith.constant 0 : i32
        %dma_start3A_712 = tpu.memref_slice %arg4[%dma_start3A] : memref<83888xf32, #tpu.memory_space<vmem>> -> memref<83824xf32, #tpu.memory_space<vmem>>
        %dma_start3A_713 = tpu.memref_slice %arg2[%mul3A_2] : memref<2684354xf32, #tpu.memory_space<hbm>> -> memref<83824xf32, #tpu.memory_space<hbm>>
        %dma_start3A_714 = arith.constant 0 : i32
        %dma_start3A_715 = tpu.memref_slice %arg4[%dma_start3A_714] : memref<83888xf32, #tpu.memory_space<vmem>> -> memref<83824xf32, #tpu.memory_space<vmem>>
        %dma_start3A_716 = tpu.memref_slice %arg2[%mul3A_2] : memref<2684354xf32, #tpu.memory_space<hbm>> -> memref<83824xf32, #tpu.memory_space<hbm>>
        tpu.enqueue_dma source(%dma_start3A_716 : memref<83824xf32, #tpu.memory_space<hbm>>) target(%dma_start3A_715 : memref<83824xf32, #tpu.memory_space<vmem>>) target_semaphore(%run_scoped3A : memref<!tpu.dma_semaphore, #tpu.memory_space<semaphore_mem>>)
        %dma_wait3A = arith.constant 0 : i32
        %dma_wait3A_717 = tpu.memref_slice %arg4[%dma_wait3A] : memref<83888xf32, #tpu.memory_space<vmem>> -> memref<83824xf32, #tpu.memory_space<vmem>>
        %dma_wait3A_718 = tpu.memref_slice %arg2[%mul3A_2] : memref<2684354xf32, #tpu.memory_space<hbm>> -> memref<83824xf32, #tpu.memory_space<hbm>>
        %dma_wait3A_719 = arith.constant 0 : i32
        %dma_wait3A_720 = tpu.memref_slice %arg4[%dma_wait3A_719] : memref<83888xf32, #tpu.memory_space<vmem>> -> memref<83824xf32, #tpu.memory_space<vmem>>
        %dma_wait3A_721 = tpu.memref_slice %arg2[%mul3A_2] : memref<2684354xf32, #tpu.memory_space<hbm>> -> memref<83824xf32, #tpu.memory_space<hbm>>
        tpu.wait_dma2 semaphore(%run_scoped3A : memref<!tpu.dma_semaphore, #tpu.memory_space<semaphore_mem>>) src(%dma_wait3A_721 : memref<83824xf32, #tpu.memory_space<hbm>>) dst(%dma_wait3A_720 : memref<83824xf32, #tpu.memory_space<vmem>>)
        tpu.yield
      }) : () -> ()
      "tpu.region"() ({
        %run_scoped3A = tpu.sem_alloc : memref<!tpu.dma_semaphore, #tpu.memory_space<semaphore_mem>>
        %dma_start3A = arith.constant 0 : i32
        %dma_start3A_712 = tpu.memref_slice %arg5[%dma_start3A] : memref<16xf32, #tpu.memory_space<vmem>> -> memref<2xf32, #tpu.memory_space<vmem>>
        %dma_start3A_713 = arith.constant 2684352 : i32
        %dma_start3A_714 = tpu.memref_slice %arg2[%dma_start3A_713] : memref<2684354xf32, #tpu.memory_space<hbm>> -> memref<2xf32, #tpu.memory_space<hbm>>
        %dma_start3A_715 = arith.constant 0 : i32
        %dma_start3A_716 = tpu.memref_slice %arg5[%dma_start3A_715] : memref<16xf32, #tpu.memory_space<vmem>> -> memref<2xf32, #tpu.memory_space<vmem>>
        %dma_start3A_717 = arith.constant 2684352 : i32
        %dma_start3A_718 = tpu.memref_slice %arg2[%dma_start3A_717] : memref<2684354xf32, #tpu.memory_space<hbm>> -> memref<2xf32, #tpu.memory_space<hbm>>
        tpu.enqueue_dma source(%dma_start3A_718 : memref<2xf32, #tpu.memory_space<hbm>>) target(%dma_start3A_716 : memref<2xf32, #tpu.memory_space<vmem>>) target_semaphore(%run_scoped3A : memref<!tpu.dma_semaphore, #tpu.memory_space<semaphore_mem>>)
        %dma_wait3A = arith.constant 0 : i32
        %dma_wait3A_719 = tpu.memref_slice %arg5[%dma_wait3A] : memref<16xf32, #tpu.memory_space<vmem>> -> memref<2xf32, #tpu.memory_space<vmem>>
        %dma_wait3A_720 = arith.constant 2684352 : i32
        %dma_wait3A_721 = tpu.memref_slice %arg2[%dma_wait3A_720] : memref<2684354xf32, #tpu.memory_space<hbm>> -> memref<2xf32, #tpu.memory_space<hbm>>
        %dma_wait3A_722 = arith.constant 0 : i32
        %dma_wait3A_723 = tpu.memref_slice %arg5[%dma_wait3A_722] : memref<16xf32, #tpu.memory_space<vmem>> -> memref<2xf32, #tpu.memory_space<vmem>>
        %dma_wait3A_724 = arith.constant 2684352 : i32
        %dma_wait3A_725 = tpu.memref_slice %arg2[%dma_wait3A_724] : memref<2684354xf32, #tpu.memory_space<hbm>> -> memref<2xf32, #tpu.memory_space<hbm>>
        tpu.wait_dma2 semaphore(%run_scoped3A : memref<!tpu.dma_semaphore, #tpu.memory_space<semaphore_mem>>) src(%dma_wait3A_725 : memref<2xf32, #tpu.memory_space<hbm>>) dst(%dma_wait3A_723 : memref<2xf32, #tpu.memory_space<vmem>>)
        tpu.yield
      }) : () -> ()
    } else {
    }
    %scan3A = arith.constant 0 : i32
    %scan3A_9 = arith.constant 0 : i32
    %scan3A_10 = arith.constant 5240 : i32
    %scan3A_11 = arith.addi %scan3A_9, %scan3A_10 : i32
    %scan3A_12 = arith.constant 4 : i32
    %scan3A_13 = scf.for %scan3A_712 = %scan3A_9 to %scan3A_11 step %scan3A_12 iter_args(%scan3A_713 = %scan3A) -> (i32)  : i32 {
      %iota3A_714 = tpu.iota {dimensions = array<i32: 0>} : vector<16xi32>
      %add3A_715 = arith.addi %mul3A_2, %scan3A_713 : i32
      %add3A_716 = vector.broadcast %add3A_715 : i32 to vector<16xi32>
      %add3A_717 = arith.addi %iota3A_714, %add3A_716 : vector<16xi32>
      %broadcast_in_dim3A_718 = arith.constant 0 : i32
      %broadcast_in_dim3A_719 = vector.broadcast %broadcast_in_dim3A_718 : i32 to vector<16xi32>
      %add3A_720 = arith.constant 42 : i32
      %add3A_721 = vector.broadcast %add3A_720 : i32 to vector<16xi32>
      %add3A_722 = arith.addi %add3A_717, %add3A_721 : vector<16xi32>
      %add3A_723 = arith.addi %broadcast_in_dim3A_719, %add3A_722 : vector<16xi32>
      %shift_left3A_724 = arith.constant 13 : i32
      %shift_left3A_725 = vector.broadcast %shift_left3A_724 : i32 to vector<16xi32>
      %shift_left3A_726 = arith.shli %add3A_722, %shift_left3A_725 : vector<16xi32>
      %shift_right_logical3A_727 = arith.constant 19 : i32
      %shift_right_logical3A_728 = vector.broadcast %shift_right_logical3A_727 : i32 to vector<16xi32>
      %shift_right_logical3A_729 = arith.shrui %add3A_722, %shift_right_logical3A_728 : vector<16xi32>
      %or3A_730 = arith.ori %shift_left3A_726, %shift_right_logical3A_729 : vector<16xi32>
      %xor3A_731 = arith.xori %or3A_730, %add3A_723 : vector<16xi32>
      %add3A_732 = arith.addi %add3A_723, %xor3A_731 : vector<16xi32>
      %shift_left3A_733 = arith.constant 15 : i32
      %shift_left3A_734 = vector.broadcast %shift_left3A_733 : i32 to vector<16xi32>
      %shift_left3A_735 = arith.shli %xor3A_731, %shift_left3A_734 : vector<16xi32>
      %shift_right_logical3A_736 = arith.constant 17 : i32
      %shift_right_logical3A_737 = vector.broadcast %shift_right_logical3A_736 : i32 to vector<16xi32>
      %shift_right_logical3A_738 = arith.shrui %xor3A_731, %shift_right_logical3A_737 : vector<16xi32>
      %or3A_739 = arith.ori %shift_left3A_735, %shift_right_logical3A_738 : vector<16xi32>
      %xor3A_740 = arith.xori %or3A_739, %add3A_732 : vector<16xi32>
      %add3A_741 = arith.addi %add3A_732, %xor3A_740 : vector<16xi32>
      %shift_left3A_742 = arith.constant 26 : i32
      %shift_left3A_743 = vector.broadcast %shift_left3A_742 : i32 to vector<16xi32>
      %shift_left3A_744 = arith.shli %xor3A_740, %shift_left3A_743 : vector<16xi32>
      %shift_right_logical3A_745 = arith.constant 6 : i32
      %shift_right_logical3A_746 = vector.broadcast %shift_right_logical3A_745 : i32 to vector<16xi32>
      %shift_right_logical3A_747 = arith.shrui %xor3A_740, %shift_right_logical3A_746 : vector<16xi32>
      %or3A_748 = arith.ori %shift_left3A_744, %shift_right_logical3A_747 : vector<16xi32>
      %xor3A_749 = arith.xori %or3A_748, %add3A_741 : vector<16xi32>
      %add3A_750 = arith.addi %add3A_741, %xor3A_749 : vector<16xi32>
      %shift_left3A_751 = arith.constant 6 : i32
      %shift_left3A_752 = vector.broadcast %shift_left3A_751 : i32 to vector<16xi32>
      %shift_left3A_753 = arith.shli %xor3A_749, %shift_left3A_752 : vector<16xi32>
      %shift_right_logical3A_754 = arith.constant 26 : i32
      %shift_right_logical3A_755 = vector.broadcast %shift_right_logical3A_754 : i32 to vector<16xi32>
      %shift_right_logical3A_756 = arith.shrui %xor3A_749, %shift_right_logical3A_755 : vector<16xi32>
      %or3A_757 = arith.ori %shift_left3A_753, %shift_right_logical3A_756 : vector<16xi32>
      %xor3A_758 = arith.xori %or3A_757, %add3A_750 : vector<16xi32>
      %add3A_759 = arith.constant 42 : i32
      %add3A_760 = vector.broadcast %add3A_759 : i32 to vector<16xi32>
      %add3A_761 = arith.addi %add3A_750, %add3A_760 : vector<16xi32>
      %add3A_762 = arith.constant 466689009 : i32
      %add3A_763 = vector.broadcast %add3A_762 : i32 to vector<16xi32>
      %add3A_764 = arith.addi %xor3A_758, %add3A_763 : vector<16xi32>
      %add3A_765 = arith.addi %add3A_761, %add3A_764 : vector<16xi32>
      %shift_left3A_766 = arith.constant 17 : i32
      %shift_left3A_767 = vector.broadcast %shift_left3A_766 : i32 to vector<16xi32>
      %shift_left3A_768 = arith.shli %add3A_764, %shift_left3A_767 : vector<16xi32>
      %shift_right_logical3A_769 = arith.constant 15 : i32
      %shift_right_logical3A_770 = vector.broadcast %shift_right_logical3A_769 : i32 to vector<16xi32>
      %shift_right_logical3A_771 = arith.shrui %add3A_764, %shift_right_logical3A_770 : vector<16xi32>
      %or3A_772 = arith.ori %shift_left3A_768, %shift_right_logical3A_771 : vector<16xi32>
      %xor3A_773 = arith.xori %or3A_772, %add3A_765 : vector<16xi32>
      %add3A_774 = arith.addi %add3A_765, %xor3A_773 : vector<16xi32>
      %shift_left3A_775 = arith.constant 29 : i32
      %shift_left3A_776 = vector.broadcast %shift_left3A_775 : i32 to vector<16xi32>
      %shift_left3A_777 = arith.shli %xor3A_773, %shift_left3A_776 : vector<16xi32>
      %shift_right_logical3A_778 = arith.constant 3 : i32
      %shift_right_logical3A_779 = vector.broadcast %shift_right_logical3A_778 : i32 to vector<16xi32>
      %shift_right_logical3A_780 = arith.shrui %xor3A_773, %shift_right_logical3A_779 : vector<16xi32>
      %or3A_781 = arith.ori %shift_left3A_777, %shift_right_logical3A_780 : vector<16xi32>
      %xor3A_782 = arith.xori %or3A_781, %add3A_774 : vector<16xi32>
      %add3A_783 = arith.addi %add3A_774, %xor3A_782 : vector<16xi32>
      %shift_left3A_784 = arith.constant 16 : i32
      %shift_left3A_785 = vector.broadcast %shift_left3A_784 : i32 to vector<16xi32>
      %shift_left3A_786 = arith.shli %xor3A_782, %shift_left3A_785 : vector<16xi32>
      %shift_right_logical3A_787 = arith.constant 16 : i32
      %shift_right_logical3A_788 = vector.broadcast %shift_right_logical3A_787 : i32 to vector<16xi32>
      %shift_right_logical3A_789 = arith.shrui %xor3A_782, %shift_right_logical3A_788 : vector<16xi32>
      %or3A_790 = arith.ori %shift_left3A_786, %shift_right_logical3A_789 : vector<16xi32>
      %xor3A_791 = arith.xori %or3A_790, %add3A_783 : vector<16xi32>
      %add3A_792 = arith.addi %add3A_783, %xor3A_791 : vector<16xi32>
      %shift_left3A_793 = arith.constant 24 : i32
      %shift_left3A_794 = vector.broadcast %shift_left3A_793 : i32 to vector<16xi32>
      %shift_left3A_795 = arith.shli %xor3A_791, %shift_left3A_794 : vector<16xi32>
      %shift_right_logical3A_796 = arith.constant 8 : i32
      %shift_right_logical3A_797 = vector.broadcast %shift_right_logical3A_796 : i32 to vector<16xi32>
      %shift_right_logical3A_798 = arith.shrui %xor3A_791, %shift_right_logical3A_797 : vector<16xi32>
      %or3A_799 = arith.ori %shift_left3A_795, %shift_right_logical3A_798 : vector<16xi32>
      %xor3A_800 = arith.xori %or3A_799, %add3A_792 : vector<16xi32>
      %add3A_801 = arith.constant 466689008 : i32
      %add3A_802 = vector.broadcast %add3A_801 : i32 to vector<16xi32>
      %add3A_803 = arith.addi %add3A_792, %add3A_802 : vector<16xi32>
      %add3A_804 = arith.constant 2 : i32
      %add3A_805 = vector.broadcast %add3A_804 : i32 to vector<16xi32>
      %add3A_806 = arith.addi %xor3A_800, %add3A_805 : vector<16xi32>
      %add3A_807 = arith.addi %add3A_803, %add3A_806 : vector<16xi32>
      %shift_left3A_808 = arith.constant 13 : i32
      %shift_left3A_809 = vector.broadcast %shift_left3A_808 : i32 to vector<16xi32>
      %shift_left3A_810 = arith.shli %add3A_806, %shift_left3A_809 : vector<16xi32>
      %shift_right_logical3A_811 = arith.constant 19 : i32
      %shift_right_logical3A_812 = vector.broadcast %shift_right_logical3A_811 : i32 to vector<16xi32>
      %shift_right_logical3A_813 = arith.shrui %add3A_806, %shift_right_logical3A_812 : vector<16xi32>
      %or3A_814 = arith.ori %shift_left3A_810, %shift_right_logical3A_813 : vector<16xi32>
      %xor3A_815 = arith.xori %or3A_814, %add3A_807 : vector<16xi32>
      %add3A_816 = arith.addi %add3A_807, %xor3A_815 : vector<16xi32>
      %shift_left3A_817 = arith.constant 15 : i32
      %shift_left3A_818 = vector.broadcast %shift_left3A_817 : i32 to vector<16xi32>
      %shift_left3A_819 = arith.shli %xor3A_815, %shift_left3A_818 : vector<16xi32>
      %shift_right_logical3A_820 = arith.constant 17 : i32
      %shift_right_logical3A_821 = vector.broadcast %shift_right_logical3A_820 : i32 to vector<16xi32>
      %shift_right_logical3A_822 = arith.shrui %xor3A_815, %shift_right_logical3A_821 : vector<16xi32>
      %or3A_823 = arith.ori %shift_left3A_819, %shift_right_logical3A_822 : vector<16xi32>
      %xor3A_824 = arith.xori %or3A_823, %add3A_816 : vector<16xi32>
      %add3A_825 = arith.addi %add3A_816, %xor3A_824 : vector<16xi32>
      %shift_left3A_826 = arith.constant 26 : i32
      %shift_left3A_827 = vector.broadcast %shift_left3A_826 : i32 to vector<16xi32>
      %shift_left3A_828 = arith.shli %xor3A_824, %shift_left3A_827 : vector<16xi32>
      %shift_right_logical3A_829 = arith.constant 6 : i32
      %shift_right_logical3A_830 = vector.broadcast %shift_right_logical3A_829 : i32 to vector<16xi32>
      %shift_right_logical3A_831 = arith.shrui %xor3A_824, %shift_right_logical3A_830 : vector<16xi32>
      %or3A_832 = arith.ori %shift_left3A_828, %shift_right_logical3A_831 : vector<16xi32>
      %xor3A_833 = arith.xori %or3A_832, %add3A_825 : vector<16xi32>
      %add3A_834 = arith.addi %add3A_825, %xor3A_833 : vector<16xi32>
      %shift_left3A_835 = arith.constant 6 : i32
      %shift_left3A_836 = vector.broadcast %shift_left3A_835 : i32 to vector<16xi32>
      %shift_left3A_837 = arith.shli %xor3A_833, %shift_left3A_836 : vector<16xi32>
      %shift_right_logical3A_838 = arith.constant 26 : i32
      %shift_right_logical3A_839 = vector.broadcast %shift_right_logical3A_838 : i32 to vector<16xi32>
      %shift_right_logical3A_840 = arith.shrui %xor3A_833, %shift_right_logical3A_839 : vector<16xi32>
      %or3A_841 = arith.ori %shift_left3A_837, %shift_right_logical3A_840 : vector<16xi32>
      %xor3A_842 = arith.xori %or3A_841, %add3A_834 : vector<16xi32>
      %add3A_843 = arith.constant 0 : i32
      %add3A_844 = vector.broadcast %add3A_843 : i32 to vector<16xi32>
      %add3A_845 = arith.addi %add3A_834, %add3A_844 : vector<16xi32>
      %add3A_846 = arith.constant 45 : i32
      %add3A_847 = vector.broadcast %add3A_846 : i32 to vector<16xi32>
      %add3A_848 = arith.addi %xor3A_842, %add3A_847 : vector<16xi32>
      %add3A_849 = arith.addi %add3A_845, %add3A_848 : vector<16xi32>
      %shift_left3A_850 = arith.constant 17 : i32
      %shift_left3A_851 = vector.broadcast %shift_left3A_850 : i32 to vector<16xi32>
      %shift_left3A_852 = arith.shli %add3A_848, %shift_left3A_851 : vector<16xi32>
      %shift_right_logical3A_853 = arith.constant 15 : i32
      %shift_right_logical3A_854 = vector.broadcast %shift_right_logical3A_853 : i32 to vector<16xi32>
      %shift_right_logical3A_855 = arith.shrui %add3A_848, %shift_right_logical3A_854 : vector<16xi32>
      %or3A_856 = arith.ori %shift_left3A_852, %shift_right_logical3A_855 : vector<16xi32>
      %xor3A_857 = arith.xori %or3A_856, %add3A_849 : vector<16xi32>
      %add3A_858 = arith.addi %add3A_849, %xor3A_857 : vector<16xi32>
      %shift_left3A_859 = arith.constant 29 : i32
      %shift_left3A_860 = vector.broadcast %shift_left3A_859 : i32 to vector<16xi32>
      %shift_left3A_861 = arith.shli %xor3A_857, %shift_left3A_860 : vector<16xi32>
      %shift_right_logical3A_862 = arith.constant 3 : i32
      %shift_right_logical3A_863 = vector.broadcast %shift_right_logical3A_862 : i32 to vector<16xi32>
      %shift_right_logical3A_864 = arith.shrui %xor3A_857, %shift_right_logical3A_863 : vector<16xi32>
      %or3A_865 = arith.ori %shift_left3A_861, %shift_right_logical3A_864 : vector<16xi32>
      %xor3A_866 = arith.xori %or3A_865, %add3A_858 : vector<16xi32>
      %add3A_867 = arith.addi %add3A_858, %xor3A_866 : vector<16xi32>
      %shift_left3A_868 = arith.constant 16 : i32
      %shift_left3A_869 = vector.broadcast %shift_left3A_868 : i32 to vector<16xi32>
      %shift_left3A_870 = arith.shli %xor3A_866, %shift_left3A_869 : vector<16xi32>
      %shift_right_logical3A_871 = arith.constant 16 : i32
      %shift_right_logical3A_872 = vector.broadcast %shift_right_logical3A_871 : i32 to vector<16xi32>
      %shift_right_logical3A_873 = arith.shrui %xor3A_866, %shift_right_logical3A_872 : vector<16xi32>
      %or3A_874 = arith.ori %shift_left3A_870, %shift_right_logical3A_873 : vector<16xi32>
      %xor3A_875 = arith.xori %or3A_874, %add3A_867 : vector<16xi32>
      %add3A_876 = arith.addi %add3A_867, %xor3A_875 : vector<16xi32>
      %shift_left3A_877 = arith.constant 24 : i32
      %shift_left3A_878 = vector.broadcast %shift_left3A_877 : i32 to vector<16xi32>
      %shift_left3A_879 = arith.shli %xor3A_875, %shift_left3A_878 : vector<16xi32>
      %shift_right_logical3A_880 = arith.constant 8 : i32
      %shift_right_logical3A_881 = vector.broadcast %shift_right_logical3A_880 : i32 to vector<16xi32>
      %shift_right_logical3A_882 = arith.shrui %xor3A_875, %shift_right_logical3A_881 : vector<16xi32>
      %or3A_883 = arith.ori %shift_left3A_879, %shift_right_logical3A_882 : vector<16xi32>
      %xor3A_884 = arith.xori %or3A_883, %add3A_876 : vector<16xi32>
      %add3A_885 = arith.constant 42 : i32
      %add3A_886 = vector.broadcast %add3A_885 : i32 to vector<16xi32>
      %add3A_887 = arith.addi %add3A_876, %add3A_886 : vector<16xi32>
      %add3A_888 = arith.constant 466689012 : i32
      %add3A_889 = vector.broadcast %add3A_888 : i32 to vector<16xi32>
      %add3A_890 = arith.addi %xor3A_884, %add3A_889 : vector<16xi32>
      %add3A_891 = arith.addi %add3A_887, %add3A_890 : vector<16xi32>
      %shift_left3A_892 = arith.constant 13 : i32
      %shift_left3A_893 = vector.broadcast %shift_left3A_892 : i32 to vector<16xi32>
      %shift_left3A_894 = arith.shli %add3A_890, %shift_left3A_893 : vector<16xi32>
      %shift_right_logical3A_895 = arith.constant 19 : i32
      %shift_right_logical3A_896 = vector.broadcast %shift_right_logical3A_895 : i32 to vector<16xi32>
      %shift_right_logical3A_897 = arith.shrui %add3A_890, %shift_right_logical3A_896 : vector<16xi32>
      %or3A_898 = arith.ori %shift_left3A_894, %shift_right_logical3A_897 : vector<16xi32>
      %xor3A_899 = arith.xori %or3A_898, %add3A_891 : vector<16xi32>
      %add3A_900 = arith.addi %add3A_891, %xor3A_899 : vector<16xi32>
      %shift_left3A_901 = arith.constant 15 : i32
      %shift_left3A_902 = vector.broadcast %shift_left3A_901 : i32 to vector<16xi32>
      %shift_left3A_903 = arith.shli %xor3A_899, %shift_left3A_902 : vector<16xi32>
      %shift_right_logical3A_904 = arith.constant 17 : i32
      %shift_right_logical3A_905 = vector.broadcast %shift_right_logical3A_904 : i32 to vector<16xi32>
      %shift_right_logical3A_906 = arith.shrui %xor3A_899, %shift_right_logical3A_905 : vector<16xi32>
      %or3A_907 = arith.ori %shift_left3A_903, %shift_right_logical3A_906 : vector<16xi32>
      %xor3A_908 = arith.xori %or3A_907, %add3A_900 : vector<16xi32>
      %add3A_909 = arith.addi %add3A_900, %xor3A_908 : vector<16xi32>
      %shift_left3A_910 = arith.constant 26 : i32
      %shift_left3A_911 = vector.broadcast %shift_left3A_910 : i32 to vector<16xi32>
      %shift_left3A_912 = arith.shli %xor3A_908, %shift_left3A_911 : vector<16xi32>
      %shift_right_logical3A_913 = arith.constant 6 : i32
      %shift_right_logical3A_914 = vector.broadcast %shift_right_logical3A_913 : i32 to vector<16xi32>
      %shift_right_logical3A_915 = arith.shrui %xor3A_908, %shift_right_logical3A_914 : vector<16xi32>
      %or3A_916 = arith.ori %shift_left3A_912, %shift_right_logical3A_915 : vector<16xi32>
      %xor3A_917 = arith.xori %or3A_916, %add3A_909 : vector<16xi32>
      %add3A_918 = arith.addi %add3A_909, %xor3A_917 : vector<16xi32>
      %add3A_919 = arith.constant 466689008 : i32
      %add3A_920 = vector.broadcast %add3A_919 : i32 to vector<16xi32>
      %add3A_921 = arith.addi %add3A_918, %add3A_920 : vector<16xi32>
      %shift_right_logical3A_922 = arith.constant 31 : i32
      %shift_right_logical3A_923 = vector.broadcast %shift_right_logical3A_922 : i32 to vector<16xi32>
      %shift_right_logical3A_924 = arith.shrui %add3A_921, %shift_right_logical3A_923 : vector<16xi32>
      %eq3A_925 = arith.constant 0 : i32
      %eq3A_926 = vector.broadcast %eq3A_925 : i32 to vector<16xi32>
      %eq3A_927 = arith.cmpi eq, %shift_right_logical3A_924, %eq3A_926 : vector<16xi32>
      %get3A_928 = arith.index_cast %scan3A_713 : i32 to index
      %get3A_929 = tpu.vector_load %arg4[%get3A_928] {strides = array<i32>} : memref<83888xf32, #tpu.memory_space<vmem>>, vector<16xf32>,
      %get3A_930 = vector.shape_cast %get3A_929 : vector<16xf32> to vector<16xf32>
      %mul3A_931 = arith.constant 2.000000e+00 : f32
      %mul3A_932 = vector.broadcast %mul3A_931 : f32 to vector<16xf32>
      %mul3A_933 = arith.mulf %get3A_930, %mul3A_932 : vector<16xf32>
      %jit3A_934 = arith.constant 0.000000e+00 : f64
      %convert_element_type3A_935 = arith.truncf %jit3A_934 : f64 to f32
      %broadcast_in_dim3A_936 = vector.broadcast %convert_element_type3A_935 : f32 to vector<16xf32>
      %select_n3A_937 = arith.select %eq3A_927, %mul3A_933, %broadcast_in_dim3A_936 : vector<16xi1>, vector<16xf32>
      %swap3A_938 = arith.index_cast %scan3A_713 : i32 to index
      %swap3A_939 = tpu.vector_load %arg4[%swap3A_938] {strides = array<i32>} : memref<83888xf32, #tpu.memory_space<vmem>>, vector<16xf32>,
      %swap3A_940 = vector.shape_cast %swap3A_939 : vector<16xf32> to vector<16xf32>
      %swap3A_941 = vector.shape_cast %select_n3A_937 : vector<16xf32> to vector<16xf32>
      tpu.vector_store %arg4[%swap3A_938], %swap3A_941 {strides = array<i32>} : memref<83888xf32, #tpu.memory_space<vmem>>, vector<16xf32>,
      %add3A_942 = arith.constant 16 : i32
      %add3A_943 = arith.addi %scan3A_713, %add3A_942 : i32
      %scan3A_944 = arith.constant 1 : i32
      %scan3A_945 = arith.addi %scan3A_712, %scan3A_944 : i32
      %iota3A_946 = tpu.iota {dimensions = array<i32: 0>} : vector<16xi32>
      %add3A_947 = arith.addi %mul3A_2, %add3A_943 : i32
      %add3A_948 = vector.broadcast %add3A_947 : i32 to vector<16xi32>
      %add3A_949 = arith.addi %iota3A_946, %add3A_948 : vector<16xi32>
      %broadcast_in_dim3A_950 = arith.constant 0 : i32
      %broadcast_in_dim3A_951 = vector.broadcast %broadcast_in_dim3A_950 : i32 to vector<16xi32>
      %add3A_952 = arith.constant 42 : i32
      %add3A_953 = vector.broadcast %add3A_952 : i32 to vector<16xi32>
      %add3A_954 = arith.addi %add3A_949, %add3A_953 : vector<16xi32>
      %add3A_955 = arith.addi %broadcast_in_dim3A_951, %add3A_954 : vector<16xi32>
      %shift_left3A_956 = arith.constant 13 : i32
      %shift_left3A_957 = vector.broadcast %shift_left3A_956 : i32 to vector<16xi32>
      %shift_left3A_958 = arith.shli %add3A_954, %shift_left3A_957 : vector<16xi32>
      %shift_right_logical3A_959 = arith.constant 19 : i32
      %shift_right_logical3A_960 = vector.broadcast %shift_right_logical3A_959 : i32 to vector<16xi32>
      %shift_right_logical3A_961 = arith.shrui %add3A_954, %shift_right_logical3A_960 : vector<16xi32>
      %or3A_962 = arith.ori %shift_left3A_958, %shift_right_logical3A_961 : vector<16xi32>
      %xor3A_963 = arith.xori %or3A_962, %add3A_955 : vector<16xi32>
      %add3A_964 = arith.addi %add3A_955, %xor3A_963 : vector<16xi32>
      %shift_left3A_965 = arith.constant 15 : i32
      %shift_left3A_966 = vector.broadcast %shift_left3A_965 : i32 to vector<16xi32>
      %shift_left3A_967 = arith.shli %xor3A_963, %shift_left3A_966 : vector<16xi32>
      %shift_right_logical3A_968 = arith.constant 17 : i32
      %shift_right_logical3A_969 = vector.broadcast %shift_right_logical3A_968 : i32 to vector<16xi32>
      %shift_right_logical3A_970 = arith.shrui %xor3A_963, %shift_right_logical3A_969 : vector<16xi32>
      %or3A_971 = arith.ori %shift_left3A_967, %shift_right_logical3A_970 : vector<16xi32>
      %xor3A_972 = arith.xori %or3A_971, %add3A_964 : vector<16xi32>
      %add3A_973 = arith.addi %add3A_964, %xor3A_972 : vector<16xi32>
      %shift_left3A_974 = arith.constant 26 : i32
      %shift_left3A_975 = vector.broadcast %shift_left3A_974 : i32 to vector<16xi32>
      %shift_left3A_976 = arith.shli %xor3A_972, %shift_left3A_975 : vector<16xi32>
      %shift_right_logical3A_977 = arith.constant 6 : i32
      %shift_right_logical3A_978 = vector.broadcast %shift_right_logical3A_977 : i32 to vector<16xi32>
      %shift_right_logical3A_979 = arith.shrui %xor3A_972, %shift_right_logical3A_978 : vector<16xi32>
      %or3A_980 = arith.ori %shift_left3A_976, %shift_right_logical3A_979 : vector<16xi32>
      %xor3A_981 = arith.xori %or3A_980, %add3A_973 : vector<16xi32>
      %add3A_982 = arith.addi %add3A_973, %xor3A_981 : vector<16xi32>
      %shift_left3A_983 = arith.constant 6 : i32
      %shift_left3A_984 = vector.broadcast %shift_left3A_983 : i32 to vector<16xi32>
      %shift_left3A_985 = arith.shli %xor3A_981, %shift_left3A_984 : vector<16xi32>
      %shift_right_logical3A_986 = arith.constant 26 : i32
      %shift_right_logical3A_987 = vector.broadcast %shift_right_logical3A_986 : i32 to vector<16xi32>
      %shift_right_logical3A_988 = arith.shrui %xor3A_981, %shift_right_logical3A_987 : vector<16xi32>
      %or3A_989 = arith.ori %shift_left3A_985, %shift_right_logical3A_988 : vector<16xi32>
      %xor3A_990 = arith.xori %or3A_989, %add3A_982 : vector<16xi32>
      %add3A_991 = arith.constant 42 : i32
      %add3A_992 = vector.broadcast %add3A_991 : i32 to vector<16xi32>
      %add3A_993 = arith.addi %add3A_982, %add3A_992 : vector<16xi32>
      %add3A_994 = arith.constant 466689009 : i32
      %add3A_995 = vector.broadcast %add3A_994 : i32 to vector<16xi32>
      %add3A_996 = arith.addi %xor3A_990, %add3A_995 : vector<16xi32>
      %add3A_997 = arith.addi %add3A_993, %add3A_996 : vector<16xi32>
      %shift_left3A_998 = arith.constant 17 : i32
      %shift_left3A_999 = vector.broadcast %shift_left3A_998 : i32 to vector<16xi32>
      %shift_left3A_1000 = arith.shli %add3A_996, %shift_left3A_999 : vector<16xi32>
      %shift_right_logical3A_1001 = arith.constant 15 : i32
      %shift_right_logical3A_1002 = vector.broadcast %shift_right_logical3A_1001 : i32 to vector<16xi32>
      %shift_right_logical3A_1003 = arith.shrui %add3A_996, %shift_right_logical3A_1002 : vector<16xi32>
      %or3A_1004 = arith.ori %shift_left3A_1000, %shift_right_logical3A_1003 : vector<16xi32>
      %xor3A_1005 = arith.xori %or3A_1004, %add3A_997 : vector<16xi32>
      %add3A_1006 = arith.addi %add3A_997, %xor3A_1005 : vector<16xi32>
      %shift_left3A_1007 = arith.constant 29 : i32
      %shift_left3A_1008 = vector.broadcast %shift_left3A_1007 : i32 to vector<16xi32>
      %shift_left3A_1009 = arith.shli %xor3A_1005, %shift_left3A_1008 : vector<16xi32>
      %shift_right_logical3A_1010 = arith.constant 3 : i32
      %shift_right_logical3A_1011 = vector.broadcast %shift_right_logical3A_1010 : i32 to vector<16xi32>
      %shift_right_logical3A_1012 = arith.shrui %xor3A_1005, %shift_right_logical3A_1011 : vector<16xi32>
      %or3A_1013 = arith.ori %shift_left3A_1009, %shift_right_logical3A_1012 : vector<16xi32>
      %xor3A_1014 = arith.xori %or3A_1013, %add3A_1006 : vector<16xi32>
      %add3A_1015 = arith.addi %add3A_1006, %xor3A_1014 : vector<16xi32>
      %shift_left3A_1016 = arith.constant 16 : i32
      %shift_left3A_1017 = vector.broadcast %shift_left3A_1016 : i32 to vector<16xi32>
      %shift_left3A_1018 = arith.shli %xor3A_1014, %shift_left3A_1017 : vector<16xi32>
      %shift_right_logical3A_1019 = arith.constant 16 : i32
      %shift_right_logical3A_1020 = vector.broadcast %shift_right_logical3A_1019 : i32 to vector<16xi32>
      %shift_right_logical3A_1021 = arith.shrui %xor3A_1014, %shift_right_logical3A_1020 : vector<16xi32>
      %or3A_1022 = arith.ori %shift_left3A_1018, %shift_right_logical3A_1021 : vector<16xi32>
      %xor3A_1023 = arith.xori %or3A_1022, %add3A_1015 : vector<16xi32>
      %add3A_1024 = arith.addi %add3A_1015, %xor3A_1023 : vector<16xi32>
      %shift_left3A_1025 = arith.constant 24 : i32
      %shift_left3A_1026 = vector.broadcast %shift_left3A_1025 : i32 to vector<16xi32>
      %shift_left3A_1027 = arith.shli %xor3A_1023, %shift_left3A_1026 : vector<16xi32>
      %shift_right_logical3A_1028 = arith.constant 8 : i32
      %shift_right_logical3A_1029 = vector.broadcast %shift_right_logical3A_1028 : i32 to vector<16xi32>
      %shift_right_logical3A_1030 = arith.shrui %xor3A_1023, %shift_right_logical3A_1029 : vector<16xi32>
      %or3A_1031 = arith.ori %shift_left3A_1027, %shift_right_logical3A_1030 : vector<16xi32>
      %xor3A_1032 = arith.xori %or3A_1031, %add3A_1024 : vector<16xi32>
      %add3A_1033 = arith.constant 466689008 : i32
      %add3A_1034 = vector.broadcast %add3A_1033 : i32 to vector<16xi32>
      %add3A_1035 = arith.addi %add3A_1024, %add3A_1034 : vector<16xi32>
      %add3A_1036 = arith.constant 2 : i32
      %add3A_1037 = vector.broadcast %add3A_1036 : i32 to vector<16xi32>
      %add3A_1038 = arith.addi %xor3A_1032, %add3A_1037 : vector<16xi32>
      %add3A_1039 = arith.addi %add3A_1035, %add3A_1038 : vector<16xi32>
      %shift_left3A_1040 = arith.constant 13 : i32
      %shift_left3A_1041 = vector.broadcast %shift_left3A_1040 : i32 to vector<16xi32>
      %shift_left3A_1042 = arith.shli %add3A_1038, %shift_left3A_1041 : vector<16xi32>
      %shift_right_logical3A_1043 = arith.constant 19 : i32
      %shift_right_logical3A_1044 = vector.broadcast %shift_right_logical3A_1043 : i32 to vector<16xi32>
      %shift_right_logical3A_1045 = arith.shrui %add3A_1038, %shift_right_logical3A_1044 : vector<16xi32>
      %or3A_1046 = arith.ori %shift_left3A_1042, %shift_right_logical3A_1045 : vector<16xi32>
      %xor3A_1047 = arith.xori %or3A_1046, %add3A_1039 : vector<16xi32>
      %add3A_1048 = arith.addi %add3A_1039, %xor3A_1047 : vector<16xi32>
      %shift_left3A_1049 = arith.constant 15 : i32
      %shift_left3A_1050 = vector.broadcast %shift_left3A_1049 : i32 to vector<16xi32>
      %shift_left3A_1051 = arith.shli %xor3A_1047, %shift_left3A_1050 : vector<16xi32>
      %shift_right_logical3A_1052 = arith.constant 17 : i32
      %shift_right_logical3A_1053 = vector.broadcast %shift_right_logical3A_1052 : i32 to vector<16xi32>
      %shift_right_logical3A_1054 = arith.shrui %xor3A_1047, %shift_right_logical3A_1053 : vector<16xi32>
      %or3A_1055 = arith.ori %shift_left3A_1051, %shift_right_logical3A_1054 : vector<16xi32>
      %xor3A_1056 = arith.xori %or3A_1055, %add3A_1048 : vector<16xi32>
      %add3A_1057 = arith.addi %add3A_1048, %xor3A_1056 : vector<16xi32>
      %shift_left3A_1058 = arith.constant 26 : i32
      %shift_left3A_1059 = vector.broadcast %shift_left3A_1058 : i32 to vector<16xi32>
      %shift_left3A_1060 = arith.shli %xor3A_1056, %shift_left3A_1059 : vector<16xi32>
      %shift_right_logical3A_1061 = arith.constant 6 : i32
      %shift_right_logical3A_1062 = vector.broadcast %shift_right_logical3A_1061 : i32 to vector<16xi32>
      %shift_right_logical3A_1063 = arith.shrui %xor3A_1056, %shift_right_logical3A_1062 : vector<16xi32>
      %or3A_1064 = arith.ori %shift_left3A_1060, %shift_right_logical3A_1063 : vector<16xi32>
      %xor3A_1065 = arith.xori %or3A_1064, %add3A_1057 : vector<16xi32>
      %add3A_1066 = arith.addi %add3A_1057, %xor3A_1065 : vector<16xi32>
      %shift_left3A_1067 = arith.constant 6 : i32
      %shift_left3A_1068 = vector.broadcast %shift_left3A_1067 : i32 to vector<16xi32>
      %shift_left3A_1069 = arith.shli %xor3A_1065, %shift_left3A_1068 : vector<16xi32>
      %shift_right_logical3A_1070 = arith.constant 26 : i32
      %shift_right_logical3A_1071 = vector.broadcast %shift_right_logical3A_1070 : i32 to vector<16xi32>
      %shift_right_logical3A_1072 = arith.shrui %xor3A_1065, %shift_right_logical3A_1071 : vector<16xi32>
      %or3A_1073 = arith.ori %shift_left3A_1069, %shift_right_logical3A_1072 : vector<16xi32>
      %xor3A_1074 = arith.xori %or3A_1073, %add3A_1066 : vector<16xi32>
      %add3A_1075 = arith.constant 0 : i32
      %add3A_1076 = vector.broadcast %add3A_1075 : i32 to vector<16xi32>
      %add3A_1077 = arith.addi %add3A_1066, %add3A_1076 : vector<16xi32>
      %add3A_1078 = arith.constant 45 : i32
      %add3A_1079 = vector.broadcast %add3A_1078 : i32 to vector<16xi32>
      %add3A_1080 = arith.addi %xor3A_1074, %add3A_1079 : vector<16xi32>
      %add3A_1081 = arith.addi %add3A_1077, %add3A_1080 : vector<16xi32>
      %shift_left3A_1082 = arith.constant 17 : i32
      %shift_left3A_1083 = vector.broadcast %shift_left3A_1082 : i32 to vector<16xi32>
      %shift_left3A_1084 = arith.shli %add3A_1080, %shift_left3A_1083 : vector<16xi32>
      %shift_right_logical3A_1085 = arith.constant 15 : i32
      %shift_right_logical3A_1086 = vector.broadcast %shift_right_logical3A_1085 : i32 to vector<16xi32>
      %shift_right_logical3A_1087 = arith.shrui %add3A_1080, %shift_right_logical3A_1086 : vector<16xi32>
      %or3A_1088 = arith.ori %shift_left3A_1084, %shift_right_logical3A_1087 : vector<16xi32>
      %xor3A_1089 = arith.xori %or3A_1088, %add3A_1081 : vector<16xi32>
      %add3A_1090 = arith.addi %add3A_1081, %xor3A_1089 : vector<16xi32>
      %shift_left3A_1091 = arith.constant 29 : i32
      %shift_left3A_1092 = vector.broadcast %shift_left3A_1091 : i32 to vector<16xi32>
      %shift_left3A_1093 = arith.shli %xor3A_1089, %shift_left3A_1092 : vector<16xi32>
      %shift_right_logical3A_1094 = arith.constant 3 : i32
      %shift_right_logical3A_1095 = vector.broadcast %shift_right_logical3A_1094 : i32 to vector<16xi32>
      %shift_right_logical3A_1096 = arith.shrui %xor3A_1089, %shift_right_logical3A_1095 : vector<16xi32>
      %or3A_1097 = arith.ori %shift_left3A_1093, %shift_right_logical3A_1096 : vector<16xi32>
      %xor3A_1098 = arith.xori %or3A_1097, %add3A_1090 : vector<16xi32>
      %add3A_1099 = arith.addi %add3A_1090, %xor3A_1098 : vector<16xi32>
      %shift_left3A_1100 = arith.constant 16 : i32
      %shift_left3A_1101 = vector.broadcast %shift_left3A_1100 : i32 to vector<16xi32>
      %shift_left3A_1102 = arith.shli %xor3A_1098, %shift_left3A_1101 : vector<16xi32>
      %shift_right_logical3A_1103 = arith.constant 16 : i32
      %shift_right_logical3A_1104 = vector.broadcast %shift_right_logical3A_1103 : i32 to vector<16xi32>
      %shift_right_logical3A_1105 = arith.shrui %xor3A_1098, %shift_right_logical3A_1104 : vector<16xi32>
      %or3A_1106 = arith.ori %shift_left3A_1102, %shift_right_logical3A_1105 : vector<16xi32>
      %xor3A_1107 = arith.xori %or3A_1106, %add3A_1099 : vector<16xi32>
      %add3A_1108 = arith.addi %add3A_1099, %xor3A_1107 : vector<16xi32>
      %shift_left3A_1109 = arith.constant 24 : i32
      %shift_left3A_1110 = vector.broadcast %shift_left3A_1109 : i32 to vector<16xi32>
      %shift_left3A_1111 = arith.shli %xor3A_1107, %shift_left3A_1110 : vector<16xi32>
      %shift_right_logical3A_1112 = arith.constant 8 : i32
      %shift_right_logical3A_1113 = vector.broadcast %shift_right_logical3A_1112 : i32 to vector<16xi32>
      %shift_right_logical3A_1114 = arith.shrui %xor3A_1107, %shift_right_logical3A_1113 : vector<16xi32>
      %or3A_1115 = arith.ori %shift_left3A_1111, %shift_right_logical3A_1114 : vector<16xi32>
      %xor3A_1116 = arith.xori %or3A_1115, %add3A_1108 : vector<16xi32>
      %add3A_1117 = arith.constant 42 : i32
      %add3A_1118 = vector.broadcast %add3A_1117 : i32 to vector<16xi32>
      %add3A_1119 = arith.addi %add3A_1108, %add3A_1118 : vector<16xi32>
      %add3A_1120 = arith.constant 466689012 : i32
      %add3A_1121 = vector.broadcast %add3A_1120 : i32 to vector<16xi32>
      %add3A_1122 = arith.addi %xor3A_1116, %add3A_1121 : vector<16xi32>
      %add3A_1123 = arith.addi %add3A_1119, %add3A_1122 : vector<16xi32>
      %shift_left3A_1124 = arith.constant 13 : i32
      %shift_left3A_1125 = vector.broadcast %shift_left3A_1124 : i32 to vector<16xi32>
      %shift_left3A_1126 = arith.shli %add3A_1122, %shift_left3A_1125 : vector<16xi32>
      %shift_right_logical3A_1127 = arith.constant 19 : i32
      %shift_right_logical3A_1128 = vector.broadcast %shift_right_logical3A_1127 : i32 to vector<16xi32>
      %shift_right_logical3A_1129 = arith.shrui %add3A_1122, %shift_right_logical3A_1128 : vector<16xi32>
      %or3A_1130 = arith.ori %shift_left3A_1126, %shift_right_logical3A_1129 : vector<16xi32>
      %xor3A_1131 = arith.xori %or3A_1130, %add3A_1123 : vector<16xi32>
      %add3A_1132 = arith.addi %add3A_1123, %xor3A_1131 : vector<16xi32>
      %shift_left3A_1133 = arith.constant 15 : i32
      %shift_left3A_1134 = vector.broadcast %shift_left3A_1133 : i32 to vector<16xi32>
      %shift_left3A_1135 = arith.shli %xor3A_1131, %shift_left3A_1134 : vector<16xi32>
      %shift_right_logical3A_1136 = arith.constant 17 : i32
      %shift_right_logical3A_1137 = vector.broadcast %shift_right_logical3A_1136 : i32 to vector<16xi32>
      %shift_right_logical3A_1138 = arith.shrui %xor3A_1131, %shift_right_logical3A_1137 : vector<16xi32>
      %or3A_1139 = arith.ori %shift_left3A_1135, %shift_right_logical3A_1138 : vector<16xi32>
      %xor3A_1140 = arith.xori %or3A_1139, %add3A_1132 : vector<16xi32>
      %add3A_1141 = arith.addi %add3A_1132, %xor3A_1140 : vector<16xi32>
      %shift_left3A_1142 = arith.constant 26 : i32
      %shift_left3A_1143 = vector.broadcast %shift_left3A_1142 : i32 to vector<16xi32>
      %shift_left3A_1144 = arith.shli %xor3A_1140, %shift_left3A_1143 : vector<16xi32>
      %shift_right_logical3A_1145 = arith.constant 6 : i32
      %shift_right_logical3A_1146 = vector.broadcast %shift_right_logical3A_1145 : i32 to vector<16xi32>
      %shift_right_logical3A_1147 = arith.shrui %xor3A_1140, %shift_right_logical3A_1146 : vector<16xi32>
      %or3A_1148 = arith.ori %shift_left3A_1144, %shift_right_logical3A_1147 : vector<16xi32>
      %xor3A_1149 = arith.xori %or3A_1148, %add3A_1141 : vector<16xi32>
      %add3A_1150 = arith.addi %add3A_1141, %xor3A_1149 : vector<16xi32>
      %add3A_1151 = arith.constant 466689008 : i32
      %add3A_1152 = vector.broadcast %add3A_1151 : i32 to vector<16xi32>
      %add3A_1153 = arith.addi %add3A_1150, %add3A_1152 : vector<16xi32>
      %shift_right_logical3A_1154 = arith.constant 31 : i32
      %shift_right_logical3A_1155 = vector.broadcast %shift_right_logical3A_1154 : i32 to vector<16xi32>
      %shift_right_logical3A_1156 = arith.shrui %add3A_1153, %shift_right_logical3A_1155 : vector<16xi32>
      %eq3A_1157 = arith.constant 0 : i32
      %eq3A_1158 = vector.broadcast %eq3A_1157 : i32 to vector<16xi32>
      %eq3A_1159 = arith.cmpi eq, %shift_right_logical3A_1156, %eq3A_1158 : vector<16xi32>
      %get3A_1160 = arith.index_cast %add3A_943 : i32 to index
      %get3A_1161 = tpu.vector_load %arg4[%get3A_1160] {strides = array<i32>} : memref<83888xf32, #tpu.memory_space<vmem>>, vector<16xf32>,
      %get3A_1162 = vector.shape_cast %get3A_1161 : vector<16xf32> to vector<16xf32>
      %mul3A_1163 = arith.constant 2.000000e+00 : f32
      %mul3A_1164 = vector.broadcast %mul3A_1163 : f32 to vector<16xf32>
      %mul3A_1165 = arith.mulf %get3A_1162, %mul3A_1164 : vector<16xf32>
      %jit3A_1166 = arith.constant 0.000000e+00 : f64
      %convert_element_type3A_1167 = arith.truncf %jit3A_1166 : f64 to f32
      %broadcast_in_dim3A_1168 = vector.broadcast %convert_element_type3A_1167 : f32 to vector<16xf32>
      %select_n3A_1169 = arith.select %eq3A_1159, %mul3A_1165, %broadcast_in_dim3A_1168 : vector<16xi1>, vector<16xf32>
      %swap3A_1170 = arith.index_cast %add3A_943 : i32 to index
      %swap3A_1171 = tpu.vector_load %arg4[%swap3A_1170] {strides = array<i32>} : memref<83888xf32, #tpu.memory_space<vmem>>, vector<16xf32>,
      %swap3A_1172 = vector.shape_cast %swap3A_1171 : vector<16xf32> to vector<16xf32>
      %swap3A_1173 = vector.shape_cast %select_n3A_1169 : vector<16xf32> to vector<16xf32>
      tpu.vector_store %arg4[%swap3A_1170], %swap3A_1173 {strides = array<i32>} : memref<83888xf32, #tpu.memory_space<vmem>>, vector<16xf32>,
      %add3A_1174 = arith.constant 16 : i32
      %add3A_1175 = arith.addi %add3A_943, %add3A_1174 : i32
      %scan3A_1176 = arith.constant 2 : i32
      %scan3A_1177 = arith.addi %scan3A_712, %scan3A_1176 : i32
      %iota3A_1178 = tpu.iota {dimensions = array<i32: 0>} : vector<16xi32>
      %add3A_1179 = arith.addi %mul3A_2, %add3A_1175 : i32
      %add3A_1180 = vector.broadcast %add3A_1179 : i32 to vector<16xi32>
      %add3A_1181 = arith.addi %iota3A_1178, %add3A_1180 : vector<16xi32>
      %broadcast_in_dim3A_1182 = arith.constant 0 : i32
      %broadcast_in_dim3A_1183 = vector.broadcast %broadcast_in_dim3A_1182 : i32 to vector<16xi32>
      %add3A_1184 = arith.constant 42 : i32
      %add3A_1185 = vector.broadcast %add3A_1184 : i32 to vector<16xi32>
      %add3A_1186 = arith.addi %add3A_1181, %add3A_1185 : vector<16xi32>
      %add3A_1187 = arith.addi %broadcast_in_dim3A_1183, %add3A_1186 : vector<16xi32>
      %shift_left3A_1188 = arith.constant 13 : i32
      %shift_left3A_1189 = vector.broadcast %shift_left3A_1188 : i32 to vector<16xi32>
      %shift_left3A_1190 = arith.shli %add3A_1186, %shift_left3A_1189 : vector<16xi32>
      %shift_right_logical3A_1191 = arith.constant 19 : i32
      %shift_right_logical3A_1192 = vector.broadcast %shift_right_logical3A_1191 : i32 to vector<16xi32>
      %shift_right_logical3A_1193 = arith.shrui %add3A_1186, %shift_right_logical3A_1192 : vector<16xi32>
      %or3A_1194 = arith.ori %shift_left3A_1190, %shift_right_logical3A_1193 : vector<16xi32>
      %xor3A_1195 = arith.xori %or3A_1194, %add3A_1187 : vector<16xi32>
      %add3A_1196 = arith.addi %add3A_1187, %xor3A_1195 : vector<16xi32>
      %shift_left3A_1197 = arith.constant 15 : i32
      %shift_left3A_1198 = vector.broadcast %shift_left3A_1197 : i32 to vector<16xi32>
      %shift_left3A_1199 = arith.shli %xor3A_1195, %shift_left3A_1198 : vector<16xi32>
      %shift_right_logical3A_1200 = arith.constant 17 : i32
      %shift_right_logical3A_1201 = vector.broadcast %shift_right_logical3A_1200 : i32 to vector<16xi32>
      %shift_right_logical3A_1202 = arith.shrui %xor3A_1195, %shift_right_logical3A_1201 : vector<16xi32>
      %or3A_1203 = arith.ori %shift_left3A_1199, %shift_right_logical3A_1202 : vector<16xi32>
      %xor3A_1204 = arith.xori %or3A_1203, %add3A_1196 : vector<16xi32>
      %add3A_1205 = arith.addi %add3A_1196, %xor3A_1204 : vector<16xi32>
      %shift_left3A_1206 = arith.constant 26 : i32
      %shift_left3A_1207 = vector.broadcast %shift_left3A_1206 : i32 to vector<16xi32>
      %shift_left3A_1208 = arith.shli %xor3A_1204, %shift_left3A_1207 : vector<16xi32>
      %shift_right_logical3A_1209 = arith.constant 6 : i32
      %shift_right_logical3A_1210 = vector.broadcast %shift_right_logical3A_1209 : i32 to vector<16xi32>
      %shift_right_logical3A_1211 = arith.shrui %xor3A_1204, %shift_right_logical3A_1210 : vector<16xi32>
      %or3A_1212 = arith.ori %shift_left3A_1208, %shift_right_logical3A_1211 : vector<16xi32>
      %xor3A_1213 = arith.xori %or3A_1212, %add3A_1205 : vector<16xi32>
      %add3A_1214 = arith.addi %add3A_1205, %xor3A_1213 : vector<16xi32>
      %shift_left3A_1215 = arith.constant 6 : i32
      %shift_left3A_1216 = vector.broadcast %shift_left3A_1215 : i32 to vector<16xi32>
      %shift_left3A_1217 = arith.shli %xor3A_1213, %shift_left3A_1216 : vector<16xi32>
      %shift_right_logical3A_1218 = arith.constant 26 : i32
      %shift_right_logical3A_1219 = vector.broadcast %shift_right_logical3A_1218 : i32 to vector<16xi32>
      %shift_right_logical3A_1220 = arith.shrui %xor3A_1213, %shift_right_logical3A_1219 : vector<16xi32>
      %or3A_1221 = arith.ori %shift_left3A_1217, %shift_right_logical3A_1220 : vector<16xi32>
      %xor3A_1222 = arith.xori %or3A_1221, %add3A_1214 : vector<16xi32>
      %add3A_1223 = arith.constant 42 : i32
      %add3A_1224 = vector.broadcast %add3A_1223 : i32 to vector<16xi32>
      %add3A_1225 = arith.addi %add3A_1214, %add3A_1224 : vector<16xi32>
      %add3A_1226 = arith.constant 466689009 : i32
      %add3A_1227 = vector.broadcast %add3A_1226 : i32 to vector<16xi32>
      %add3A_1228 = arith.addi %xor3A_1222, %add3A_1227 : vector<16xi32>
      %add3A_1229 = arith.addi %add3A_1225, %add3A_1228 : vector<16xi32>
      %shift_left3A_1230 = arith.constant 17 : i32
      %shift_left3A_1231 = vector.broadcast %shift_left3A_1230 : i32 to vector<16xi32>
      %shift_left3A_1232 = arith.shli %add3A_1228, %shift_left3A_1231 : vector<16xi32>
      %shift_right_logical3A_1233 = arith.constant 15 : i32
      %shift_right_logical3A_1234 = vector.broadcast %shift_right_logical3A_1233 : i32 to vector<16xi32>
      %shift_right_logical3A_1235 = arith.shrui %add3A_1228, %shift_right_logical3A_1234 : vector<16xi32>
      %or3A_1236 = arith.ori %shift_left3A_1232, %shift_right_logical3A_1235 : vector<16xi32>
      %xor3A_1237 = arith.xori %or3A_1236, %add3A_1229 : vector<16xi32>
      %add3A_1238 = arith.addi %add3A_1229, %xor3A_1237 : vector<16xi32>
      %shift_left3A_1239 = arith.constant 29 : i32
      %shift_left3A_1240 = vector.broadcast %shift_left3A_1239 : i32 to vector<16xi32>
      %shift_left3A_1241 = arith.shli %xor3A_1237, %shift_left3A_1240 : vector<16xi32>
      %shift_right_logical3A_1242 = arith.constant 3 : i32
      %shift_right_logical3A_1243 = vector.broadcast %shift_right_logical3A_1242 : i32 to vector<16xi32>
      %shift_right_logical3A_1244 = arith.shrui %xor3A_1237, %shift_right_logical3A_1243 : vector<16xi32>
      %or3A_1245 = arith.ori %shift_left3A_1241, %shift_right_logical3A_1244 : vector<16xi32>
      %xor3A_1246 = arith.xori %or3A_1245, %add3A_1238 : vector<16xi32>
      %add3A_1247 = arith.addi %add3A_1238, %xor3A_1246 : vector<16xi32>
      %shift_left3A_1248 = arith.constant 16 : i32
      %shift_left3A_1249 = vector.broadcast %shift_left3A_1248 : i32 to vector<16xi32>
      %shift_left3A_1250 = arith.shli %xor3A_1246, %shift_left3A_1249 : vector<16xi32>
      %shift_right_logical3A_1251 = arith.constant 16 : i32
      %shift_right_logical3A_1252 = vector.broadcast %shift_right_logical3A_1251 : i32 to vector<16xi32>
      %shift_right_logical3A_1253 = arith.shrui %xor3A_1246, %shift_right_logical3A_1252 : vector<16xi32>
      %or3A_1254 = arith.ori %shift_left3A_1250, %shift_right_logical3A_1253 : vector<16xi32>
      %xor3A_1255 = arith.xori %or3A_1254, %add3A_1247 : vector<16xi32>
      %add3A_1256 = arith.addi %add3A_1247, %xor3A_1255 : vector<16xi32>
      %shift_left3A_1257 = arith.constant 24 : i32
      %shift_left3A_1258 = vector.broadcast %shift_left3A_1257 : i32 to vector<16xi32>
      %shift_left3A_1259 = arith.shli %xor3A_1255, %shift_left3A_1258 : vector<16xi32>
      %shift_right_logical3A_1260 = arith.constant 8 : i32
      %shift_right_logical3A_1261 = vector.broadcast %shift_right_logical3A_1260 : i32 to vector<16xi32>
      %shift_right_logical3A_1262 = arith.shrui %xor3A_1255, %shift_right_logical3A_1261 : vector<16xi32>
      %or3A_1263 = arith.ori %shift_left3A_1259, %shift_right_logical3A_1262 : vector<16xi32>
      %xor3A_1264 = arith.xori %or3A_1263, %add3A_1256 : vector<16xi32>
      %add3A_1265 = arith.constant 466689008 : i32
      %add3A_1266 = vector.broadcast %add3A_1265 : i32 to vector<16xi32>
      %add3A_1267 = arith.addi %add3A_1256, %add3A_1266 : vector<16xi32>
      %add3A_1268 = arith.constant 2 : i32
      %add3A_1269 = vector.broadcast %add3A_1268 : i32 to vector<16xi32>
      %add3A_1270 = arith.addi %xor3A_1264, %add3A_1269 : vector<16xi32>
      %add3A_1271 = arith.addi %add3A_1267, %add3A_1270 : vector<16xi32>
      %shift_left3A_1272 = arith.constant 13 : i32
      %shift_left3A_1273 = vector.broadcast %shift_left3A_1272 : i32 to vector<16xi32>
      %shift_left3A_1274 = arith.shli %add3A_1270, %shift_left3A_1273 : vector<16xi32>
      %shift_right_logical3A_1275 = arith.constant 19 : i32
      %shift_right_logical3A_1276 = vector.broadcast %shift_right_logical3A_1275 : i32 to vector<16xi32>
      %shift_right_logical3A_1277 = arith.shrui %add3A_1270, %shift_right_logical3A_1276 : vector<16xi32>
      %or3A_1278 = arith.ori %shift_left3A_1274, %shift_right_logical3A_1277 : vector<16xi32>
      %xor3A_1279 = arith.xori %or3A_1278, %add3A_1271 : vector<16xi32>
      %add3A_1280 = arith.addi %add3A_1271, %xor3A_1279 : vector<16xi32>
      %shift_left3A_1281 = arith.constant 15 : i32
      %shift_left3A_1282 = vector.broadcast %shift_left3A_1281 : i32 to vector<16xi32>
      %shift_left3A_1283 = arith.shli %xor3A_1279, %shift_left3A_1282 : vector<16xi32>
      %shift_right_logical3A_1284 = arith.constant 17 : i32
      %shift_right_logical3A_1285 = vector.broadcast %shift_right_logical3A_1284 : i32 to vector<16xi32>
      %shift_right_logical3A_1286 = arith.shrui %xor3A_1279, %shift_right_logical3A_1285 : vector<16xi32>
      %or3A_1287 = arith.ori %shift_left3A_1283, %shift_right_logical3A_1286 : vector<16xi32>
      %xor3A_1288 = arith.xori %or3A_1287, %add3A_1280 : vector<16xi32>
      %add3A_1289 = arith.addi %add3A_1280, %xor3A_1288 : vector<16xi32>
      %shift_left3A_1290 = arith.constant 26 : i32
      %shift_left3A_1291 = vector.broadcast %shift_left3A_1290 : i32 to vector<16xi32>
      %shift_left3A_1292 = arith.shli %xor3A_1288, %shift_left3A_1291 : vector<16xi32>
      %shift_right_logical3A_1293 = arith.constant 6 : i32
      %shift_right_logical3A_1294 = vector.broadcast %shift_right_logical3A_1293 : i32 to vector<16xi32>
      %shift_right_logical3A_1295 = arith.shrui %xor3A_1288, %shift_right_logical3A_1294 : vector<16xi32>
      %or3A_1296 = arith.ori %shift_left3A_1292, %shift_right_logical3A_1295 : vector<16xi32>
      %xor3A_1297 = arith.xori %or3A_1296, %add3A_1289 : vector<16xi32>
      %add3A_1298 = arith.addi %add3A_1289, %xor3A_1297 : vector<16xi32>
      %shift_left3A_1299 = arith.constant 6 : i32
      %shift_left3A_1300 = vector.broadcast %shift_left3A_1299 : i32 to vector<16xi32>
      %shift_left3A_1301 = arith.shli %xor3A_1297, %shift_left3A_1300 : vector<16xi32>
      %shift_right_logical3A_1302 = arith.constant 26 : i32
      %shift_right_logical3A_1303 = vector.broadcast %shift_right_logical3A_1302 : i32 to vector<16xi32>
      %shift_right_logical3A_1304 = arith.shrui %xor3A_1297, %shift_right_logical3A_1303 : vector<16xi32>
      %or3A_1305 = arith.ori %shift_left3A_1301, %shift_right_logical3A_1304 : vector<16xi32>
      %xor3A_1306 = arith.xori %or3A_1305, %add3A_1298 : vector<16xi32>
      %add3A_1307 = arith.constant 0 : i32
      %add3A_1308 = vector.broadcast %add3A_1307 : i32 to vector<16xi32>
      %add3A_1309 = arith.addi %add3A_1298, %add3A_1308 : vector<16xi32>
      %add3A_1310 = arith.constant 45 : i32
      %add3A_1311 = vector.broadcast %add3A_1310 : i32 to vector<16xi32>
      %add3A_1312 = arith.addi %xor3A_1306, %add3A_1311 : vector<16xi32>
      %add3A_1313 = arith.addi %add3A_1309, %add3A_1312 : vector<16xi32>
      %shift_left3A_1314 = arith.constant 17 : i32
      %shift_left3A_1315 = vector.broadcast %shift_left3A_1314 : i32 to vector<16xi32>
      %shift_left3A_1316 = arith.shli %add3A_1312, %shift_left3A_1315 : vector<16xi32>
      %shift_right_logical3A_1317 = arith.constant 15 : i32
      %shift_right_logical3A_1318 = vector.broadcast %shift_right_logical3A_1317 : i32 to vector<16xi32>
      %shift_right_logical3A_1319 = arith.shrui %add3A_1312, %shift_right_logical3A_1318 : vector<16xi32>
      %or3A_1320 = arith.ori %shift_left3A_1316, %shift_right_logical3A_1319 : vector<16xi32>
      %xor3A_1321 = arith.xori %or3A_1320, %add3A_1313 : vector<16xi32>
      %add3A_1322 = arith.addi %add3A_1313, %xor3A_1321 : vector<16xi32>
      %shift_left3A_1323 = arith.constant 29 : i32
      %shift_left3A_1324 = vector.broadcast %shift_left3A_1323 : i32 to vector<16xi32>
      %shift_left3A_1325 = arith.shli %xor3A_1321, %shift_left3A_1324 : vector<16xi32>
      %shift_right_logical3A_1326 = arith.constant 3 : i32
      %shift_right_logical3A_1327 = vector.broadcast %shift_right_logical3A_1326 : i32 to vector<16xi32>
      %shift_right_logical3A_1328 = arith.shrui %xor3A_1321, %shift_right_logical3A_1327 : vector<16xi32>
      %or3A_1329 = arith.ori %shift_left3A_1325, %shift_right_logical3A_1328 : vector<16xi32>
      %xor3A_1330 = arith.xori %or3A_1329, %add3A_1322 : vector<16xi32>
      %add3A_1331 = arith.addi %add3A_1322, %xor3A_1330 : vector<16xi32>
      %shift_left3A_1332 = arith.constant 16 : i32
      %shift_left3A_1333 = vector.broadcast %shift_left3A_1332 : i32 to vector<16xi32>
      %shift_left3A_1334 = arith.shli %xor3A_1330, %shift_left3A_1333 : vector<16xi32>
      %shift_right_logical3A_1335 = arith.constant 16 : i32
      %shift_right_logical3A_1336 = vector.broadcast %shift_right_logical3A_1335 : i32 to vector<16xi32>
      %shift_right_logical3A_1337 = arith.shrui %xor3A_1330, %shift_right_logical3A_1336 : vector<16xi32>
      %or3A_1338 = arith.ori %shift_left3A_1334, %shift_right_logical3A_1337 : vector<16xi32>
      %xor3A_1339 = arith.xori %or3A_1338, %add3A_1331 : vector<16xi32>
      %add3A_1340 = arith.addi %add3A_1331, %xor3A_1339 : vector<16xi32>
      %shift_left3A_1341 = arith.constant 24 : i32
      %shift_left3A_1342 = vector.broadcast %shift_left3A_1341 : i32 to vector<16xi32>
      %shift_left3A_1343 = arith.shli %xor3A_1339, %shift_left3A_1342 : vector<16xi32>
      %shift_right_logical3A_1344 = arith.constant 8 : i32
      %shift_right_logical3A_1345 = vector.broadcast %shift_right_logical3A_1344 : i32 to vector<16xi32>
      %shift_right_logical3A_1346 = arith.shrui %xor3A_1339, %shift_right_logical3A_1345 : vector<16xi32>
      %or3A_1347 = arith.ori %shift_left3A_1343, %shift_right_logical3A_1346 : vector<16xi32>
      %xor3A_1348 = arith.xori %or3A_1347, %add3A_1340 : vector<16xi32>
      %add3A_1349 = arith.constant 42 : i32
      %add3A_1350 = vector.broadcast %add3A_1349 : i32 to vector<16xi32>
      %add3A_1351 = arith.addi %add3A_1340, %add3A_1350 : vector<16xi32>
      %add3A_1352 = arith.constant 466689012 : i32
      %add3A_1353 = vector.broadcast %add3A_1352 : i32 to vector<16xi32>
      %add3A_1354 = arith.addi %xor3A_1348, %add3A_1353 : vector<16xi32>
      %add3A_1355 = arith.addi %add3A_1351, %add3A_1354 : vector<16xi32>
      %shift_left3A_1356 = arith.constant 13 : i32
      %shift_left3A_1357 = vector.broadcast %shift_left3A_1356 : i32 to vector<16xi32>
      %shift_left3A_1358 = arith.shli %add3A_1354, %shift_left3A_1357 : vector<16xi32>
      %shift_right_logical3A_1359 = arith.constant 19 : i32
      %shift_right_logical3A_1360 = vector.broadcast %shift_right_logical3A_1359 : i32 to vector<16xi32>
      %shift_right_logical3A_1361 = arith.shrui %add3A_1354, %shift_right_logical3A_1360 : vector<16xi32>
      %or3A_1362 = arith.ori %shift_left3A_1358, %shift_right_logical3A_1361 : vector<16xi32>
      %xor3A_1363 = arith.xori %or3A_1362, %add3A_1355 : vector<16xi32>
      %add3A_1364 = arith.addi %add3A_1355, %xor3A_1363 : vector<16xi32>
      %shift_left3A_1365 = arith.constant 15 : i32
      %shift_left3A_1366 = vector.broadcast %shift_left3A_1365 : i32 to vector<16xi32>
      %shift_left3A_1367 = arith.shli %xor3A_1363, %shift_left3A_1366 : vector<16xi32>
      %shift_right_logical3A_1368 = arith.constant 17 : i32
      %shift_right_logical3A_1369 = vector.broadcast %shift_right_logical3A_1368 : i32 to vector<16xi32>
      %shift_right_logical3A_1370 = arith.shrui %xor3A_1363, %shift_right_logical3A_1369 : vector<16xi32>
      %or3A_1371 = arith.ori %shift_left3A_1367, %shift_right_logical3A_1370 : vector<16xi32>
      %xor3A_1372 = arith.xori %or3A_1371, %add3A_1364 : vector<16xi32>
      %add3A_1373 = arith.addi %add3A_1364, %xor3A_1372 : vector<16xi32>
      %shift_left3A_1374 = arith.constant 26 : i32
      %shift_left3A_1375 = vector.broadcast %shift_left3A_1374 : i32 to vector<16xi32>
      %shift_left3A_1376 = arith.shli %xor3A_1372, %shift_left3A_1375 : vector<16xi32>
      %shift_right_logical3A_1377 = arith.constant 6 : i32
      %shift_right_logical3A_1378 = vector.broadcast %shift_right_logical3A_1377 : i32 to vector<16xi32>
      %shift_right_logical3A_1379 = arith.shrui %xor3A_1372, %shift_right_logical3A_1378 : vector<16xi32>
      %or3A_1380 = arith.ori %shift_left3A_1376, %shift_right_logical3A_1379 : vector<16xi32>
      %xor3A_1381 = arith.xori %or3A_1380, %add3A_1373 : vector<16xi32>
      %add3A_1382 = arith.addi %add3A_1373, %xor3A_1381 : vector<16xi32>
      %add3A_1383 = arith.constant 466689008 : i32
      %add3A_1384 = vector.broadcast %add3A_1383 : i32 to vector<16xi32>
      %add3A_1385 = arith.addi %add3A_1382, %add3A_1384 : vector<16xi32>
      %shift_right_logical3A_1386 = arith.constant 31 : i32
      %shift_right_logical3A_1387 = vector.broadcast %shift_right_logical3A_1386 : i32 to vector<16xi32>
      %shift_right_logical3A_1388 = arith.shrui %add3A_1385, %shift_right_logical3A_1387 : vector<16xi32>
      %eq3A_1389 = arith.constant 0 : i32
      %eq3A_1390 = vector.broadcast %eq3A_1389 : i32 to vector<16xi32>
      %eq3A_1391 = arith.cmpi eq, %shift_right_logical3A_1388, %eq3A_1390 : vector<16xi32>
      %get3A_1392 = arith.index_cast %add3A_1175 : i32 to index
      %get3A_1393 = tpu.vector_load %arg4[%get3A_1392] {strides = array<i32>} : memref<83888xf32, #tpu.memory_space<vmem>>, vector<16xf32>,
      %get3A_1394 = vector.shape_cast %get3A_1393 : vector<16xf32> to vector<16xf32>
      %mul3A_1395 = arith.constant 2.000000e+00 : f32
      %mul3A_1396 = vector.broadcast %mul3A_1395 : f32 to vector<16xf32>
      %mul3A_1397 = arith.mulf %get3A_1394, %mul3A_1396 : vector<16xf32>
      %jit3A_1398 = arith.constant 0.000000e+00 : f64
      %convert_element_type3A_1399 = arith.truncf %jit3A_1398 : f64 to f32
      %broadcast_in_dim3A_1400 = vector.broadcast %convert_element_type3A_1399 : f32 to vector<16xf32>
      %select_n3A_1401 = arith.select %eq3A_1391, %mul3A_1397, %broadcast_in_dim3A_1400 : vector<16xi1>, vector<16xf32>
      %swap3A_1402 = arith.index_cast %add3A_1175 : i32 to index
      %swap3A_1403 = tpu.vector_load %arg4[%swap3A_1402] {strides = array<i32>} : memref<83888xf32, #tpu.memory_space<vmem>>, vector<16xf32>,
      %swap3A_1404 = vector.shape_cast %swap3A_1403 : vector<16xf32> to vector<16xf32>
      %swap3A_1405 = vector.shape_cast %select_n3A_1401 : vector<16xf32> to vector<16xf32>
      tpu.vector_store %arg4[%swap3A_1402], %swap3A_1405 {strides = array<i32>} : memref<83888xf32, #tpu.memory_space<vmem>>, vector<16xf32>,
      %add3A_1406 = arith.constant 16 : i32
      %add3A_1407 = arith.addi %add3A_1175, %add3A_1406 : i32
      %scan3A_1408 = arith.constant 3 : i32
      %scan3A_1409 = arith.addi %scan3A_712, %scan3A_1408 : i32
      %iota3A_1410 = tpu.iota {dimensions = array<i32: 0>} : vector<16xi32>
      %add3A_1411 = arith.addi %mul3A_2, %add3A_1407 : i32
      %add3A_1412 = vector.broadcast %add3A_1411 : i32 to vector<16xi32>
      %add3A_1413 = arith.addi %iota3A_1410, %add3A_1412 : vector<16xi32>
      %broadcast_in_dim3A_1414 = arith.constant 0 : i32
      %broadcast_in_dim3A_1415 = vector.broadcast %broadcast_in_dim3A_1414 : i32 to vector<16xi32>
      %add3A_1416 = arith.constant 42 : i32
      %add3A_1417 = vector.broadcast %add3A_1416 : i32 to vector<16xi32>
      %add3A_1418 = arith.addi %add3A_1413, %add3A_1417 : vector<16xi32>
      %add3A_1419 = arith.addi %broadcast_in_dim3A_1415, %add3A_1418 : vector<16xi32>
      %shift_left3A_1420 = arith.constant 13 : i32
      %shift_left3A_1421 = vector.broadcast %shift_left3A_1420 : i32 to vector<16xi32>
      %shift_left3A_1422 = arith.shli %add3A_1418, %shift_left3A_1421 : vector<16xi32>
      %shift_right_logical3A_1423 = arith.constant 19 : i32
      %shift_right_logical3A_1424 = vector.broadcast %shift_right_logical3A_1423 : i32 to vector<16xi32>
      %shift_right_logical3A_1425 = arith.shrui %add3A_1418, %shift_right_logical3A_1424 : vector<16xi32>
      %or3A_1426 = arith.ori %shift_left3A_1422, %shift_right_logical3A_1425 : vector<16xi32>
      %xor3A_1427 = arith.xori %or3A_1426, %add3A_1419 : vector<16xi32>
      %add3A_1428 = arith.addi %add3A_1419, %xor3A_1427 : vector<16xi32>
      %shift_left3A_1429 = arith.constant 15 : i32
      %shift_left3A_1430 = vector.broadcast %shift_left3A_1429 : i32 to vector<16xi32>
      %shift_left3A_1431 = arith.shli %xor3A_1427, %shift_left3A_1430 : vector<16xi32>
      %shift_right_logical3A_1432 = arith.constant 17 : i32
      %shift_right_logical3A_1433 = vector.broadcast %shift_right_logical3A_1432 : i32 to vector<16xi32>
      %shift_right_logical3A_1434 = arith.shrui %xor3A_1427, %shift_right_logical3A_1433 : vector<16xi32>
      %or3A_1435 = arith.ori %shift_left3A_1431, %shift_right_logical3A_1434 : vector<16xi32>
      %xor3A_1436 = arith.xori %or3A_1435, %add3A_1428 : vector<16xi32>
      %add3A_1437 = arith.addi %add3A_1428, %xor3A_1436 : vector<16xi32>
      %shift_left3A_1438 = arith.constant 26 : i32
      %shift_left3A_1439 = vector.broadcast %shift_left3A_1438 : i32 to vector<16xi32>
      %shift_left3A_1440 = arith.shli %xor3A_1436, %shift_left3A_1439 : vector<16xi32>
      %shift_right_logical3A_1441 = arith.constant 6 : i32
      %shift_right_logical3A_1442 = vector.broadcast %shift_right_logical3A_1441 : i32 to vector<16xi32>
      %shift_right_logical3A_1443 = arith.shrui %xor3A_1436, %shift_right_logical3A_1442 : vector<16xi32>
      %or3A_1444 = arith.ori %shift_left3A_1440, %shift_right_logical3A_1443 : vector<16xi32>
      %xor3A_1445 = arith.xori %or3A_1444, %add3A_1437 : vector<16xi32>
      %add3A_1446 = arith.addi %add3A_1437, %xor3A_1445 : vector<16xi32>
      %shift_left3A_1447 = arith.constant 6 : i32
      %shift_left3A_1448 = vector.broadcast %shift_left3A_1447 : i32 to vector<16xi32>
      %shift_left3A_1449 = arith.shli %xor3A_1445, %shift_left3A_1448 : vector<16xi32>
      %shift_right_logical3A_1450 = arith.constant 26 : i32
      %shift_right_logical3A_1451 = vector.broadcast %shift_right_logical3A_1450 : i32 to vector<16xi32>
      %shift_right_logical3A_1452 = arith.shrui %xor3A_1445, %shift_right_logical3A_1451 : vector<16xi32>
      %or3A_1453 = arith.ori %shift_left3A_1449, %shift_right_logical3A_1452 : vector<16xi32>
      %xor3A_1454 = arith.xori %or3A_1453, %add3A_1446 : vector<16xi32>
      %add3A_1455 = arith.constant 42 : i32
      %add3A_1456 = vector.broadcast %add3A_1455 : i32 to vector<16xi32>
      %add3A_1457 = arith.addi %add3A_1446, %add3A_1456 : vector<16xi32>
      %add3A_1458 = arith.constant 466689009 : i32
      %add3A_1459 = vector.broadcast %add3A_1458 : i32 to vector<16xi32>
      %add3A_1460 = arith.addi %xor3A_1454, %add3A_1459 : vector<16xi32>
      %add3A_1461 = arith.addi %add3A_1457, %add3A_1460 : vector<16xi32>
      %shift_left3A_1462 = arith.constant 17 : i32
      %shift_left3A_1463 = vector.broadcast %shift_left3A_1462 : i32 to vector<16xi32>
      %shift_left3A_1464 = arith.shli %add3A_1460, %shift_left3A_1463 : vector<16xi32>
      %shift_right_logical3A_1465 = arith.constant 15 : i32
      %shift_right_logical3A_1466 = vector.broadcast %shift_right_logical3A_1465 : i32 to vector<16xi32>
      %shift_right_logical3A_1467 = arith.shrui %add3A_1460, %shift_right_logical3A_1466 : vector<16xi32>
      %or3A_1468 = arith.ori %shift_left3A_1464, %shift_right_logical3A_1467 : vector<16xi32>
      %xor3A_1469 = arith.xori %or3A_1468, %add3A_1461 : vector<16xi32>
      %add3A_1470 = arith.addi %add3A_1461, %xor3A_1469 : vector<16xi32>
      %shift_left3A_1471 = arith.constant 29 : i32
      %shift_left3A_1472 = vector.broadcast %shift_left3A_1471 : i32 to vector<16xi32>
      %shift_left3A_1473 = arith.shli %xor3A_1469, %shift_left3A_1472 : vector<16xi32>
      %shift_right_logical3A_1474 = arith.constant 3 : i32
      %shift_right_logical3A_1475 = vector.broadcast %shift_right_logical3A_1474 : i32 to vector<16xi32>
      %shift_right_logical3A_1476 = arith.shrui %xor3A_1469, %shift_right_logical3A_1475 : vector<16xi32>
      %or3A_1477 = arith.ori %shift_left3A_1473, %shift_right_logical3A_1476 : vector<16xi32>
      %xor3A_1478 = arith.xori %or3A_1477, %add3A_1470 : vector<16xi32>
      %add3A_1479 = arith.addi %add3A_1470, %xor3A_1478 : vector<16xi32>
      %shift_left3A_1480 = arith.constant 16 : i32
      %shift_left3A_1481 = vector.broadcast %shift_left3A_1480 : i32 to vector<16xi32>
      %shift_left3A_1482 = arith.shli %xor3A_1478, %shift_left3A_1481 : vector<16xi32>
      %shift_right_logical3A_1483 = arith.constant 16 : i32
      %shift_right_logical3A_1484 = vector.broadcast %shift_right_logical3A_1483 : i32 to vector<16xi32>
      %shift_right_logical3A_1485 = arith.shrui %xor3A_1478, %shift_right_logical3A_1484 : vector<16xi32>
      %or3A_1486 = arith.ori %shift_left3A_1482, %shift_right_logical3A_1485 : vector<16xi32>
      %xor3A_1487 = arith.xori %or3A_1486, %add3A_1479 : vector<16xi32>
      %add3A_1488 = arith.addi %add3A_1479, %xor3A_1487 : vector<16xi32>
      %shift_left3A_1489 = arith.constant 24 : i32
      %shift_left3A_1490 = vector.broadcast %shift_left3A_1489 : i32 to vector<16xi32>
      %shift_left3A_1491 = arith.shli %xor3A_1487, %shift_left3A_1490 : vector<16xi32>
      %shift_right_logical3A_1492 = arith.constant 8 : i32
      %shift_right_logical3A_1493 = vector.broadcast %shift_right_logical3A_1492 : i32 to vector<16xi32>
      %shift_right_logical3A_1494 = arith.shrui %xor3A_1487, %shift_right_logical3A_1493 : vector<16xi32>
      %or3A_1495 = arith.ori %shift_left3A_1491, %shift_right_logical3A_1494 : vector<16xi32>
      %xor3A_1496 = arith.xori %or3A_1495, %add3A_1488 : vector<16xi32>
      %add3A_1497 = arith.constant 466689008 : i32
      %add3A_1498 = vector.broadcast %add3A_1497 : i32 to vector<16xi32>
      %add3A_1499 = arith.addi %add3A_1488, %add3A_1498 : vector<16xi32>
      %add3A_1500 = arith.constant 2 : i32
      %add3A_1501 = vector.broadcast %add3A_1500 : i32 to vector<16xi32>
      %add3A_1502 = arith.addi %xor3A_1496, %add3A_1501 : vector<16xi32>
      %add3A_1503 = arith.addi %add3A_1499, %add3A_1502 : vector<16xi32>
      %shift_left3A_1504 = arith.constant 13 : i32
      %shift_left3A_1505 = vector.broadcast %shift_left3A_1504 : i32 to vector<16xi32>
      %shift_left3A_1506 = arith.shli %add3A_1502, %shift_left3A_1505 : vector<16xi32>
      %shift_right_logical3A_1507 = arith.constant 19 : i32
      %shift_right_logical3A_1508 = vector.broadcast %shift_right_logical3A_1507 : i32 to vector<16xi32>
      %shift_right_logical3A_1509 = arith.shrui %add3A_1502, %shift_right_logical3A_1508 : vector<16xi32>
      %or3A_1510 = arith.ori %shift_left3A_1506, %shift_right_logical3A_1509 : vector<16xi32>
      %xor3A_1511 = arith.xori %or3A_1510, %add3A_1503 : vector<16xi32>
      %add3A_1512 = arith.addi %add3A_1503, %xor3A_1511 : vector<16xi32>
      %shift_left3A_1513 = arith.constant 15 : i32
      %shift_left3A_1514 = vector.broadcast %shift_left3A_1513 : i32 to vector<16xi32>
      %shift_left3A_1515 = arith.shli %xor3A_1511, %shift_left3A_1514 : vector<16xi32>
      %shift_right_logical3A_1516 = arith.constant 17 : i32
      %shift_right_logical3A_1517 = vector.broadcast %shift_right_logical3A_1516 : i32 to vector<16xi32>
      %shift_right_logical3A_1518 = arith.shrui %xor3A_1511, %shift_right_logical3A_1517 : vector<16xi32>
      %or3A_1519 = arith.ori %shift_left3A_1515, %shift_right_logical3A_1518 : vector<16xi32>
      %xor3A_1520 = arith.xori %or3A_1519, %add3A_1512 : vector<16xi32>
      %add3A_1521 = arith.addi %add3A_1512, %xor3A_1520 : vector<16xi32>
      %shift_left3A_1522 = arith.constant 26 : i32
      %shift_left3A_1523 = vector.broadcast %shift_left3A_1522 : i32 to vector<16xi32>
      %shift_left3A_1524 = arith.shli %xor3A_1520, %shift_left3A_1523 : vector<16xi32>
      %shift_right_logical3A_1525 = arith.constant 6 : i32
      %shift_right_logical3A_1526 = vector.broadcast %shift_right_logical3A_1525 : i32 to vector<16xi32>
      %shift_right_logical3A_1527 = arith.shrui %xor3A_1520, %shift_right_logical3A_1526 : vector<16xi32>
      %or3A_1528 = arith.ori %shift_left3A_1524, %shift_right_logical3A_1527 : vector<16xi32>
      %xor3A_1529 = arith.xori %or3A_1528, %add3A_1521 : vector<16xi32>
      %add3A_1530 = arith.addi %add3A_1521, %xor3A_1529 : vector<16xi32>
      %shift_left3A_1531 = arith.constant 6 : i32
      %shift_left3A_1532 = vector.broadcast %shift_left3A_1531 : i32 to vector<16xi32>
      %shift_left3A_1533 = arith.shli %xor3A_1529, %shift_left3A_1532 : vector<16xi32>
      %shift_right_logical3A_1534 = arith.constant 26 : i32
      %shift_right_logical3A_1535 = vector.broadcast %shift_right_logical3A_1534 : i32 to vector<16xi32>
      %shift_right_logical3A_1536 = arith.shrui %xor3A_1529, %shift_right_logical3A_1535 : vector<16xi32>
      %or3A_1537 = arith.ori %shift_left3A_1533, %shift_right_logical3A_1536 : vector<16xi32>
      %xor3A_1538 = arith.xori %or3A_1537, %add3A_1530 : vector<16xi32>
      %add3A_1539 = arith.constant 0 : i32
      %add3A_1540 = vector.broadcast %add3A_1539 : i32 to vector<16xi32>
      %add3A_1541 = arith.addi %add3A_1530, %add3A_1540 : vector<16xi32>
      %add3A_1542 = arith.constant 45 : i32
      %add3A_1543 = vector.broadcast %add3A_1542 : i32 to vector<16xi32>
      %add3A_1544 = arith.addi %xor3A_1538, %add3A_1543 : vector<16xi32>
      %add3A_1545 = arith.addi %add3A_1541, %add3A_1544 : vector<16xi32>
      %shift_left3A_1546 = arith.constant 17 : i32
      %shift_left3A_1547 = vector.broadcast %shift_left3A_1546 : i32 to vector<16xi32>
      %shift_left3A_1548 = arith.shli %add3A_1544, %shift_left3A_1547 : vector<16xi32>
      %shift_right_logical3A_1549 = arith.constant 15 : i32
      %shift_right_logical3A_1550 = vector.broadcast %shift_right_logical3A_1549 : i32 to vector<16xi32>
      %shift_right_logical3A_1551 = arith.shrui %add3A_1544, %shift_right_logical3A_1550 : vector<16xi32>
      %or3A_1552 = arith.ori %shift_left3A_1548, %shift_right_logical3A_1551 : vector<16xi32>
      %xor3A_1553 = arith.xori %or3A_1552, %add3A_1545 : vector<16xi32>
      %add3A_1554 = arith.addi %add3A_1545, %xor3A_1553 : vector<16xi32>
      %shift_left3A_1555 = arith.constant 29 : i32
      %shift_left3A_1556 = vector.broadcast %shift_left3A_1555 : i32 to vector<16xi32>
      %shift_left3A_1557 = arith.shli %xor3A_1553, %shift_left3A_1556 : vector<16xi32>
      %shift_right_logical3A_1558 = arith.constant 3 : i32
      %shift_right_logical3A_1559 = vector.broadcast %shift_right_logical3A_1558 : i32 to vector<16xi32>
      %shift_right_logical3A_1560 = arith.shrui %xor3A_1553, %shift_right_logical3A_1559 : vector<16xi32>
      %or3A_1561 = arith.ori %shift_left3A_1557, %shift_right_logical3A_1560 : vector<16xi32>
      %xor3A_1562 = arith.xori %or3A_1561, %add3A_1554 : vector<16xi32>
      %add3A_1563 = arith.addi %add3A_1554, %xor3A_1562 : vector<16xi32>
      %shift_left3A_1564 = arith.constant 16 : i32
      %shift_left3A_1565 = vector.broadcast %shift_left3A_1564 : i32 to vector<16xi32>
      %shift_left3A_1566 = arith.shli %xor3A_1562, %shift_left3A_1565 : vector<16xi32>
      %shift_right_logical3A_1567 = arith.constant 16 : i32
      %shift_right_logical3A_1568 = vector.broadcast %shift_right_logical3A_1567 : i32 to vector<16xi32>
      %shift_right_logical3A_1569 = arith.shrui %xor3A_1562, %shift_right_logical3A_1568 : vector<16xi32>
      %or3A_1570 = arith.ori %shift_left3A_1566, %shift_right_logical3A_1569 : vector<16xi32>
      %xor3A_1571 = arith.xori %or3A_1570, %add3A_1563 : vector<16xi32>
      %add3A_1572 = arith.addi %add3A_1563, %xor3A_1571 : vector<16xi32>
      %shift_left3A_1573 = arith.constant 24 : i32
      %shift_left3A_1574 = vector.broadcast %shift_left3A_1573 : i32 to vector<16xi32>
      %shift_left3A_1575 = arith.shli %xor3A_1571, %shift_left3A_1574 : vector<16xi32>
      %shift_right_logical3A_1576 = arith.constant 8 : i32
      %shift_right_logical3A_1577 = vector.broadcast %shift_right_logical3A_1576 : i32 to vector<16xi32>
      %shift_right_logical3A_1578 = arith.shrui %xor3A_1571, %shift_right_logical3A_1577 : vector<16xi32>
      %or3A_1579 = arith.ori %shift_left3A_1575, %shift_right_logical3A_1578 : vector<16xi32>
      %xor3A_1580 = arith.xori %or3A_1579, %add3A_1572 : vector<16xi32>
      %add3A_1581 = arith.constant 42 : i32
      %add3A_1582 = vector.broadcast %add3A_1581 : i32 to vector<16xi32>
      %add3A_1583 = arith.addi %add3A_1572, %add3A_1582 : vector<16xi32>
      %add3A_1584 = arith.constant 466689012 : i32
      %add3A_1585 = vector.broadcast %add3A_1584 : i32 to vector<16xi32>
      %add3A_1586 = arith.addi %xor3A_1580, %add3A_1585 : vector<16xi32>
      %add3A_1587 = arith.addi %add3A_1583, %add3A_1586 : vector<16xi32>
      %shift_left3A_1588 = arith.constant 13 : i32
      %shift_left3A_1589 = vector.broadcast %shift_left3A_1588 : i32 to vector<16xi32>
      %shift_left3A_1590 = arith.shli %add3A_1586, %shift_left3A_1589 : vector<16xi32>
      %shift_right_logical3A_1591 = arith.constant 19 : i32
      %shift_right_logical3A_1592 = vector.broadcast %shift_right_logical3A_1591 : i32 to vector<16xi32>
      %shift_right_logical3A_1593 = arith.shrui %add3A_1586, %shift_right_logical3A_1592 : vector<16xi32>
      %or3A_1594 = arith.ori %shift_left3A_1590, %shift_right_logical3A_1593 : vector<16xi32>
      %xor3A_1595 = arith.xori %or3A_1594, %add3A_1587 : vector<16xi32>
      %add3A_1596 = arith.addi %add3A_1587, %xor3A_1595 : vector<16xi32>
      %shift_left3A_1597 = arith.constant 15 : i32
      %shift_left3A_1598 = vector.broadcast %shift_left3A_1597 : i32 to vector<16xi32>
      %shift_left3A_1599 = arith.shli %xor3A_1595, %shift_left3A_1598 : vector<16xi32>
      %shift_right_logical3A_1600 = arith.constant 17 : i32
      %shift_right_logical3A_1601 = vector.broadcast %shift_right_logical3A_1600 : i32 to vector<16xi32>
      %shift_right_logical3A_1602 = arith.shrui %xor3A_1595, %shift_right_logical3A_1601 : vector<16xi32>
      %or3A_1603 = arith.ori %shift_left3A_1599, %shift_right_logical3A_1602 : vector<16xi32>
      %xor3A_1604 = arith.xori %or3A_1603, %add3A_1596 : vector<16xi32>
      %add3A_1605 = arith.addi %add3A_1596, %xor3A_1604 : vector<16xi32>
      %shift_left3A_1606 = arith.constant 26 : i32
      %shift_left3A_1607 = vector.broadcast %shift_left3A_1606 : i32 to vector<16xi32>
      %shift_left3A_1608 = arith.shli %xor3A_1604, %shift_left3A_1607 : vector<16xi32>
      %shift_right_logical3A_1609 = arith.constant 6 : i32
      %shift_right_logical3A_1610 = vector.broadcast %shift_right_logical3A_1609 : i32 to vector<16xi32>
      %shift_right_logical3A_1611 = arith.shrui %xor3A_1604, %shift_right_logical3A_1610 : vector<16xi32>
      %or3A_1612 = arith.ori %shift_left3A_1608, %shift_right_logical3A_1611 : vector<16xi32>
      %xor3A_1613 = arith.xori %or3A_1612, %add3A_1605 : vector<16xi32>
      %add3A_1614 = arith.addi %add3A_1605, %xor3A_1613 : vector<16xi32>
      %add3A_1615 = arith.constant 466689008 : i32
      %add3A_1616 = vector.broadcast %add3A_1615 : i32 to vector<16xi32>
      %add3A_1617 = arith.addi %add3A_1614, %add3A_1616 : vector<16xi32>
      %shift_right_logical3A_1618 = arith.constant 31 : i32
      %shift_right_logical3A_1619 = vector.broadcast %shift_right_logical3A_1618 : i32 to vector<16xi32>
      %shift_right_logical3A_1620 = arith.shrui %add3A_1617, %shift_right_logical3A_1619 : vector<16xi32>
      %eq3A_1621 = arith.constant 0 : i32
      %eq3A_1622 = vector.broadcast %eq3A_1621 : i32 to vector<16xi32>
      %eq3A_1623 = arith.cmpi eq, %shift_right_logical3A_1620, %eq3A_1622 : vector<16xi32>
      %get3A_1624 = arith.index_cast %add3A_1407 : i32 to index
      %get3A_1625 = tpu.vector_load %arg4[%get3A_1624] {strides = array<i32>} : memref<83888xf32, #tpu.memory_space<vmem>>, vector<16xf32>,
      %get3A_1626 = vector.shape_cast %get3A_1625 : vector<16xf32> to vector<16xf32>
      %mul3A_1627 = arith.constant 2.000000e+00 : f32
      %mul3A_1628 = vector.broadcast %mul3A_1627 : f32 to vector<16xf32>
      %mul3A_1629 = arith.mulf %get3A_1626, %mul3A_1628 : vector<16xf32>
      %jit3A_1630 = arith.constant 0.000000e+00 : f64
      %convert_element_type3A_1631 = arith.truncf %jit3A_1630 : f64 to f32
      %broadcast_in_dim3A_1632 = vector.broadcast %convert_element_type3A_1631 : f32 to vector<16xf32>
      %select_n3A_1633 = arith.select %eq3A_1623, %mul3A_1629, %broadcast_in_dim3A_1632 : vector<16xi1>, vector<16xf32>
      %swap3A_1634 = arith.index_cast %add3A_1407 : i32 to index
      %swap3A_1635 = tpu.vector_load %arg4[%swap3A_1634] {strides = array<i32>} : memref<83888xf32, #tpu.memory_space<vmem>>, vector<16xf32>,
      %swap3A_1636 = vector.shape_cast %swap3A_1635 : vector<16xf32> to vector<16xf32>
      %swap3A_1637 = vector.shape_cast %select_n3A_1633 : vector<16xf32> to vector<16xf32>
      tpu.vector_store %arg4[%swap3A_1634], %swap3A_1637 {strides = array<i32>} : memref<83888xf32, #tpu.memory_space<vmem>>, vector<16xf32>,
      %add3A_1638 = arith.constant 16 : i32
      %add3A_1639 = arith.addi %add3A_1407, %add3A_1638 : i32
      scf.yield %add3A_1639 : i32
    }
    %scan3A_14 = arith.constant 5240 : i32
    %scan3A_15 = arith.addi %scan3A_9, %scan3A_14 : i32
    %iota3A = tpu.iota {dimensions = array<i32: 0>} : vector<16xi32>
    %add3A_16 = arith.addi %mul3A_2, %scan3A_13 : i32
    %add3A_17 = vector.broadcast %add3A_16 : i32 to vector<16xi32>
    %add3A_18 = arith.addi %iota3A, %add3A_17 : vector<16xi32>
    %broadcast_in_dim3A = arith.constant 0 : i32
    %broadcast_in_dim3A_19 = vector.broadcast %broadcast_in_dim3A : i32 to vector<16xi32>
    %add3A_20 = arith.constant 42 : i32
    %add3A_21 = vector.broadcast %add3A_20 : i32 to vector<16xi32>
    %add3A_22 = arith.addi %add3A_18, %add3A_21 : vector<16xi32>
    %add3A_23 = arith.addi %broadcast_in_dim3A_19, %add3A_22 : vector<16xi32>
    %shift_left3A = arith.constant 13 : i32
    %shift_left3A_24 = vector.broadcast %shift_left3A : i32 to vector<16xi32>
    %shift_left3A_25 = arith.shli %add3A_22, %shift_left3A_24 : vector<16xi32>
    %shift_right_logical3A = arith.constant 19 : i32
    %shift_right_logical3A_26 = vector.broadcast %shift_right_logical3A : i32 to vector<16xi32>
    %shift_right_logical3A_27 = arith.shrui %add3A_22, %shift_right_logical3A_26 : vector<16xi32>
    %or3A = arith.ori %shift_left3A_25, %shift_right_logical3A_27 : vector<16xi32>
    %xor3A = arith.xori %or3A, %add3A_23 : vector<16xi32>
    %add3A_28 = arith.addi %add3A_23, %xor3A : vector<16xi32>
    %shift_left3A_29 = arith.constant 15 : i32
    %shift_left3A_30 = vector.broadcast %shift_left3A_29 : i32 to vector<16xi32>
    %shift_left3A_31 = arith.shli %xor3A, %shift_left3A_30 : vector<16xi32>
    %shift_right_logical3A_32 = arith.constant 17 : i32
    %shift_right_logical3A_33 = vector.broadcast %shift_right_logical3A_32 : i32 to vector<16xi32>
    %shift_right_logical3A_34 = arith.shrui %xor3A, %shift_right_logical3A_33 : vector<16xi32>
    %or3A_35 = arith.ori %shift_left3A_31, %shift_right_logical3A_34 : vector<16xi32>
    %xor3A_36 = arith.xori %or3A_35, %add3A_28 : vector<16xi32>
    %add3A_37 = arith.addi %add3A_28, %xor3A_36 : vector<16xi32>
    %shift_left3A_38 = arith.constant 26 : i32
    %shift_left3A_39 = vector.broadcast %shift_left3A_38 : i32 to vector<16xi32>
    %shift_left3A_40 = arith.shli %xor3A_36, %shift_left3A_39 : vector<16xi32>
    %shift_right_logical3A_41 = arith.constant 6 : i32
    %shift_right_logical3A_42 = vector.broadcast %shift_right_logical3A_41 : i32 to vector<16xi32>
    %shift_right_logical3A_43 = arith.shrui %xor3A_36, %shift_right_logical3A_42 : vector<16xi32>
    %or3A_44 = arith.ori %shift_left3A_40, %shift_right_logical3A_43 : vector<16xi32>
    %xor3A_45 = arith.xori %or3A_44, %add3A_37 : vector<16xi32>
    %add3A_46 = arith.addi %add3A_37, %xor3A_45 : vector<16xi32>
    %shift_left3A_47 = arith.constant 6 : i32
    %shift_left3A_48 = vector.broadcast %shift_left3A_47 : i32 to vector<16xi32>
    %shift_left3A_49 = arith.shli %xor3A_45, %shift_left3A_48 : vector<16xi32>
    %shift_right_logical3A_50 = arith.constant 26 : i32
    %shift_right_logical3A_51 = vector.broadcast %shift_right_logical3A_50 : i32 to vector<16xi32>
    %shift_right_logical3A_52 = arith.shrui %xor3A_45, %shift_right_logical3A_51 : vector<16xi32>
    %or3A_53 = arith.ori %shift_left3A_49, %shift_right_logical3A_52 : vector<16xi32>
    %xor3A_54 = arith.xori %or3A_53, %add3A_46 : vector<16xi32>
    %add3A_55 = arith.constant 42 : i32
    %add3A_56 = vector.broadcast %add3A_55 : i32 to vector<16xi32>
    %add3A_57 = arith.addi %add3A_46, %add3A_56 : vector<16xi32>
    %add3A_58 = arith.constant 466689009 : i32
    %add3A_59 = vector.broadcast %add3A_58 : i32 to vector<16xi32>
    %add3A_60 = arith.addi %xor3A_54, %add3A_59 : vector<16xi32>
    %add3A_61 = arith.addi %add3A_57, %add3A_60 : vector<16xi32>
    %shift_left3A_62 = arith.constant 17 : i32
    %shift_left3A_63 = vector.broadcast %shift_left3A_62 : i32 to vector<16xi32>
    %shift_left3A_64 = arith.shli %add3A_60, %shift_left3A_63 : vector<16xi32>
    %shift_right_logical3A_65 = arith.constant 15 : i32
    %shift_right_logical3A_66 = vector.broadcast %shift_right_logical3A_65 : i32 to vector<16xi32>
    %shift_right_logical3A_67 = arith.shrui %add3A_60, %shift_right_logical3A_66 : vector<16xi32>
    %or3A_68 = arith.ori %shift_left3A_64, %shift_right_logical3A_67 : vector<16xi32>
    %xor3A_69 = arith.xori %or3A_68, %add3A_61 : vector<16xi32>
    %add3A_70 = arith.addi %add3A_61, %xor3A_69 : vector<16xi32>
    %shift_left3A_71 = arith.constant 29 : i32
    %shift_left3A_72 = vector.broadcast %shift_left3A_71 : i32 to vector<16xi32>
    %shift_left3A_73 = arith.shli %xor3A_69, %shift_left3A_72 : vector<16xi32>
    %shift_right_logical3A_74 = arith.constant 3 : i32
    %shift_right_logical3A_75 = vector.broadcast %shift_right_logical3A_74 : i32 to vector<16xi32>
    %shift_right_logical3A_76 = arith.shrui %xor3A_69, %shift_right_logical3A_75 : vector<16xi32>
    %or3A_77 = arith.ori %shift_left3A_73, %shift_right_logical3A_76 : vector<16xi32>
    %xor3A_78 = arith.xori %or3A_77, %add3A_70 : vector<16xi32>
    %add3A_79 = arith.addi %add3A_70, %xor3A_78 : vector<16xi32>
    %shift_left3A_80 = arith.constant 16 : i32
    %shift_left3A_81 = vector.broadcast %shift_left3A_80 : i32 to vector<16xi32>
    %shift_left3A_82 = arith.shli %xor3A_78, %shift_left3A_81 : vector<16xi32>
    %shift_right_logical3A_83 = arith.constant 16 : i32
    %shift_right_logical3A_84 = vector.broadcast %shift_right_logical3A_83 : i32 to vector<16xi32>
    %shift_right_logical3A_85 = arith.shrui %xor3A_78, %shift_right_logical3A_84 : vector<16xi32>
    %or3A_86 = arith.ori %shift_left3A_82, %shift_right_logical3A_85 : vector<16xi32>
    %xor3A_87 = arith.xori %or3A_86, %add3A_79 : vector<16xi32>
    %add3A_88 = arith.addi %add3A_79, %xor3A_87 : vector<16xi32>
    %shift_left3A_89 = arith.constant 24 : i32
    %shift_left3A_90 = vector.broadcast %shift_left3A_89 : i32 to vector<16xi32>
    %shift_left3A_91 = arith.shli %xor3A_87, %shift_left3A_90 : vector<16xi32>
    %shift_right_logical3A_92 = arith.constant 8 : i32
    %shift_right_logical3A_93 = vector.broadcast %shift_right_logical3A_92 : i32 to vector<16xi32>
    %shift_right_logical3A_94 = arith.shrui %xor3A_87, %shift_right_logical3A_93 : vector<16xi32>
    %or3A_95 = arith.ori %shift_left3A_91, %shift_right_logical3A_94 : vector<16xi32>
    %xor3A_96 = arith.xori %or3A_95, %add3A_88 : vector<16xi32>
    %add3A_97 = arith.constant 466689008 : i32
    %add3A_98 = vector.broadcast %add3A_97 : i32 to vector<16xi32>
    %add3A_99 = arith.addi %add3A_88, %add3A_98 : vector<16xi32>
    %add3A_100 = arith.constant 2 : i32
    %add3A_101 = vector.broadcast %add3A_100 : i32 to vector<16xi32>
    %add3A_102 = arith.addi %xor3A_96, %add3A_101 : vector<16xi32>
    %add3A_103 = arith.addi %add3A_99, %add3A_102 : vector<16xi32>
    %shift_left3A_104 = arith.constant 13 : i32
    %shift_left3A_105 = vector.broadcast %shift_left3A_104 : i32 to vector<16xi32>
    %shift_left3A_106 = arith.shli %add3A_102, %shift_left3A_105 : vector<16xi32>
    %shift_right_logical3A_107 = arith.constant 19 : i32
    %shift_right_logical3A_108 = vector.broadcast %shift_right_logical3A_107 : i32 to vector<16xi32>
    %shift_right_logical3A_109 = arith.shrui %add3A_102, %shift_right_logical3A_108 : vector<16xi32>
    %or3A_110 = arith.ori %shift_left3A_106, %shift_right_logical3A_109 : vector<16xi32>
    %xor3A_111 = arith.xori %or3A_110, %add3A_103 : vector<16xi32>
    %add3A_112 = arith.addi %add3A_103, %xor3A_111 : vector<16xi32>
    %shift_left3A_113 = arith.constant 15 : i32
    %shift_left3A_114 = vector.broadcast %shift_left3A_113 : i32 to vector<16xi32>
    %shift_left3A_115 = arith.shli %xor3A_111, %shift_left3A_114 : vector<16xi32>
    %shift_right_logical3A_116 = arith.constant 17 : i32
    %shift_right_logical3A_117 = vector.broadcast %shift_right_logical3A_116 : i32 to vector<16xi32>
    %shift_right_logical3A_118 = arith.shrui %xor3A_111, %shift_right_logical3A_117 : vector<16xi32>
    %or3A_119 = arith.ori %shift_left3A_115, %shift_right_logical3A_118 : vector<16xi32>
    %xor3A_120 = arith.xori %or3A_119, %add3A_112 : vector<16xi32>
    %add3A_121 = arith.addi %add3A_112, %xor3A_120 : vector<16xi32>
    %shift_left3A_122 = arith.constant 26 : i32
    %shift_left3A_123 = vector.broadcast %shift_left3A_122 : i32 to vector<16xi32>
    %shift_left3A_124 = arith.shli %xor3A_120, %shift_left3A_123 : vector<16xi32>
    %shift_right_logical3A_125 = arith.constant 6 : i32
    %shift_right_logical3A_126 = vector.broadcast %shift_right_logical3A_125 : i32 to vector<16xi32>
    %shift_right_logical3A_127 = arith.shrui %xor3A_120, %shift_right_logical3A_126 : vector<16xi32>
    %or3A_128 = arith.ori %shift_left3A_124, %shift_right_logical3A_127 : vector<16xi32>
    %xor3A_129 = arith.xori %or3A_128, %add3A_121 : vector<16xi32>
    %add3A_130 = arith.addi %add3A_121, %xor3A_129 : vector<16xi32>
    %shift_left3A_131 = arith.constant 6 : i32
    %shift_left3A_132 = vector.broadcast %shift_left3A_131 : i32 to vector<16xi32>
    %shift_left3A_133 = arith.shli %xor3A_129, %shift_left3A_132 : vector<16xi32>
    %shift_right_logical3A_134 = arith.constant 26 : i32
    %shift_right_logical3A_135 = vector.broadcast %shift_right_logical3A_134 : i32 to vector<16xi32>
    %shift_right_logical3A_136 = arith.shrui %xor3A_129, %shift_right_logical3A_135 : vector<16xi32>
    %or3A_137 = arith.ori %shift_left3A_133, %shift_right_logical3A_136 : vector<16xi32>
    %xor3A_138 = arith.xori %or3A_137, %add3A_130 : vector<16xi32>
    %add3A_139 = arith.constant 0 : i32
    %add3A_140 = vector.broadcast %add3A_139 : i32 to vector<16xi32>
    %add3A_141 = arith.addi %add3A_130, %add3A_140 : vector<16xi32>
    %add3A_142 = arith.constant 45 : i32
    %add3A_143 = vector.broadcast %add3A_142 : i32 to vector<16xi32>
    %add3A_144 = arith.addi %xor3A_138, %add3A_143 : vector<16xi32>
    %add3A_145 = arith.addi %add3A_141, %add3A_144 : vector<16xi32>
    %shift_left3A_146 = arith.constant 17 : i32
    %shift_left3A_147 = vector.broadcast %shift_left3A_146 : i32 to vector<16xi32>
    %shift_left3A_148 = arith.shli %add3A_144, %shift_left3A_147 : vector<16xi32>
    %shift_right_logical3A_149 = arith.constant 15 : i32
    %shift_right_logical3A_150 = vector.broadcast %shift_right_logical3A_149 : i32 to vector<16xi32>
    %shift_right_logical3A_151 = arith.shrui %add3A_144, %shift_right_logical3A_150 : vector<16xi32>
    %or3A_152 = arith.ori %shift_left3A_148, %shift_right_logical3A_151 : vector<16xi32>
    %xor3A_153 = arith.xori %or3A_152, %add3A_145 : vector<16xi32>
    %add3A_154 = arith.addi %add3A_145, %xor3A_153 : vector<16xi32>
    %shift_left3A_155 = arith.constant 29 : i32
    %shift_left3A_156 = vector.broadcast %shift_left3A_155 : i32 to vector<16xi32>
    %shift_left3A_157 = arith.shli %xor3A_153, %shift_left3A_156 : vector<16xi32>
    %shift_right_logical3A_158 = arith.constant 3 : i32
    %shift_right_logical3A_159 = vector.broadcast %shift_right_logical3A_158 : i32 to vector<16xi32>
    %shift_right_logical3A_160 = arith.shrui %xor3A_153, %shift_right_logical3A_159 : vector<16xi32>
    %or3A_161 = arith.ori %shift_left3A_157, %shift_right_logical3A_160 : vector<16xi32>
    %xor3A_162 = arith.xori %or3A_161, %add3A_154 : vector<16xi32>
    %add3A_163 = arith.addi %add3A_154, %xor3A_162 : vector<16xi32>
    %shift_left3A_164 = arith.constant 16 : i32
    %shift_left3A_165 = vector.broadcast %shift_left3A_164 : i32 to vector<16xi32>
    %shift_left3A_166 = arith.shli %xor3A_162, %shift_left3A_165 : vector<16xi32>
    %shift_right_logical3A_167 = arith.constant 16 : i32
    %shift_right_logical3A_168 = vector.broadcast %shift_right_logical3A_167 : i32 to vector<16xi32>
    %shift_right_logical3A_169 = arith.shrui %xor3A_162, %shift_right_logical3A_168 : vector<16xi32>
    %or3A_170 = arith.ori %shift_left3A_166, %shift_right_logical3A_169 : vector<16xi32>
    %xor3A_171 = arith.xori %or3A_170, %add3A_163 : vector<16xi32>
    %add3A_172 = arith.addi %add3A_163, %xor3A_171 : vector<16xi32>
    %shift_left3A_173 = arith.constant 24 : i32
    %shift_left3A_174 = vector.broadcast %shift_left3A_173 : i32 to vector<16xi32>
    %shift_left3A_175 = arith.shli %xor3A_171, %shift_left3A_174 : vector<16xi32>
    %shift_right_logical3A_176 = arith.constant 8 : i32
    %shift_right_logical3A_177 = vector.broadcast %shift_right_logical3A_176 : i32 to vector<16xi32>
    %shift_right_logical3A_178 = arith.shrui %xor3A_171, %shift_right_logical3A_177 : vector<16xi32>
    %or3A_179 = arith.ori %shift_left3A_175, %shift_right_logical3A_178 : vector<16xi32>
    %xor3A_180 = arith.xori %or3A_179, %add3A_172 : vector<16xi32>
    %add3A_181 = arith.constant 42 : i32
    %add3A_182 = vector.broadcast %add3A_181 : i32 to vector<16xi32>
    %add3A_183 = arith.addi %add3A_172, %add3A_182 : vector<16xi32>
    %add3A_184 = arith.constant 466689012 : i32
    %add3A_185 = vector.broadcast %add3A_184 : i32 to vector<16xi32>
    %add3A_186 = arith.addi %xor3A_180, %add3A_185 : vector<16xi32>
    %add3A_187 = arith.addi %add3A_183, %add3A_186 : vector<16xi32>
    %shift_left3A_188 = arith.constant 13 : i32
    %shift_left3A_189 = vector.broadcast %shift_left3A_188 : i32 to vector<16xi32>
    %shift_left3A_190 = arith.shli %add3A_186, %shift_left3A_189 : vector<16xi32>
    %shift_right_logical3A_191 = arith.constant 19 : i32
    %shift_right_logical3A_192 = vector.broadcast %shift_right_logical3A_191 : i32 to vector<16xi32>
    %shift_right_logical3A_193 = arith.shrui %add3A_186, %shift_right_logical3A_192 : vector<16xi32>
    %or3A_194 = arith.ori %shift_left3A_190, %shift_right_logical3A_193 : vector<16xi32>
    %xor3A_195 = arith.xori %or3A_194, %add3A_187 : vector<16xi32>
    %add3A_196 = arith.addi %add3A_187, %xor3A_195 : vector<16xi32>
    %shift_left3A_197 = arith.constant 15 : i32
    %shift_left3A_198 = vector.broadcast %shift_left3A_197 : i32 to vector<16xi32>
    %shift_left3A_199 = arith.shli %xor3A_195, %shift_left3A_198 : vector<16xi32>
    %shift_right_logical3A_200 = arith.constant 17 : i32
    %shift_right_logical3A_201 = vector.broadcast %shift_right_logical3A_200 : i32 to vector<16xi32>
    %shift_right_logical3A_202 = arith.shrui %xor3A_195, %shift_right_logical3A_201 : vector<16xi32>
    %or3A_203 = arith.ori %shift_left3A_199, %shift_right_logical3A_202 : vector<16xi32>
    %xor3A_204 = arith.xori %or3A_203, %add3A_196 : vector<16xi32>
    %add3A_205 = arith.addi %add3A_196, %xor3A_204 : vector<16xi32>
    %shift_left3A_206 = arith.constant 26 : i32
    %shift_left3A_207 = vector.broadcast %shift_left3A_206 : i32 to vector<16xi32>
    %shift_left3A_208 = arith.shli %xor3A_204, %shift_left3A_207 : vector<16xi32>
    %shift_right_logical3A_209 = arith.constant 6 : i32
    %shift_right_logical3A_210 = vector.broadcast %shift_right_logical3A_209 : i32 to vector<16xi32>
    %shift_right_logical3A_211 = arith.shrui %xor3A_204, %shift_right_logical3A_210 : vector<16xi32>
    %or3A_212 = arith.ori %shift_left3A_208, %shift_right_logical3A_211 : vector<16xi32>
    %xor3A_213 = arith.xori %or3A_212, %add3A_205 : vector<16xi32>
    %add3A_214 = arith.addi %add3A_205, %xor3A_213 : vector<16xi32>
    %add3A_215 = arith.constant 466689008 : i32
    %add3A_216 = vector.broadcast %add3A_215 : i32 to vector<16xi32>
    %add3A_217 = arith.addi %add3A_214, %add3A_216 : vector<16xi32>
    %shift_right_logical3A_218 = arith.constant 31 : i32
    %shift_right_logical3A_219 = vector.broadcast %shift_right_logical3A_218 : i32 to vector<16xi32>
    %shift_right_logical3A_220 = arith.shrui %add3A_217, %shift_right_logical3A_219 : vector<16xi32>
    %eq3A_221 = arith.constant 0 : i32
    %eq3A_222 = vector.broadcast %eq3A_221 : i32 to vector<16xi32>
    %eq3A_223 = arith.cmpi eq, %shift_right_logical3A_220, %eq3A_222 : vector<16xi32>
    %get3A = arith.index_cast %scan3A_13 : i32 to index
    %get3A_224 = tpu.vector_load %arg4[%get3A] {strides = array<i32>} : memref<83888xf32, #tpu.memory_space<vmem>>, vector<16xf32>,
    %get3A_225 = vector.shape_cast %get3A_224 : vector<16xf32> to vector<16xf32>
    %mul3A_226 = arith.constant 2.000000e+00 : f32
    %mul3A_227 = vector.broadcast %mul3A_226 : f32 to vector<16xf32>
    %mul3A_228 = arith.mulf %get3A_225, %mul3A_227 : vector<16xf32>
    %jit3A = arith.constant 0.000000e+00 : f64
    %convert_element_type3A_229 = arith.truncf %jit3A : f64 to f32
    %broadcast_in_dim3A_230 = vector.broadcast %convert_element_type3A_229 : f32 to vector<16xf32>
    %select_n3A = arith.select %eq3A_223, %mul3A_228, %broadcast_in_dim3A_230 : vector<16xi1>, vector<16xf32>
    %swap3A = arith.index_cast %scan3A_13 : i32 to index
    %swap3A_231 = tpu.vector_load %arg4[%swap3A] {strides = array<i32>} : memref<83888xf32, #tpu.memory_space<vmem>>, vector<16xf32>,
    %swap3A_232 = vector.shape_cast %swap3A_231 : vector<16xf32> to vector<16xf32>
    %swap3A_233 = vector.shape_cast %select_n3A : vector<16xf32> to vector<16xf32>
    tpu.vector_store %arg4[%swap3A], %swap3A_233 {strides = array<i32>} : memref<83888xf32, #tpu.memory_space<vmem>>, vector<16xf32>,
    %add3A_234 = arith.constant 16 : i32
    %add3A_235 = arith.addi %scan3A_13, %add3A_234 : i32
    %scan3A_236 = arith.constant 5241 : i32
    %scan3A_237 = arith.addi %scan3A_9, %scan3A_236 : i32
    %iota3A_238 = tpu.iota {dimensions = array<i32: 0>} : vector<16xi32>
    %add3A_239 = arith.addi %mul3A_2, %add3A_235 : i32
    %add3A_240 = vector.broadcast %add3A_239 : i32 to vector<16xi32>
    %add3A_241 = arith.addi %iota3A_238, %add3A_240 : vector<16xi32>
    %broadcast_in_dim3A_242 = arith.constant 0 : i32
    %broadcast_in_dim3A_243 = vector.broadcast %broadcast_in_dim3A_242 : i32 to vector<16xi32>
    %add3A_244 = arith.constant 42 : i32
    %add3A_245 = vector.broadcast %add3A_244 : i32 to vector<16xi32>
    %add3A_246 = arith.addi %add3A_241, %add3A_245 : vector<16xi32>
    %add3A_247 = arith.addi %broadcast_in_dim3A_243, %add3A_246 : vector<16xi32>
    %shift_left3A_248 = arith.constant 13 : i32
    %shift_left3A_249 = vector.broadcast %shift_left3A_248 : i32 to vector<16xi32>
    %shift_left3A_250 = arith.shli %add3A_246, %shift_left3A_249 : vector<16xi32>
    %shift_right_logical3A_251 = arith.constant 19 : i32
    %shift_right_logical3A_252 = vector.broadcast %shift_right_logical3A_251 : i32 to vector<16xi32>
    %shift_right_logical3A_253 = arith.shrui %add3A_246, %shift_right_logical3A_252 : vector<16xi32>
    %or3A_254 = arith.ori %shift_left3A_250, %shift_right_logical3A_253 : vector<16xi32>
    %xor3A_255 = arith.xori %or3A_254, %add3A_247 : vector<16xi32>
    %add3A_256 = arith.addi %add3A_247, %xor3A_255 : vector<16xi32>
    %shift_left3A_257 = arith.constant 15 : i32
    %shift_left3A_258 = vector.broadcast %shift_left3A_257 : i32 to vector<16xi32>
    %shift_left3A_259 = arith.shli %xor3A_255, %shift_left3A_258 : vector<16xi32>
    %shift_right_logical3A_260 = arith.constant 17 : i32
    %shift_right_logical3A_261 = vector.broadcast %shift_right_logical3A_260 : i32 to vector<16xi32>
    %shift_right_logical3A_262 = arith.shrui %xor3A_255, %shift_right_logical3A_261 : vector<16xi32>
    %or3A_263 = arith.ori %shift_left3A_259, %shift_right_logical3A_262 : vector<16xi32>
    %xor3A_264 = arith.xori %or3A_263, %add3A_256 : vector<16xi32>
    %add3A_265 = arith.addi %add3A_256, %xor3A_264 : vector<16xi32>
    %shift_left3A_266 = arith.constant 26 : i32
    %shift_left3A_267 = vector.broadcast %shift_left3A_266 : i32 to vector<16xi32>
    %shift_left3A_268 = arith.shli %xor3A_264, %shift_left3A_267 : vector<16xi32>
    %shift_right_logical3A_269 = arith.constant 6 : i32
    %shift_right_logical3A_270 = vector.broadcast %shift_right_logical3A_269 : i32 to vector<16xi32>
    %shift_right_logical3A_271 = arith.shrui %xor3A_264, %shift_right_logical3A_270 : vector<16xi32>
    %or3A_272 = arith.ori %shift_left3A_268, %shift_right_logical3A_271 : vector<16xi32>
    %xor3A_273 = arith.xori %or3A_272, %add3A_265 : vector<16xi32>
    %add3A_274 = arith.addi %add3A_265, %xor3A_273 : vector<16xi32>
    %shift_left3A_275 = arith.constant 6 : i32
    %shift_left3A_276 = vector.broadcast %shift_left3A_275 : i32 to vector<16xi32>
    %shift_left3A_277 = arith.shli %xor3A_273, %shift_left3A_276 : vector<16xi32>
    %shift_right_logical3A_278 = arith.constant 26 : i32
    %shift_right_logical3A_279 = vector.broadcast %shift_right_logical3A_278 : i32 to vector<16xi32>
    %shift_right_logical3A_280 = arith.shrui %xor3A_273, %shift_right_logical3A_279 : vector<16xi32>
    %or3A_281 = arith.ori %shift_left3A_277, %shift_right_logical3A_280 : vector<16xi32>
    %xor3A_282 = arith.xori %or3A_281, %add3A_274 : vector<16xi32>
    %add3A_283 = arith.constant 42 : i32
    %add3A_284 = vector.broadcast %add3A_283 : i32 to vector<16xi32>
    %add3A_285 = arith.addi %add3A_274, %add3A_284 : vector<16xi32>
    %add3A_286 = arith.constant 466689009 : i32
    %add3A_287 = vector.broadcast %add3A_286 : i32 to vector<16xi32>
    %add3A_288 = arith.addi %xor3A_282, %add3A_287 : vector<16xi32>
    %add3A_289 = arith.addi %add3A_285, %add3A_288 : vector<16xi32>
    %shift_left3A_290 = arith.constant 17 : i32
    %shift_left3A_291 = vector.broadcast %shift_left3A_290 : i32 to vector<16xi32>
    %shift_left3A_292 = arith.shli %add3A_288, %shift_left3A_291 : vector<16xi32>
    %shift_right_logical3A_293 = arith.constant 15 : i32
    %shift_right_logical3A_294 = vector.broadcast %shift_right_logical3A_293 : i32 to vector<16xi32>
    %shift_right_logical3A_295 = arith.shrui %add3A_288, %shift_right_logical3A_294 : vector<16xi32>
    %or3A_296 = arith.ori %shift_left3A_292, %shift_right_logical3A_295 : vector<16xi32>
    %xor3A_297 = arith.xori %or3A_296, %add3A_289 : vector<16xi32>
    %add3A_298 = arith.addi %add3A_289, %xor3A_297 : vector<16xi32>
    %shift_left3A_299 = arith.constant 29 : i32
    %shift_left3A_300 = vector.broadcast %shift_left3A_299 : i32 to vector<16xi32>
    %shift_left3A_301 = arith.shli %xor3A_297, %shift_left3A_300 : vector<16xi32>
    %shift_right_logical3A_302 = arith.constant 3 : i32
    %shift_right_logical3A_303 = vector.broadcast %shift_right_logical3A_302 : i32 to vector<16xi32>
    %shift_right_logical3A_304 = arith.shrui %xor3A_297, %shift_right_logical3A_303 : vector<16xi32>
    %or3A_305 = arith.ori %shift_left3A_301, %shift_right_logical3A_304 : vector<16xi32>
    %xor3A_306 = arith.xori %or3A_305, %add3A_298 : vector<16xi32>
    %add3A_307 = arith.addi %add3A_298, %xor3A_306 : vector<16xi32>
    %shift_left3A_308 = arith.constant 16 : i32
    %shift_left3A_309 = vector.broadcast %shift_left3A_308 : i32 to vector<16xi32>
    %shift_left3A_310 = arith.shli %xor3A_306, %shift_left3A_309 : vector<16xi32>
    %shift_right_logical3A_311 = arith.constant 16 : i32
    %shift_right_logical3A_312 = vector.broadcast %shift_right_logical3A_311 : i32 to vector<16xi32>
    %shift_right_logical3A_313 = arith.shrui %xor3A_306, %shift_right_logical3A_312 : vector<16xi32>
    %or3A_314 = arith.ori %shift_left3A_310, %shift_right_logical3A_313 : vector<16xi32>
    %xor3A_315 = arith.xori %or3A_314, %add3A_307 : vector<16xi32>
    %add3A_316 = arith.addi %add3A_307, %xor3A_315 : vector<16xi32>
    %shift_left3A_317 = arith.constant 24 : i32
    %shift_left3A_318 = vector.broadcast %shift_left3A_317 : i32 to vector<16xi32>
    %shift_left3A_319 = arith.shli %xor3A_315, %shift_left3A_318 : vector<16xi32>
    %shift_right_logical3A_320 = arith.constant 8 : i32
    %shift_right_logical3A_321 = vector.broadcast %shift_right_logical3A_320 : i32 to vector<16xi32>
    %shift_right_logical3A_322 = arith.shrui %xor3A_315, %shift_right_logical3A_321 : vector<16xi32>
    %or3A_323 = arith.ori %shift_left3A_319, %shift_right_logical3A_322 : vector<16xi32>
    %xor3A_324 = arith.xori %or3A_323, %add3A_316 : vector<16xi32>
    %add3A_325 = arith.constant 466689008 : i32
    %add3A_326 = vector.broadcast %add3A_325 : i32 to vector<16xi32>
    %add3A_327 = arith.addi %add3A_316, %add3A_326 : vector<16xi32>
    %add3A_328 = arith.constant 2 : i32
    %add3A_329 = vector.broadcast %add3A_328 : i32 to vector<16xi32>
    %add3A_330 = arith.addi %xor3A_324, %add3A_329 : vector<16xi32>
    %add3A_331 = arith.addi %add3A_327, %add3A_330 : vector<16xi32>
    %shift_left3A_332 = arith.constant 13 : i32
    %shift_left3A_333 = vector.broadcast %shift_left3A_332 : i32 to vector<16xi32>
    %shift_left3A_334 = arith.shli %add3A_330, %shift_left3A_333 : vector<16xi32>
    %shift_right_logical3A_335 = arith.constant 19 : i32
    %shift_right_logical3A_336 = vector.broadcast %shift_right_logical3A_335 : i32 to vector<16xi32>
    %shift_right_logical3A_337 = arith.shrui %add3A_330, %shift_right_logical3A_336 : vector<16xi32>
    %or3A_338 = arith.ori %shift_left3A_334, %shift_right_logical3A_337 : vector<16xi32>
    %xor3A_339 = arith.xori %or3A_338, %add3A_331 : vector<16xi32>
    %add3A_340 = arith.addi %add3A_331, %xor3A_339 : vector<16xi32>
    %shift_left3A_341 = arith.constant 15 : i32
    %shift_left3A_342 = vector.broadcast %shift_left3A_341 : i32 to vector<16xi32>
    %shift_left3A_343 = arith.shli %xor3A_339, %shift_left3A_342 : vector<16xi32>
    %shift_right_logical3A_344 = arith.constant 17 : i32
    %shift_right_logical3A_345 = vector.broadcast %shift_right_logical3A_344 : i32 to vector<16xi32>
    %shift_right_logical3A_346 = arith.shrui %xor3A_339, %shift_right_logical3A_345 : vector<16xi32>
    %or3A_347 = arith.ori %shift_left3A_343, %shift_right_logical3A_346 : vector<16xi32>
    %xor3A_348 = arith.xori %or3A_347, %add3A_340 : vector<16xi32>
    %add3A_349 = arith.addi %add3A_340, %xor3A_348 : vector<16xi32>
    %shift_left3A_350 = arith.constant 26 : i32
    %shift_left3A_351 = vector.broadcast %shift_left3A_350 : i32 to vector<16xi32>
    %shift_left3A_352 = arith.shli %xor3A_348, %shift_left3A_351 : vector<16xi32>
    %shift_right_logical3A_353 = arith.constant 6 : i32
    %shift_right_logical3A_354 = vector.broadcast %shift_right_logical3A_353 : i32 to vector<16xi32>
    %shift_right_logical3A_355 = arith.shrui %xor3A_348, %shift_right_logical3A_354 : vector<16xi32>
    %or3A_356 = arith.ori %shift_left3A_352, %shift_right_logical3A_355 : vector<16xi32>
    %xor3A_357 = arith.xori %or3A_356, %add3A_349 : vector<16xi32>
    %add3A_358 = arith.addi %add3A_349, %xor3A_357 : vector<16xi32>
    %shift_left3A_359 = arith.constant 6 : i32
    %shift_left3A_360 = vector.broadcast %shift_left3A_359 : i32 to vector<16xi32>
    %shift_left3A_361 = arith.shli %xor3A_357, %shift_left3A_360 : vector<16xi32>
    %shift_right_logical3A_362 = arith.constant 26 : i32
    %shift_right_logical3A_363 = vector.broadcast %shift_right_logical3A_362 : i32 to vector<16xi32>
    %shift_right_logical3A_364 = arith.shrui %xor3A_357, %shift_right_logical3A_363 : vector<16xi32>
    %or3A_365 = arith.ori %shift_left3A_361, %shift_right_logical3A_364 : vector<16xi32>
    %xor3A_366 = arith.xori %or3A_365, %add3A_358 : vector<16xi32>
    %add3A_367 = arith.constant 0 : i32
    %add3A_368 = vector.broadcast %add3A_367 : i32 to vector<16xi32>
    %add3A_369 = arith.addi %add3A_358, %add3A_368 : vector<16xi32>
    %add3A_370 = arith.constant 45 : i32
    %add3A_371 = vector.broadcast %add3A_370 : i32 to vector<16xi32>
    %add3A_372 = arith.addi %xor3A_366, %add3A_371 : vector<16xi32>
    %add3A_373 = arith.addi %add3A_369, %add3A_372 : vector<16xi32>
    %shift_left3A_374 = arith.constant 17 : i32
    %shift_left3A_375 = vector.broadcast %shift_left3A_374 : i32 to vector<16xi32>
    %shift_left3A_376 = arith.shli %add3A_372, %shift_left3A_375 : vector<16xi32>
    %shift_right_logical3A_377 = arith.constant 15 : i32
    %shift_right_logical3A_378 = vector.broadcast %shift_right_logical3A_377 : i32 to vector<16xi32>
    %shift_right_logical3A_379 = arith.shrui %add3A_372, %shift_right_logical3A_378 : vector<16xi32>
    %or3A_380 = arith.ori %shift_left3A_376, %shift_right_logical3A_379 : vector<16xi32>
    %xor3A_381 = arith.xori %or3A_380, %add3A_373 : vector<16xi32>
    %add3A_382 = arith.addi %add3A_373, %xor3A_381 : vector<16xi32>
    %shift_left3A_383 = arith.constant 29 : i32
    %shift_left3A_384 = vector.broadcast %shift_left3A_383 : i32 to vector<16xi32>
    %shift_left3A_385 = arith.shli %xor3A_381, %shift_left3A_384 : vector<16xi32>
    %shift_right_logical3A_386 = arith.constant 3 : i32
    %shift_right_logical3A_387 = vector.broadcast %shift_right_logical3A_386 : i32 to vector<16xi32>
    %shift_right_logical3A_388 = arith.shrui %xor3A_381, %shift_right_logical3A_387 : vector<16xi32>
    %or3A_389 = arith.ori %shift_left3A_385, %shift_right_logical3A_388 : vector<16xi32>
    %xor3A_390 = arith.xori %or3A_389, %add3A_382 : vector<16xi32>
    %add3A_391 = arith.addi %add3A_382, %xor3A_390 : vector<16xi32>
    %shift_left3A_392 = arith.constant 16 : i32
    %shift_left3A_393 = vector.broadcast %shift_left3A_392 : i32 to vector<16xi32>
    %shift_left3A_394 = arith.shli %xor3A_390, %shift_left3A_393 : vector<16xi32>
    %shift_right_logical3A_395 = arith.constant 16 : i32
    %shift_right_logical3A_396 = vector.broadcast %shift_right_logical3A_395 : i32 to vector<16xi32>
    %shift_right_logical3A_397 = arith.shrui %xor3A_390, %shift_right_logical3A_396 : vector<16xi32>
    %or3A_398 = arith.ori %shift_left3A_394, %shift_right_logical3A_397 : vector<16xi32>
    %xor3A_399 = arith.xori %or3A_398, %add3A_391 : vector<16xi32>
    %add3A_400 = arith.addi %add3A_391, %xor3A_399 : vector<16xi32>
    %shift_left3A_401 = arith.constant 24 : i32
    %shift_left3A_402 = vector.broadcast %shift_left3A_401 : i32 to vector<16xi32>
    %shift_left3A_403 = arith.shli %xor3A_399, %shift_left3A_402 : vector<16xi32>
    %shift_right_logical3A_404 = arith.constant 8 : i32
    %shift_right_logical3A_405 = vector.broadcast %shift_right_logical3A_404 : i32 to vector<16xi32>
    %shift_right_logical3A_406 = arith.shrui %xor3A_399, %shift_right_logical3A_405 : vector<16xi32>
    %or3A_407 = arith.ori %shift_left3A_403, %shift_right_logical3A_406 : vector<16xi32>
    %xor3A_408 = arith.xori %or3A_407, %add3A_400 : vector<16xi32>
    %add3A_409 = arith.constant 42 : i32
    %add3A_410 = vector.broadcast %add3A_409 : i32 to vector<16xi32>
    %add3A_411 = arith.addi %add3A_400, %add3A_410 : vector<16xi32>
    %add3A_412 = arith.constant 466689012 : i32
    %add3A_413 = vector.broadcast %add3A_412 : i32 to vector<16xi32>
    %add3A_414 = arith.addi %xor3A_408, %add3A_413 : vector<16xi32>
    %add3A_415 = arith.addi %add3A_411, %add3A_414 : vector<16xi32>
    %shift_left3A_416 = arith.constant 13 : i32
    %shift_left3A_417 = vector.broadcast %shift_left3A_416 : i32 to vector<16xi32>
    %shift_left3A_418 = arith.shli %add3A_414, %shift_left3A_417 : vector<16xi32>
    %shift_right_logical3A_419 = arith.constant 19 : i32
    %shift_right_logical3A_420 = vector.broadcast %shift_right_logical3A_419 : i32 to vector<16xi32>
    %shift_right_logical3A_421 = arith.shrui %add3A_414, %shift_right_logical3A_420 : vector<16xi32>
    %or3A_422 = arith.ori %shift_left3A_418, %shift_right_logical3A_421 : vector<16xi32>
    %xor3A_423 = arith.xori %or3A_422, %add3A_415 : vector<16xi32>
    %add3A_424 = arith.addi %add3A_415, %xor3A_423 : vector<16xi32>
    %shift_left3A_425 = arith.constant 15 : i32
    %shift_left3A_426 = vector.broadcast %shift_left3A_425 : i32 to vector<16xi32>
    %shift_left3A_427 = arith.shli %xor3A_423, %shift_left3A_426 : vector<16xi32>
    %shift_right_logical3A_428 = arith.constant 17 : i32
    %shift_right_logical3A_429 = vector.broadcast %shift_right_logical3A_428 : i32 to vector<16xi32>
    %shift_right_logical3A_430 = arith.shrui %xor3A_423, %shift_right_logical3A_429 : vector<16xi32>
    %or3A_431 = arith.ori %shift_left3A_427, %shift_right_logical3A_430 : vector<16xi32>
    %xor3A_432 = arith.xori %or3A_431, %add3A_424 : vector<16xi32>
    %add3A_433 = arith.addi %add3A_424, %xor3A_432 : vector<16xi32>
    %shift_left3A_434 = arith.constant 26 : i32
    %shift_left3A_435 = vector.broadcast %shift_left3A_434 : i32 to vector<16xi32>
    %shift_left3A_436 = arith.shli %xor3A_432, %shift_left3A_435 : vector<16xi32>
    %shift_right_logical3A_437 = arith.constant 6 : i32
    %shift_right_logical3A_438 = vector.broadcast %shift_right_logical3A_437 : i32 to vector<16xi32>
    %shift_right_logical3A_439 = arith.shrui %xor3A_432, %shift_right_logical3A_438 : vector<16xi32>
    %or3A_440 = arith.ori %shift_left3A_436, %shift_right_logical3A_439 : vector<16xi32>
    %xor3A_441 = arith.xori %or3A_440, %add3A_433 : vector<16xi32>
    %add3A_442 = arith.addi %add3A_433, %xor3A_441 : vector<16xi32>
    %add3A_443 = arith.constant 466689008 : i32
    %add3A_444 = vector.broadcast %add3A_443 : i32 to vector<16xi32>
    %add3A_445 = arith.addi %add3A_442, %add3A_444 : vector<16xi32>
    %shift_right_logical3A_446 = arith.constant 31 : i32
    %shift_right_logical3A_447 = vector.broadcast %shift_right_logical3A_446 : i32 to vector<16xi32>
    %shift_right_logical3A_448 = arith.shrui %add3A_445, %shift_right_logical3A_447 : vector<16xi32>
    %eq3A_449 = arith.constant 0 : i32
    %eq3A_450 = vector.broadcast %eq3A_449 : i32 to vector<16xi32>
    %eq3A_451 = arith.cmpi eq, %shift_right_logical3A_448, %eq3A_450 : vector<16xi32>
    %get3A_452 = arith.index_cast %add3A_235 : i32 to index
    %get3A_453 = tpu.vector_load %arg4[%get3A_452] {strides = array<i32>} : memref<83888xf32, #tpu.memory_space<vmem>>, vector<16xf32>,
    %get3A_454 = vector.shape_cast %get3A_453 : vector<16xf32> to vector<16xf32>
    %mul3A_455 = arith.constant 2.000000e+00 : f32
    %mul3A_456 = vector.broadcast %mul3A_455 : f32 to vector<16xf32>
    %mul3A_457 = arith.mulf %get3A_454, %mul3A_456 : vector<16xf32>
    %jit3A_458 = arith.constant 0.000000e+00 : f64
    %convert_element_type3A_459 = arith.truncf %jit3A_458 : f64 to f32
    %broadcast_in_dim3A_460 = vector.broadcast %convert_element_type3A_459 : f32 to vector<16xf32>
    %select_n3A_461 = arith.select %eq3A_451, %mul3A_457, %broadcast_in_dim3A_460 : vector<16xi1>, vector<16xf32>
    %swap3A_462 = arith.index_cast %add3A_235 : i32 to index
    %swap3A_463 = tpu.vector_load %arg4[%swap3A_462] {strides = array<i32>} : memref<83888xf32, #tpu.memory_space<vmem>>, vector<16xf32>,
    %swap3A_464 = vector.shape_cast %swap3A_463 : vector<16xf32> to vector<16xf32>
    %swap3A_465 = vector.shape_cast %select_n3A_461 : vector<16xf32> to vector<16xf32>
    tpu.vector_store %arg4[%swap3A_462], %swap3A_465 {strides = array<i32>} : memref<83888xf32, #tpu.memory_space<vmem>>, vector<16xf32>,
    %add3A_466 = arith.constant 16 : i32
    %add3A_467 = arith.addi %add3A_235, %add3A_466 : i32
    %scan3A_468 = arith.constant 5242 : i32
    %scan3A_469 = arith.addi %scan3A_9, %scan3A_468 : i32
    %iota3A_470 = tpu.iota {dimensions = array<i32: 0>} : vector<16xi32>
    %add3A_471 = arith.addi %mul3A_2, %add3A_467 : i32
    %add3A_472 = vector.broadcast %add3A_471 : i32 to vector<16xi32>
    %add3A_473 = arith.addi %iota3A_470, %add3A_472 : vector<16xi32>
    %broadcast_in_dim3A_474 = arith.constant 0 : i32
    %broadcast_in_dim3A_475 = vector.broadcast %broadcast_in_dim3A_474 : i32 to vector<16xi32>
    %add3A_476 = arith.constant 42 : i32
    %add3A_477 = vector.broadcast %add3A_476 : i32 to vector<16xi32>
    %add3A_478 = arith.addi %add3A_473, %add3A_477 : vector<16xi32>
    %add3A_479 = arith.addi %broadcast_in_dim3A_475, %add3A_478 : vector<16xi32>
    %shift_left3A_480 = arith.constant 13 : i32
    %shift_left3A_481 = vector.broadcast %shift_left3A_480 : i32 to vector<16xi32>
    %shift_left3A_482 = arith.shli %add3A_478, %shift_left3A_481 : vector<16xi32>
    %shift_right_logical3A_483 = arith.constant 19 : i32
    %shift_right_logical3A_484 = vector.broadcast %shift_right_logical3A_483 : i32 to vector<16xi32>
    %shift_right_logical3A_485 = arith.shrui %add3A_478, %shift_right_logical3A_484 : vector<16xi32>
    %or3A_486 = arith.ori %shift_left3A_482, %shift_right_logical3A_485 : vector<16xi32>
    %xor3A_487 = arith.xori %or3A_486, %add3A_479 : vector<16xi32>
    %add3A_488 = arith.addi %add3A_479, %xor3A_487 : vector<16xi32>
    %shift_left3A_489 = arith.constant 15 : i32
    %shift_left3A_490 = vector.broadcast %shift_left3A_489 : i32 to vector<16xi32>
    %shift_left3A_491 = arith.shli %xor3A_487, %shift_left3A_490 : vector<16xi32>
    %shift_right_logical3A_492 = arith.constant 17 : i32
    %shift_right_logical3A_493 = vector.broadcast %shift_right_logical3A_492 : i32 to vector<16xi32>
    %shift_right_logical3A_494 = arith.shrui %xor3A_487, %shift_right_logical3A_493 : vector<16xi32>
    %or3A_495 = arith.ori %shift_left3A_491, %shift_right_logical3A_494 : vector<16xi32>
    %xor3A_496 = arith.xori %or3A_495, %add3A_488 : vector<16xi32>
    %add3A_497 = arith.addi %add3A_488, %xor3A_496 : vector<16xi32>
    %shift_left3A_498 = arith.constant 26 : i32
    %shift_left3A_499 = vector.broadcast %shift_left3A_498 : i32 to vector<16xi32>
    %shift_left3A_500 = arith.shli %xor3A_496, %shift_left3A_499 : vector<16xi32>
    %shift_right_logical3A_501 = arith.constant 6 : i32
    %shift_right_logical3A_502 = vector.broadcast %shift_right_logical3A_501 : i32 to vector<16xi32>
    %shift_right_logical3A_503 = arith.shrui %xor3A_496, %shift_right_logical3A_502 : vector<16xi32>
    %or3A_504 = arith.ori %shift_left3A_500, %shift_right_logical3A_503 : vector<16xi32>
    %xor3A_505 = arith.xori %or3A_504, %add3A_497 : vector<16xi32>
    %add3A_506 = arith.addi %add3A_497, %xor3A_505 : vector<16xi32>
    %shift_left3A_507 = arith.constant 6 : i32
    %shift_left3A_508 = vector.broadcast %shift_left3A_507 : i32 to vector<16xi32>
    %shift_left3A_509 = arith.shli %xor3A_505, %shift_left3A_508 : vector<16xi32>
    %shift_right_logical3A_510 = arith.constant 26 : i32
    %shift_right_logical3A_511 = vector.broadcast %shift_right_logical3A_510 : i32 to vector<16xi32>
    %shift_right_logical3A_512 = arith.shrui %xor3A_505, %shift_right_logical3A_511 : vector<16xi32>
    %or3A_513 = arith.ori %shift_left3A_509, %shift_right_logical3A_512 : vector<16xi32>
    %xor3A_514 = arith.xori %or3A_513, %add3A_506 : vector<16xi32>
    %add3A_515 = arith.constant 42 : i32
    %add3A_516 = vector.broadcast %add3A_515 : i32 to vector<16xi32>
    %add3A_517 = arith.addi %add3A_506, %add3A_516 : vector<16xi32>
    %add3A_518 = arith.constant 466689009 : i32
    %add3A_519 = vector.broadcast %add3A_518 : i32 to vector<16xi32>
    %add3A_520 = arith.addi %xor3A_514, %add3A_519 : vector<16xi32>
    %add3A_521 = arith.addi %add3A_517, %add3A_520 : vector<16xi32>
    %shift_left3A_522 = arith.constant 17 : i32
    %shift_left3A_523 = vector.broadcast %shift_left3A_522 : i32 to vector<16xi32>
    %shift_left3A_524 = arith.shli %add3A_520, %shift_left3A_523 : vector<16xi32>
    %shift_right_logical3A_525 = arith.constant 15 : i32
    %shift_right_logical3A_526 = vector.broadcast %shift_right_logical3A_525 : i32 to vector<16xi32>
    %shift_right_logical3A_527 = arith.shrui %add3A_520, %shift_right_logical3A_526 : vector<16xi32>
    %or3A_528 = arith.ori %shift_left3A_524, %shift_right_logical3A_527 : vector<16xi32>
    %xor3A_529 = arith.xori %or3A_528, %add3A_521 : vector<16xi32>
    %add3A_530 = arith.addi %add3A_521, %xor3A_529 : vector<16xi32>
    %shift_left3A_531 = arith.constant 29 : i32
    %shift_left3A_532 = vector.broadcast %shift_left3A_531 : i32 to vector<16xi32>
    %shift_left3A_533 = arith.shli %xor3A_529, %shift_left3A_532 : vector<16xi32>
    %shift_right_logical3A_534 = arith.constant 3 : i32
    %shift_right_logical3A_535 = vector.broadcast %shift_right_logical3A_534 : i32 to vector<16xi32>
    %shift_right_logical3A_536 = arith.shrui %xor3A_529, %shift_right_logical3A_535 : vector<16xi32>
    %or3A_537 = arith.ori %shift_left3A_533, %shift_right_logical3A_536 : vector<16xi32>
    %xor3A_538 = arith.xori %or3A_537, %add3A_530 : vector<16xi32>
    %add3A_539 = arith.addi %add3A_530, %xor3A_538 : vector<16xi32>
    %shift_left3A_540 = arith.constant 16 : i32
    %shift_left3A_541 = vector.broadcast %shift_left3A_540 : i32 to vector<16xi32>
    %shift_left3A_542 = arith.shli %xor3A_538, %shift_left3A_541 : vector<16xi32>
    %shift_right_logical3A_543 = arith.constant 16 : i32
    %shift_right_logical3A_544 = vector.broadcast %shift_right_logical3A_543 : i32 to vector<16xi32>
    %shift_right_logical3A_545 = arith.shrui %xor3A_538, %shift_right_logical3A_544 : vector<16xi32>
    %or3A_546 = arith.ori %shift_left3A_542, %shift_right_logical3A_545 : vector<16xi32>
    %xor3A_547 = arith.xori %or3A_546, %add3A_539 : vector<16xi32>
    %add3A_548 = arith.addi %add3A_539, %xor3A_547 : vector<16xi32>
    %shift_left3A_549 = arith.constant 24 : i32
    %shift_left3A_550 = vector.broadcast %shift_left3A_549 : i32 to vector<16xi32>
    %shift_left3A_551 = arith.shli %xor3A_547, %shift_left3A_550 : vector<16xi32>
    %shift_right_logical3A_552 = arith.constant 8 : i32
    %shift_right_logical3A_553 = vector.broadcast %shift_right_logical3A_552 : i32 to vector<16xi32>
    %shift_right_logical3A_554 = arith.shrui %xor3A_547, %shift_right_logical3A_553 : vector<16xi32>
    %or3A_555 = arith.ori %shift_left3A_551, %shift_right_logical3A_554 : vector<16xi32>
    %xor3A_556 = arith.xori %or3A_555, %add3A_548 : vector<16xi32>
    %add3A_557 = arith.constant 466689008 : i32
    %add3A_558 = vector.broadcast %add3A_557 : i32 to vector<16xi32>
    %add3A_559 = arith.addi %add3A_548, %add3A_558 : vector<16xi32>
    %add3A_560 = arith.constant 2 : i32
    %add3A_561 = vector.broadcast %add3A_560 : i32 to vector<16xi32>
    %add3A_562 = arith.addi %xor3A_556, %add3A_561 : vector<16xi32>
    %add3A_563 = arith.addi %add3A_559, %add3A_562 : vector<16xi32>
    %shift_left3A_564 = arith.constant 13 : i32
    %shift_left3A_565 = vector.broadcast %shift_left3A_564 : i32 to vector<16xi32>
    %shift_left3A_566 = arith.shli %add3A_562, %shift_left3A_565 : vector<16xi32>
    %shift_right_logical3A_567 = arith.constant 19 : i32
    %shift_right_logical3A_568 = vector.broadcast %shift_right_logical3A_567 : i32 to vector<16xi32>
    %shift_right_logical3A_569 = arith.shrui %add3A_562, %shift_right_logical3A_568 : vector<16xi32>
    %or3A_570 = arith.ori %shift_left3A_566, %shift_right_logical3A_569 : vector<16xi32>
    %xor3A_571 = arith.xori %or3A_570, %add3A_563 : vector<16xi32>
    %add3A_572 = arith.addi %add3A_563, %xor3A_571 : vector<16xi32>
    %shift_left3A_573 = arith.constant 15 : i32
    %shift_left3A_574 = vector.broadcast %shift_left3A_573 : i32 to vector<16xi32>
    %shift_left3A_575 = arith.shli %xor3A_571, %shift_left3A_574 : vector<16xi32>
    %shift_right_logical3A_576 = arith.constant 17 : i32
    %shift_right_logical3A_577 = vector.broadcast %shift_right_logical3A_576 : i32 to vector<16xi32>
    %shift_right_logical3A_578 = arith.shrui %xor3A_571, %shift_right_logical3A_577 : vector<16xi32>
    %or3A_579 = arith.ori %shift_left3A_575, %shift_right_logical3A_578 : vector<16xi32>
    %xor3A_580 = arith.xori %or3A_579, %add3A_572 : vector<16xi32>
    %add3A_581 = arith.addi %add3A_572, %xor3A_580 : vector<16xi32>
    %shift_left3A_582 = arith.constant 26 : i32
    %shift_left3A_583 = vector.broadcast %shift_left3A_582 : i32 to vector<16xi32>
    %shift_left3A_584 = arith.shli %xor3A_580, %shift_left3A_583 : vector<16xi32>
    %shift_right_logical3A_585 = arith.constant 6 : i32
    %shift_right_logical3A_586 = vector.broadcast %shift_right_logical3A_585 : i32 to vector<16xi32>
    %shift_right_logical3A_587 = arith.shrui %xor3A_580, %shift_right_logical3A_586 : vector<16xi32>
    %or3A_588 = arith.ori %shift_left3A_584, %shift_right_logical3A_587 : vector<16xi32>
    %xor3A_589 = arith.xori %or3A_588, %add3A_581 : vector<16xi32>
    %add3A_590 = arith.addi %add3A_581, %xor3A_589 : vector<16xi32>
    %shift_left3A_591 = arith.constant 6 : i32
    %shift_left3A_592 = vector.broadcast %shift_left3A_591 : i32 to vector<16xi32>
    %shift_left3A_593 = arith.shli %xor3A_589, %shift_left3A_592 : vector<16xi32>
    %shift_right_logical3A_594 = arith.constant 26 : i32
    %shift_right_logical3A_595 = vector.broadcast %shift_right_logical3A_594 : i32 to vector<16xi32>
    %shift_right_logical3A_596 = arith.shrui %xor3A_589, %shift_right_logical3A_595 : vector<16xi32>
    %or3A_597 = arith.ori %shift_left3A_593, %shift_right_logical3A_596 : vector<16xi32>
    %xor3A_598 = arith.xori %or3A_597, %add3A_590 : vector<16xi32>
    %add3A_599 = arith.constant 0 : i32
    %add3A_600 = vector.broadcast %add3A_599 : i32 to vector<16xi32>
    %add3A_601 = arith.addi %add3A_590, %add3A_600 : vector<16xi32>
    %add3A_602 = arith.constant 45 : i32
    %add3A_603 = vector.broadcast %add3A_602 : i32 to vector<16xi32>
    %add3A_604 = arith.addi %xor3A_598, %add3A_603 : vector<16xi32>
    %add3A_605 = arith.addi %add3A_601, %add3A_604 : vector<16xi32>
    %shift_left3A_606 = arith.constant 17 : i32
    %shift_left3A_607 = vector.broadcast %shift_left3A_606 : i32 to vector<16xi32>
    %shift_left3A_608 = arith.shli %add3A_604, %shift_left3A_607 : vector<16xi32>
    %shift_right_logical3A_609 = arith.constant 15 : i32
    %shift_right_logical3A_610 = vector.broadcast %shift_right_logical3A_609 : i32 to vector<16xi32>
    %shift_right_logical3A_611 = arith.shrui %add3A_604, %shift_right_logical3A_610 : vector<16xi32>
    %or3A_612 = arith.ori %shift_left3A_608, %shift_right_logical3A_611 : vector<16xi32>
    %xor3A_613 = arith.xori %or3A_612, %add3A_605 : vector<16xi32>
    %add3A_614 = arith.addi %add3A_605, %xor3A_613 : vector<16xi32>
    %shift_left3A_615 = arith.constant 29 : i32
    %shift_left3A_616 = vector.broadcast %shift_left3A_615 : i32 to vector<16xi32>
    %shift_left3A_617 = arith.shli %xor3A_613, %shift_left3A_616 : vector<16xi32>
    %shift_right_logical3A_618 = arith.constant 3 : i32
    %shift_right_logical3A_619 = vector.broadcast %shift_right_logical3A_618 : i32 to vector<16xi32>
    %shift_right_logical3A_620 = arith.shrui %xor3A_613, %shift_right_logical3A_619 : vector<16xi32>
    %or3A_621 = arith.ori %shift_left3A_617, %shift_right_logical3A_620 : vector<16xi32>
    %xor3A_622 = arith.xori %or3A_621, %add3A_614 : vector<16xi32>
    %add3A_623 = arith.addi %add3A_614, %xor3A_622 : vector<16xi32>
    %shift_left3A_624 = arith.constant 16 : i32
    %shift_left3A_625 = vector.broadcast %shift_left3A_624 : i32 to vector<16xi32>
    %shift_left3A_626 = arith.shli %xor3A_622, %shift_left3A_625 : vector<16xi32>
    %shift_right_logical3A_627 = arith.constant 16 : i32
    %shift_right_logical3A_628 = vector.broadcast %shift_right_logical3A_627 : i32 to vector<16xi32>
    %shift_right_logical3A_629 = arith.shrui %xor3A_622, %shift_right_logical3A_628 : vector<16xi32>
    %or3A_630 = arith.ori %shift_left3A_626, %shift_right_logical3A_629 : vector<16xi32>
    %xor3A_631 = arith.xori %or3A_630, %add3A_623 : vector<16xi32>
    %add3A_632 = arith.addi %add3A_623, %xor3A_631 : vector<16xi32>
    %shift_left3A_633 = arith.constant 24 : i32
    %shift_left3A_634 = vector.broadcast %shift_left3A_633 : i32 to vector<16xi32>
    %shift_left3A_635 = arith.shli %xor3A_631, %shift_left3A_634 : vector<16xi32>
    %shift_right_logical3A_636 = arith.constant 8 : i32
    %shift_right_logical3A_637 = vector.broadcast %shift_right_logical3A_636 : i32 to vector<16xi32>
    %shift_right_logical3A_638 = arith.shrui %xor3A_631, %shift_right_logical3A_637 : vector<16xi32>
    %or3A_639 = arith.ori %shift_left3A_635, %shift_right_logical3A_638 : vector<16xi32>
    %xor3A_640 = arith.xori %or3A_639, %add3A_632 : vector<16xi32>
    %add3A_641 = arith.constant 42 : i32
    %add3A_642 = vector.broadcast %add3A_641 : i32 to vector<16xi32>
    %add3A_643 = arith.addi %add3A_632, %add3A_642 : vector<16xi32>
    %add3A_644 = arith.constant 466689012 : i32
    %add3A_645 = vector.broadcast %add3A_644 : i32 to vector<16xi32>
    %add3A_646 = arith.addi %xor3A_640, %add3A_645 : vector<16xi32>
    %add3A_647 = arith.addi %add3A_643, %add3A_646 : vector<16xi32>
    %shift_left3A_648 = arith.constant 13 : i32
    %shift_left3A_649 = vector.broadcast %shift_left3A_648 : i32 to vector<16xi32>
    %shift_left3A_650 = arith.shli %add3A_646, %shift_left3A_649 : vector<16xi32>
    %shift_right_logical3A_651 = arith.constant 19 : i32
    %shift_right_logical3A_652 = vector.broadcast %shift_right_logical3A_651 : i32 to vector<16xi32>
    %shift_right_logical3A_653 = arith.shrui %add3A_646, %shift_right_logical3A_652 : vector<16xi32>
    %or3A_654 = arith.ori %shift_left3A_650, %shift_right_logical3A_653 : vector<16xi32>
    %xor3A_655 = arith.xori %or3A_654, %add3A_647 : vector<16xi32>
    %add3A_656 = arith.addi %add3A_647, %xor3A_655 : vector<16xi32>
    %shift_left3A_657 = arith.constant 15 : i32
    %shift_left3A_658 = vector.broadcast %shift_left3A_657 : i32 to vector<16xi32>
    %shift_left3A_659 = arith.shli %xor3A_655, %shift_left3A_658 : vector<16xi32>
    %shift_right_logical3A_660 = arith.constant 17 : i32
    %shift_right_logical3A_661 = vector.broadcast %shift_right_logical3A_660 : i32 to vector<16xi32>
    %shift_right_logical3A_662 = arith.shrui %xor3A_655, %shift_right_logical3A_661 : vector<16xi32>
    %or3A_663 = arith.ori %shift_left3A_659, %shift_right_logical3A_662 : vector<16xi32>
    %xor3A_664 = arith.xori %or3A_663, %add3A_656 : vector<16xi32>
    %add3A_665 = arith.addi %add3A_656, %xor3A_664 : vector<16xi32>
    %shift_left3A_666 = arith.constant 26 : i32
    %shift_left3A_667 = vector.broadcast %shift_left3A_666 : i32 to vector<16xi32>
    %shift_left3A_668 = arith.shli %xor3A_664, %shift_left3A_667 : vector<16xi32>
    %shift_right_logical3A_669 = arith.constant 6 : i32
    %shift_right_logical3A_670 = vector.broadcast %shift_right_logical3A_669 : i32 to vector<16xi32>
    %shift_right_logical3A_671 = arith.shrui %xor3A_664, %shift_right_logical3A_670 : vector<16xi32>
    %or3A_672 = arith.ori %shift_left3A_668, %shift_right_logical3A_671 : vector<16xi32>
    %xor3A_673 = arith.xori %or3A_672, %add3A_665 : vector<16xi32>
    %add3A_674 = arith.addi %add3A_665, %xor3A_673 : vector<16xi32>
    %add3A_675 = arith.constant 466689008 : i32
    %add3A_676 = vector.broadcast %add3A_675 : i32 to vector<16xi32>
    %add3A_677 = arith.addi %add3A_674, %add3A_676 : vector<16xi32>
    %shift_right_logical3A_678 = arith.constant 31 : i32
    %shift_right_logical3A_679 = vector.broadcast %shift_right_logical3A_678 : i32 to vector<16xi32>
    %shift_right_logical3A_680 = arith.shrui %add3A_677, %shift_right_logical3A_679 : vector<16xi32>
    %eq3A_681 = arith.constant 0 : i32
    %eq3A_682 = vector.broadcast %eq3A_681 : i32 to vector<16xi32>
    %eq3A_683 = arith.cmpi eq, %shift_right_logical3A_680, %eq3A_682 : vector<16xi32>
    %get3A_684 = arith.index_cast %add3A_467 : i32 to index
    %get3A_685 = tpu.vector_load %arg4[%get3A_684] {strides = array<i32>} : memref<83888xf32, #tpu.memory_space<vmem>>, vector<16xf32>,
    %get3A_686 = vector.shape_cast %get3A_685 : vector<16xf32> to vector<16xf32>
    %mul3A_687 = arith.constant 2.000000e+00 : f32
    %mul3A_688 = vector.broadcast %mul3A_687 : f32 to vector<16xf32>
    %mul3A_689 = arith.mulf %get3A_686, %mul3A_688 : vector<16xf32>
    %jit3A_690 = arith.constant 0.000000e+00 : f64
    %convert_element_type3A_691 = arith.truncf %jit3A_690 : f64 to f32
    %broadcast_in_dim3A_692 = vector.broadcast %convert_element_type3A_691 : f32 to vector<16xf32>
    %select_n3A_693 = arith.select %eq3A_683, %mul3A_689, %broadcast_in_dim3A_692 : vector<16xi1>, vector<16xf32>
    %swap3A_694 = arith.index_cast %add3A_467 : i32 to index
    %swap3A_695 = tpu.vector_load %arg4[%swap3A_694] {strides = array<i32>} : memref<83888xf32, #tpu.memory_space<vmem>>, vector<16xf32>,
    %swap3A_696 = vector.shape_cast %swap3A_695 : vector<16xf32> to vector<16xf32>
    %swap3A_697 = vector.shape_cast %select_n3A_693 : vector<16xf32> to vector<16xf32>
    tpu.vector_store %arg4[%swap3A_694], %swap3A_697 {strides = array<i32>} : memref<83888xf32, #tpu.memory_space<vmem>>, vector<16xf32>,
    %add3A_698 = arith.constant 16 : i32
    %add3A_699 = arith.addi %add3A_467, %add3A_698 : i32
    %scan3A_700 = arith.constant 5243 : i32
    %convert_element_type3A_701 = arith.extui %eq3A_3 : i1 to i32
    %cond3A_702 = arith.constant 0 : i32
    %cond3A_703 = arith.cmpi ne, %convert_element_type3A_701, %cond3A_702 : i32
    scf.if %cond3A_703 {
      %iota3A_712 = tpu.iota {dimensions = array<i32: 0>} : vector<16xi32>
      %add3A_713 = arith.constant 2684352 : i32
      %add3A_714 = vector.broadcast %add3A_713 : i32 to vector<16xi32>
      %add3A_715 = arith.addi %iota3A_712, %add3A_714 : vector<16xi32>
      %broadcast_in_dim3A_716 = arith.constant 0 : i32
      %broadcast_in_dim3A_717 = vector.broadcast %broadcast_in_dim3A_716 : i32 to vector<16xi32>
      %add3A_718 = arith.constant 42 : i32
      %add3A_719 = vector.broadcast %add3A_718 : i32 to vector<16xi32>
      %add3A_720 = arith.addi %add3A_715, %add3A_719 : vector<16xi32>
      %add3A_721 = arith.addi %broadcast_in_dim3A_717, %add3A_720 : vector<16xi32>
      %shift_left3A_722 = arith.constant 13 : i32
      %shift_left3A_723 = vector.broadcast %shift_left3A_722 : i32 to vector<16xi32>
      %shift_left3A_724 = arith.shli %add3A_720, %shift_left3A_723 : vector<16xi32>
      %shift_right_logical3A_725 = arith.constant 19 : i32
      %shift_right_logical3A_726 = vector.broadcast %shift_right_logical3A_725 : i32 to vector<16xi32>
      %shift_right_logical3A_727 = arith.shrui %add3A_720, %shift_right_logical3A_726 : vector<16xi32>
      %or3A_728 = arith.ori %shift_left3A_724, %shift_right_logical3A_727 : vector<16xi32>
      %xor3A_729 = arith.xori %or3A_728, %add3A_721 : vector<16xi32>
      %add3A_730 = arith.addi %add3A_721, %xor3A_729 : vector<16xi32>
      %shift_left3A_731 = arith.constant 15 : i32
      %shift_left3A_732 = vector.broadcast %shift_left3A_731 : i32 to vector<16xi32>
      %shift_left3A_733 = arith.shli %xor3A_729, %shift_left3A_732 : vector<16xi32>
      %shift_right_logical3A_734 = arith.constant 17 : i32
      %shift_right_logical3A_735 = vector.broadcast %shift_right_logical3A_734 : i32 to vector<16xi32>
      %shift_right_logical3A_736 = arith.shrui %xor3A_729, %shift_right_logical3A_735 : vector<16xi32>
      %or3A_737 = arith.ori %shift_left3A_733, %shift_right_logical3A_736 : vector<16xi32>
      %xor3A_738 = arith.xori %or3A_737, %add3A_730 : vector<16xi32>
      %add3A_739 = arith.addi %add3A_730, %xor3A_738 : vector<16xi32>
      %shift_left3A_740 = arith.constant 26 : i32
      %shift_left3A_741 = vector.broadcast %shift_left3A_740 : i32 to vector<16xi32>
      %shift_left3A_742 = arith.shli %xor3A_738, %shift_left3A_741 : vector<16xi32>
      %shift_right_logical3A_743 = arith.constant 6 : i32
      %shift_right_logical3A_744 = vector.broadcast %shift_right_logical3A_743 : i32 to vector<16xi32>
      %shift_right_logical3A_745 = arith.shrui %xor3A_738, %shift_right_logical3A_744 : vector<16xi32>
      %or3A_746 = arith.ori %shift_left3A_742, %shift_right_logical3A_745 : vector<16xi32>
      %xor3A_747 = arith.xori %or3A_746, %add3A_739 : vector<16xi32>
      %add3A_748 = arith.addi %add3A_739, %xor3A_747 : vector<16xi32>
      %shift_left3A_749 = arith.constant 6 : i32
      %shift_left3A_750 = vector.broadcast %shift_left3A_749 : i32 to vector<16xi32>
      %shift_left3A_751 = arith.shli %xor3A_747, %shift_left3A_750 : vector<16xi32>
      %shift_right_logical3A_752 = arith.constant 26 : i32
      %shift_right_logical3A_753 = vector.broadcast %shift_right_logical3A_752 : i32 to vector<16xi32>
      %shift_right_logical3A_754 = arith.shrui %xor3A_747, %shift_right_logical3A_753 : vector<16xi32>
      %or3A_755 = arith.ori %shift_left3A_751, %shift_right_logical3A_754 : vector<16xi32>
      %xor3A_756 = arith.xori %or3A_755, %add3A_748 : vector<16xi32>
      %add3A_757 = arith.constant 42 : i32
      %add3A_758 = vector.broadcast %add3A_757 : i32 to vector<16xi32>
      %add3A_759 = arith.addi %add3A_748, %add3A_758 : vector<16xi32>
      %add3A_760 = arith.constant 466689009 : i32
      %add3A_761 = vector.broadcast %add3A_760 : i32 to vector<16xi32>
      %add3A_762 = arith.addi %xor3A_756, %add3A_761 : vector<16xi32>
      %add3A_763 = arith.addi %add3A_759, %add3A_762 : vector<16xi32>
      %shift_left3A_764 = arith.constant 17 : i32
      %shift_left3A_765 = vector.broadcast %shift_left3A_764 : i32 to vector<16xi32>
      %shift_left3A_766 = arith.shli %add3A_762, %shift_left3A_765 : vector<16xi32>
      %shift_right_logical3A_767 = arith.constant 15 : i32
      %shift_right_logical3A_768 = vector.broadcast %shift_right_logical3A_767 : i32 to vector<16xi32>
      %shift_right_logical3A_769 = arith.shrui %add3A_762, %shift_right_logical3A_768 : vector<16xi32>
      %or3A_770 = arith.ori %shift_left3A_766, %shift_right_logical3A_769 : vector<16xi32>
      %xor3A_771 = arith.xori %or3A_770, %add3A_763 : vector<16xi32>
      %add3A_772 = arith.addi %add3A_763, %xor3A_771 : vector<16xi32>
      %shift_left3A_773 = arith.constant 29 : i32
      %shift_left3A_774 = vector.broadcast %shift_left3A_773 : i32 to vector<16xi32>
      %shift_left3A_775 = arith.shli %xor3A_771, %shift_left3A_774 : vector<16xi32>
      %shift_right_logical3A_776 = arith.constant 3 : i32
      %shift_right_logical3A_777 = vector.broadcast %shift_right_logical3A_776 : i32 to vector<16xi32>
      %shift_right_logical3A_778 = arith.shrui %xor3A_771, %shift_right_logical3A_777 : vector<16xi32>
      %or3A_779 = arith.ori %shift_left3A_775, %shift_right_logical3A_778 : vector<16xi32>
      %xor3A_780 = arith.xori %or3A_779, %add3A_772 : vector<16xi32>
      %add3A_781 = arith.addi %add3A_772, %xor3A_780 : vector<16xi32>
      %shift_left3A_782 = arith.constant 16 : i32
      %shift_left3A_783 = vector.broadcast %shift_left3A_782 : i32 to vector<16xi32>
      %shift_left3A_784 = arith.shli %xor3A_780, %shift_left3A_783 : vector<16xi32>
      %shift_right_logical3A_785 = arith.constant 16 : i32
      %shift_right_logical3A_786 = vector.broadcast %shift_right_logical3A_785 : i32 to vector<16xi32>
      %shift_right_logical3A_787 = arith.shrui %xor3A_780, %shift_right_logical3A_786 : vector<16xi32>
      %or3A_788 = arith.ori %shift_left3A_784, %shift_right_logical3A_787 : vector<16xi32>
      %xor3A_789 = arith.xori %or3A_788, %add3A_781 : vector<16xi32>
      %add3A_790 = arith.addi %add3A_781, %xor3A_789 : vector<16xi32>
      %shift_left3A_791 = arith.constant 24 : i32
      %shift_left3A_792 = vector.broadcast %shift_left3A_791 : i32 to vector<16xi32>
      %shift_left3A_793 = arith.shli %xor3A_789, %shift_left3A_792 : vector<16xi32>
      %shift_right_logical3A_794 = arith.constant 8 : i32
      %shift_right_logical3A_795 = vector.broadcast %shift_right_logical3A_794 : i32 to vector<16xi32>
      %shift_right_logical3A_796 = arith.shrui %xor3A_789, %shift_right_logical3A_795 : vector<16xi32>
      %or3A_797 = arith.ori %shift_left3A_793, %shift_right_logical3A_796 : vector<16xi32>
      %xor3A_798 = arith.xori %or3A_797, %add3A_790 : vector<16xi32>
      %add3A_799 = arith.constant 466689008 : i32
      %add3A_800 = vector.broadcast %add3A_799 : i32 to vector<16xi32>
      %add3A_801 = arith.addi %add3A_790, %add3A_800 : vector<16xi32>
      %add3A_802 = arith.constant 2 : i32
      %add3A_803 = vector.broadcast %add3A_802 : i32 to vector<16xi32>
      %add3A_804 = arith.addi %xor3A_798, %add3A_803 : vector<16xi32>
      %add3A_805 = arith.addi %add3A_801, %add3A_804 : vector<16xi32>
      %shift_left3A_806 = arith.constant 13 : i32
      %shift_left3A_807 = vector.broadcast %shift_left3A_806 : i32 to vector<16xi32>
      %shift_left3A_808 = arith.shli %add3A_804, %shift_left3A_807 : vector<16xi32>
      %shift_right_logical3A_809 = arith.constant 19 : i32
      %shift_right_logical3A_810 = vector.broadcast %shift_right_logical3A_809 : i32 to vector<16xi32>
      %shift_right_logical3A_811 = arith.shrui %add3A_804, %shift_right_logical3A_810 : vector<16xi32>
      %or3A_812 = arith.ori %shift_left3A_808, %shift_right_logical3A_811 : vector<16xi32>
      %xor3A_813 = arith.xori %or3A_812, %add3A_805 : vector<16xi32>
      %add3A_814 = arith.addi %add3A_805, %xor3A_813 : vector<16xi32>
      %shift_left3A_815 = arith.constant 15 : i32
      %shift_left3A_816 = vector.broadcast %shift_left3A_815 : i32 to vector<16xi32>
      %shift_left3A_817 = arith.shli %xor3A_813, %shift_left3A_816 : vector<16xi32>
      %shift_right_logical3A_818 = arith.constant 17 : i32
      %shift_right_logical3A_819 = vector.broadcast %shift_right_logical3A_818 : i32 to vector<16xi32>
      %shift_right_logical3A_820 = arith.shrui %xor3A_813, %shift_right_logical3A_819 : vector<16xi32>
      %or3A_821 = arith.ori %shift_left3A_817, %shift_right_logical3A_820 : vector<16xi32>
      %xor3A_822 = arith.xori %or3A_821, %add3A_814 : vector<16xi32>
      %add3A_823 = arith.addi %add3A_814, %xor3A_822 : vector<16xi32>
      %shift_left3A_824 = arith.constant 26 : i32
      %shift_left3A_825 = vector.broadcast %shift_left3A_824 : i32 to vector<16xi32>
      %shift_left3A_826 = arith.shli %xor3A_822, %shift_left3A_825 : vector<16xi32>
      %shift_right_logical3A_827 = arith.constant 6 : i32
      %shift_right_logical3A_828 = vector.broadcast %shift_right_logical3A_827 : i32 to vector<16xi32>
      %shift_right_logical3A_829 = arith.shrui %xor3A_822, %shift_right_logical3A_828 : vector<16xi32>
      %or3A_830 = arith.ori %shift_left3A_826, %shift_right_logical3A_829 : vector<16xi32>
      %xor3A_831 = arith.xori %or3A_830, %add3A_823 : vector<16xi32>
      %add3A_832 = arith.addi %add3A_823, %xor3A_831 : vector<16xi32>
      %shift_left3A_833 = arith.constant 6 : i32
      %shift_left3A_834 = vector.broadcast %shift_left3A_833 : i32 to vector<16xi32>
      %shift_left3A_835 = arith.shli %xor3A_831, %shift_left3A_834 : vector<16xi32>
      %shift_right_logical3A_836 = arith.constant 26 : i32
      %shift_right_logical3A_837 = vector.broadcast %shift_right_logical3A_836 : i32 to vector<16xi32>
      %shift_right_logical3A_838 = arith.shrui %xor3A_831, %shift_right_logical3A_837 : vector<16xi32>
      %or3A_839 = arith.ori %shift_left3A_835, %shift_right_logical3A_838 : vector<16xi32>
      %xor3A_840 = arith.xori %or3A_839, %add3A_832 : vector<16xi32>
      %add3A_841 = arith.constant 0 : i32
      %add3A_842 = vector.broadcast %add3A_841 : i32 to vector<16xi32>
      %add3A_843 = arith.addi %add3A_832, %add3A_842 : vector<16xi32>
      %add3A_844 = arith.constant 45 : i32
      %add3A_845 = vector.broadcast %add3A_844 : i32 to vector<16xi32>
      %add3A_846 = arith.addi %xor3A_840, %add3A_845 : vector<16xi32>
      %add3A_847 = arith.addi %add3A_843, %add3A_846 : vector<16xi32>
      %shift_left3A_848 = arith.constant 17 : i32
      %shift_left3A_849 = vector.broadcast %shift_left3A_848 : i32 to vector<16xi32>
      %shift_left3A_850 = arith.shli %add3A_846, %shift_left3A_849 : vector<16xi32>
      %shift_right_logical3A_851 = arith.constant 15 : i32
      %shift_right_logical3A_852 = vector.broadcast %shift_right_logical3A_851 : i32 to vector<16xi32>
      %shift_right_logical3A_853 = arith.shrui %add3A_846, %shift_right_logical3A_852 : vector<16xi32>
      %or3A_854 = arith.ori %shift_left3A_850, %shift_right_logical3A_853 : vector<16xi32>
      %xor3A_855 = arith.xori %or3A_854, %add3A_847 : vector<16xi32>
      %add3A_856 = arith.addi %add3A_847, %xor3A_855 : vector<16xi32>
      %shift_left3A_857 = arith.constant 29 : i32
      %shift_left3A_858 = vector.broadcast %shift_left3A_857 : i32 to vector<16xi32>
      %shift_left3A_859 = arith.shli %xor3A_855, %shift_left3A_858 : vector<16xi32>
      %shift_right_logical3A_860 = arith.constant 3 : i32
      %shift_right_logical3A_861 = vector.broadcast %shift_right_logical3A_860 : i32 to vector<16xi32>
      %shift_right_logical3A_862 = arith.shrui %xor3A_855, %shift_right_logical3A_861 : vector<16xi32>
      %or3A_863 = arith.ori %shift_left3A_859, %shift_right_logical3A_862 : vector<16xi32>
      %xor3A_864 = arith.xori %or3A_863, %add3A_856 : vector<16xi32>
      %add3A_865 = arith.addi %add3A_856, %xor3A_864 : vector<16xi32>
      %shift_left3A_866 = arith.constant 16 : i32
      %shift_left3A_867 = vector.broadcast %shift_left3A_866 : i32 to vector<16xi32>
      %shift_left3A_868 = arith.shli %xor3A_864, %shift_left3A_867 : vector<16xi32>
      %shift_right_logical3A_869 = arith.constant 16 : i32
      %shift_right_logical3A_870 = vector.broadcast %shift_right_logical3A_869 : i32 to vector<16xi32>
      %shift_right_logical3A_871 = arith.shrui %xor3A_864, %shift_right_logical3A_870 : vector<16xi32>
      %or3A_872 = arith.ori %shift_left3A_868, %shift_right_logical3A_871 : vector<16xi32>
      %xor3A_873 = arith.xori %or3A_872, %add3A_865 : vector<16xi32>
      %add3A_874 = arith.addi %add3A_865, %xor3A_873 : vector<16xi32>
      %shift_left3A_875 = arith.constant 24 : i32
      %shift_left3A_876 = vector.broadcast %shift_left3A_875 : i32 to vector<16xi32>
      %shift_left3A_877 = arith.shli %xor3A_873, %shift_left3A_876 : vector<16xi32>
      %shift_right_logical3A_878 = arith.constant 8 : i32
      %shift_right_logical3A_879 = vector.broadcast %shift_right_logical3A_878 : i32 to vector<16xi32>
      %shift_right_logical3A_880 = arith.shrui %xor3A_873, %shift_right_logical3A_879 : vector<16xi32>
      %or3A_881 = arith.ori %shift_left3A_877, %shift_right_logical3A_880 : vector<16xi32>
      %xor3A_882 = arith.xori %or3A_881, %add3A_874 : vector<16xi32>
      %add3A_883 = arith.constant 42 : i32
      %add3A_884 = vector.broadcast %add3A_883 : i32 to vector<16xi32>
      %add3A_885 = arith.addi %add3A_874, %add3A_884 : vector<16xi32>
      %add3A_886 = arith.constant 466689012 : i32
      %add3A_887 = vector.broadcast %add3A_886 : i32 to vector<16xi32>
      %add3A_888 = arith.addi %xor3A_882, %add3A_887 : vector<16xi32>
      %add3A_889 = arith.addi %add3A_885, %add3A_888 : vector<16xi32>
      %shift_left3A_890 = arith.constant 13 : i32
      %shift_left3A_891 = vector.broadcast %shift_left3A_890 : i32 to vector<16xi32>
      %shift_left3A_892 = arith.shli %add3A_888, %shift_left3A_891 : vector<16xi32>
      %shift_right_logical3A_893 = arith.constant 19 : i32
      %shift_right_logical3A_894 = vector.broadcast %shift_right_logical3A_893 : i32 to vector<16xi32>
      %shift_right_logical3A_895 = arith.shrui %add3A_888, %shift_right_logical3A_894 : vector<16xi32>
      %or3A_896 = arith.ori %shift_left3A_892, %shift_right_logical3A_895 : vector<16xi32>
      %xor3A_897 = arith.xori %or3A_896, %add3A_889 : vector<16xi32>
      %add3A_898 = arith.addi %add3A_889, %xor3A_897 : vector<16xi32>
      %shift_left3A_899 = arith.constant 15 : i32
      %shift_left3A_900 = vector.broadcast %shift_left3A_899 : i32 to vector<16xi32>
      %shift_left3A_901 = arith.shli %xor3A_897, %shift_left3A_900 : vector<16xi32>
      %shift_right_logical3A_902 = arith.constant 17 : i32
      %shift_right_logical3A_903 = vector.broadcast %shift_right_logical3A_902 : i32 to vector<16xi32>
      %shift_right_logical3A_904 = arith.shrui %xor3A_897, %shift_right_logical3A_903 : vector<16xi32>
      %or3A_905 = arith.ori %shift_left3A_901, %shift_right_logical3A_904 : vector<16xi32>
      %xor3A_906 = arith.xori %or3A_905, %add3A_898 : vector<16xi32>
      %add3A_907 = arith.addi %add3A_898, %xor3A_906 : vector<16xi32>
      %shift_left3A_908 = arith.constant 26 : i32
      %shift_left3A_909 = vector.broadcast %shift_left3A_908 : i32 to vector<16xi32>
      %shift_left3A_910 = arith.shli %xor3A_906, %shift_left3A_909 : vector<16xi32>
      %shift_right_logical3A_911 = arith.constant 6 : i32
      %shift_right_logical3A_912 = vector.broadcast %shift_right_logical3A_911 : i32 to vector<16xi32>
      %shift_right_logical3A_913 = arith.shrui %xor3A_906, %shift_right_logical3A_912 : vector<16xi32>
      %or3A_914 = arith.ori %shift_left3A_910, %shift_right_logical3A_913 : vector<16xi32>
      %xor3A_915 = arith.xori %or3A_914, %add3A_907 : vector<16xi32>
      %add3A_916 = arith.addi %add3A_907, %xor3A_915 : vector<16xi32>
      %add3A_917 = arith.constant 466689008 : i32
      %add3A_918 = vector.broadcast %add3A_917 : i32 to vector<16xi32>
      %add3A_919 = arith.addi %add3A_916, %add3A_918 : vector<16xi32>
      %shift_right_logical3A_920 = arith.constant 31 : i32
      %shift_right_logical3A_921 = vector.broadcast %shift_right_logical3A_920 : i32 to vector<16xi32>
      %shift_right_logical3A_922 = arith.shrui %add3A_919, %shift_right_logical3A_921 : vector<16xi32>
      %eq3A_923 = arith.constant 0 : i32
      %eq3A_924 = vector.broadcast %eq3A_923 : i32 to vector<16xi32>
      %eq3A_925 = arith.cmpi eq, %shift_right_logical3A_922, %eq3A_924 : vector<16xi32>
      %get3A_926 = arith.constant 0 : index
      %get3A_927 = tpu.vector_load %arg5[%get3A_926] {strides = array<i32>} : memref<16xf32, #tpu.memory_space<vmem>>, vector<16xf32>,
      %get3A_928 = vector.shape_cast %get3A_927 : vector<16xf32> to vector<16xf32>
      %mul3A_929 = arith.constant 2.000000e+00 : f32
      %mul3A_930 = vector.broadcast %mul3A_929 : f32 to vector<16xf32>
      %mul3A_931 = arith.mulf %get3A_928, %mul3A_930 : vector<16xf32>
      %jit3A_932 = arith.constant 0.000000e+00 : f64
      %convert_element_type3A_933 = arith.truncf %jit3A_932 : f64 to f32
      %broadcast_in_dim3A_934 = vector.broadcast %convert_element_type3A_933 : f32 to vector<16xf32>
      %select_n3A_935 = arith.select %eq3A_925, %mul3A_931, %broadcast_in_dim3A_934 : vector<16xi1>, vector<16xf32>
      %swap3A_936 = arith.constant 0 : index
      %swap3A_937 = tpu.vector_load %arg5[%swap3A_936] {strides = array<i32>} : memref<16xf32, #tpu.memory_space<vmem>>, vector<16xf32>,
      %swap3A_938 = vector.shape_cast %swap3A_937 : vector<16xf32> to vector<16xf32>
      %swap3A_939 = vector.shape_cast %select_n3A_935 : vector<16xf32> to vector<16xf32>
      tpu.vector_store %arg5[%swap3A_936], %swap3A_939 {strides = array<i32>} : memref<16xf32, #tpu.memory_space<vmem>>, vector<16xf32>,
    } else {
    }
    %not3A_704 = arith.constant true
    %not3A_705 = arith.xori %eq3A_3, %not3A_704 : i1
    %convert_element_type3A_706 = arith.extui %not3A_705 : i1 to i32
    %cond3A_707 = arith.constant 0 : i32
    %cond3A_708 = arith.cmpi ne, %convert_element_type3A_706, %cond3A_707 : i32
    scf.if %cond3A_708 {
      "tpu.region"() ({
        %run_scoped3A = tpu.sem_alloc : memref<!tpu.dma_semaphore, #tpu.memory_space<semaphore_mem>>
        %dma_start3A = tpu.memref_slice %arg3[%mul3A_2] : memref<2684354xf32, #tpu.memory_space<hbm>> -> memref<83888xf32, #tpu.memory_space<hbm>>
        %dma_start3A_712 = tpu.memref_slice %arg3[%mul3A_2] : memref<2684354xf32, #tpu.memory_space<hbm>> -> memref<83888xf32, #tpu.memory_space<hbm>>
        tpu.enqueue_dma source(%arg4 : memref<83888xf32, #tpu.memory_space<vmem>>) target(%dma_start3A_712 : memref<83888xf32, #tpu.memory_space<hbm>>) target_semaphore(%run_scoped3A : memref<!tpu.dma_semaphore, #tpu.memory_space<semaphore_mem>>)
        %dma_wait3A = tpu.memref_slice %arg3[%mul3A_2] : memref<2684354xf32, #tpu.memory_space<hbm>> -> memref<83888xf32, #tpu.memory_space<hbm>>
        %dma_wait3A_713 = tpu.memref_slice %arg3[%mul3A_2] : memref<2684354xf32, #tpu.memory_space<hbm>> -> memref<83888xf32, #tpu.memory_space<hbm>>
        tpu.wait_dma2 semaphore(%run_scoped3A : memref<!tpu.dma_semaphore, #tpu.memory_space<semaphore_mem>>) src(%arg4 : memref<83888xf32, #tpu.memory_space<vmem>>) dst(%dma_wait3A_713 : memref<83888xf32, #tpu.memory_space<hbm>>)
        tpu.yield
      }) : () -> ()
    } else {
    }
    %convert_element_type3A_709 = arith.extui %eq3A_3 : i1 to i32
    %cond3A_710 = arith.constant 0 : i32
    %cond3A_711 = arith.cmpi ne, %convert_element_type3A_709, %cond3A_710 : i32
    scf.if %cond3A_711 {
      "tpu.region"() ({
        %run_scoped3A = tpu.sem_alloc : memref<!tpu.dma_semaphore, #tpu.memory_space<semaphore_mem>>
        %dma_start3A = arith.constant 0 : i32
        %dma_start3A_712 = tpu.memref_slice %arg4[%dma_start3A] : memref<83888xf32, #tpu.memory_space<vmem>> -> memref<83824xf32, #tpu.memory_space<vmem>>
        %dma_start3A_713 = tpu.memref_slice %arg3[%mul3A_2] : memref<2684354xf32, #tpu.memory_space<hbm>> -> memref<83824xf32, #tpu.memory_space<hbm>>
        %dma_start3A_714 = tpu.memref_slice %arg3[%mul3A_2] : memref<2684354xf32, #tpu.memory_space<hbm>> -> memref<83824xf32, #tpu.memory_space<hbm>>
        %dma_start3A_715 = arith.constant 0 : i32
        %dma_start3A_716 = tpu.memref_slice %arg4[%dma_start3A_715] : memref<83888xf32, #tpu.memory_space<vmem>> -> memref<83824xf32, #tpu.memory_space<vmem>>
        tpu.enqueue_dma source(%dma_start3A_716 : memref<83824xf32, #tpu.memory_space<vmem>>) target(%dma_start3A_714 : memref<83824xf32, #tpu.memory_space<hbm>>) target_semaphore(%run_scoped3A : memref<!tpu.dma_semaphore, #tpu.memory_space<semaphore_mem>>)
        %dma_wait3A = arith.constant 0 : i32
        %dma_wait3A_717 = tpu.memref_slice %arg4[%dma_wait3A] : memref<83888xf32, #tpu.memory_space<vmem>> -> memref<83824xf32, #tpu.memory_space<vmem>>
        %dma_wait3A_718 = tpu.memref_slice %arg3[%mul3A_2] : memref<2684354xf32, #tpu.memory_space<hbm>> -> memref<83824xf32, #tpu.memory_space<hbm>>
        %dma_wait3A_719 = tpu.memref_slice %arg3[%mul3A_2] : memref<2684354xf32, #tpu.memory_space<hbm>> -> memref<83824xf32, #tpu.memory_space<hbm>>
        %dma_wait3A_720 = arith.constant 0 : i32
        %dma_wait3A_721 = tpu.memref_slice %arg4[%dma_wait3A_720] : memref<83888xf32, #tpu.memory_space<vmem>> -> memref<83824xf32, #tpu.memory_space<vmem>>
        tpu.wait_dma2 semaphore(%run_scoped3A : memref<!tpu.dma_semaphore, #tpu.memory_space<semaphore_mem>>) src(%dma_wait3A_721 : memref<83824xf32, #tpu.memory_space<vmem>>) dst(%dma_wait3A_719 : memref<83824xf32, #tpu.memory_space<hbm>>)
        tpu.yield
      }) : () -> ()
      "tpu.region"() ({
        %run_scoped3A = tpu.sem_alloc : memref<!tpu.dma_semaphore, #tpu.memory_space<semaphore_mem>>
        %dma_start3A = arith.constant 0 : i32
        %dma_start3A_712 = tpu.memref_slice %arg5[%dma_start3A] : memref<16xf32, #tpu.memory_space<vmem>> -> memref<2xf32, #tpu.memory_space<vmem>>
        %dma_start3A_713 = arith.constant 2684352 : i32
        %dma_start3A_714 = tpu.memref_slice %arg3[%dma_start3A_713] : memref<2684354xf32, #tpu.memory_space<hbm>> -> memref<2xf32, #tpu.memory_space<hbm>>
        %dma_start3A_715 = arith.constant 2684352 : i32
        %dma_start3A_716 = tpu.memref_slice %arg3[%dma_start3A_715] : memref<2684354xf32, #tpu.memory_space<hbm>> -> memref<2xf32, #tpu.memory_space<hbm>>
        %dma_start3A_717 = arith.constant 0 : i32
        %dma_start3A_718 = tpu.memref_slice %arg5[%dma_start3A_717] : memref<16xf32, #tpu.memory_space<vmem>> -> memref<2xf32, #tpu.memory_space<vmem>>
        tpu.enqueue_dma source(%dma_start3A_718 : memref<2xf32, #tpu.memory_space<vmem>>) target(%dma_start3A_716 : memref<2xf32, #tpu.memory_space<hbm>>) target_semaphore(%run_scoped3A : memref<!tpu.dma_semaphore, #tpu.memory_space<semaphore_mem>>)
        %dma_wait3A = arith.constant 0 : i32
        %dma_wait3A_719 = tpu.memref_slice %arg5[%dma_wait3A] : memref<16xf32, #tpu.memory_space<vmem>> -> memref<2xf32, #tpu.memory_space<vmem>>
        %dma_wait3A_720 = arith.constant 2684352 : i32
        %dma_wait3A_721 = tpu.memref_slice %arg3[%dma_wait3A_720] : memref<2684354xf32, #tpu.memory_space<hbm>> -> memref<2xf32, #tpu.memory_space<hbm>>
        %dma_wait3A_722 = arith.constant 2684352 : i32
        %dma_wait3A_723 = tpu.memref_slice %arg3[%dma_wait3A_722] : memref<2684354xf32, #tpu.memory_space<hbm>> -> memref<2xf32, #tpu.memory_space<hbm>>
        %dma_wait3A_724 = arith.constant 0 : i32
        %dma_wait3A_725 = tpu.memref_slice %arg5[%dma_wait3A_724] : memref<16xf32, #tpu.memory_space<vmem>> -> memref<2xf32, #tpu.memory_space<vmem>>
        tpu.wait_dma2 semaphore(%run_scoped3A : memref<!tpu.dma_semaphore, #tpu.memory_space<semaphore_mem>>) src(%dma_wait3A_725 : memref<2xf32, #tpu.memory_space<vmem>>) dst(%dma_wait3A_723 : memref<2xf32, #tpu.memory_space<hbm>>)
        tpu.yield
      }) : () -> ()
    } else {
    }
    return
  }
}

</mosaic_0001>

<sc_bundles>
// kernel: kernel.3.cloned.1.call-start
scs
__scs_entry_jumppad:
0x0: {  	(pc) =	sbr.rel $0x88, $3  }
0x1: {  	(tag) =	ssettag $0x0;
	lr =	simm.s32 $0x1  }
0x2: {  	[smem:$0x3F9F] =	sst lr;
	_ =	strace $0xD0000000  }
0x3: {  	_ = 	snop  }
0x4: {  	_ = 	snop  }
0x5: {  	_ = 	snop  }
0x6: {  	_ = 	snop  }
0x7: {  	_ = 	snop  }
__scs_overlays_trampoline_lowered:
0x8: {  	[smem:$0x3FAE] =	sst s0  }
0x9: {  	[smem:$0x3FAF] =	sst s1  }
0xa: {  	[smem:$0x3FB0] =	sst s2  }
0xb: {  	[smem:$0x3FB1] =	sst s3  }
0xc: {  	[smem:$0x3FB2] =	sst s4  }
0xd: {  	[smem:$0x3FB3] =	sst s5  }
0xe: {  	[smem:$0x3FB4] =	sst s6  }
0xf: {  	[smem:$0x3FB5] =	sst s7  }
0x10: {  	[smem:$0x3FB6] =	sst s8  }
0x11: {  	[smem:$0x3FB7] =	sst s9;
	s0 =	simm.s32 @!p0 $0x0  }
0x12: {  	s1 =	sld [smem:$0x3F9D];
	s0 =	simm.s32 @p0 $0x1  }
0x13: {  	[smem:$0x3FB8] =	sst s0;
	s0 =	simm.s32 @!p1 $0x0  }
0x14: {  	s2 =	sld [smem:$0x3F9C];
	s0 =	simm.s32 @p1 $0x1  }
0x15: {  	[smem:$0x3FB9] =	sst s0;
	s0 =	simm.s32 @!p2 $0x0  }
0x16: {  	s3 =	sld [smem:$0x3FDB];
	s0 =	simm.s32 @p2 $0x1  }
0x17: {  	s4 =	simm.s32 $0x1BF5;
	[smem:$0x3FBB] =	sst s0  }
0x18: {  	s0 =	sld [smem:$0x3F9E];
	_ =	swait.ge [sflag:s4], $0x0  }
0x19: {  	s7 =	sld [smem:$0x3F9F]  }
0x1a: {  	s8 =	sadd.s32 $0xFFFFE003, lr  }
0x1b: {  	s9 =	sadd.s32 $0xFFFFFEF7, lr;
	s5 =	simm.s32 $0xFFFFFFFF;
	p2 =	slt.u32 s8, $0xFFFFF086  }
0x1c: {  	p1 =	slt.u32 s9, $0xF7A;
	s5 =	simm.s32 @!p2 $0x0  }
0x1d: {  	s5 =	simm.s32 @p1 $0x1;
	p0 =	seq.s32 s7, s2  }
0x1e: {  	s7 =	smul.u32 @!p0 $0xF7A, s2;
	p2 =	seq.s32 @!p0 s5, $0x0  }
0x1f: {  	s9 =	smul.u32 $0xF7A, s1;
	s8 =	simm.s32 @!p0 $0x1BF5;
	p2 =	por !p2, p0  }
0x20: {  	[sflag:s8] =	ssyncset.s32 @!p0 $0xFFFFF086;
	s6 =	sadd.s32 @!p0 s3, s7;
	s7 =	simm.s32 @!p0 $0x108  }
0x21: {  	s3 =	sadd.s32 s3, s9;
	s6 =	sadd.s32 @!p0 $0x88, s6;
	s7 =	simm.s32 @p2 $0x1082  }
0x22: {  	[simem:s7], [sflag:s8] =	dma.local @!p0 [hbm:s6], $0xF7A  }
0x23: {  	s9 =	sor.u32 $0xD0000000, s2;
	s6 =	simm.s32 $0x108;
	_ =	swait.ge @!p0 [sflag:s8], $0x0  }
0x24: {  	s3 =	sadd.s32 $0x88, s3;
	s6 =	simm.s32 @!p1 $0x1082;
	[sflag:s4] =	ssyncset.s32 $0xFFFFF086  }
0x25: {  	[simem:s6], [sflag:s4] =	dma.local [hbm:s3], $0xF7A  }
0x26: {  	[smem:$0x3F9F] =	sst s1;
	(tag) =	ssettag s2;
	_ =	strace s9  }
0x27: {  	s1 =	sld [smem:$0x3FAF]  }
0x28: {  	s2 =	sld [smem:$0x3FB0]  }
0x29: {  	s4 =	sld [smem:$0x3FB2]  }
0x2a: {  	p0 =	seq.s32 s5, $0x0;
	s5 =	sld [smem:$0x3FB3]  }
0x2b: {  	s6 =	sld [smem:$0x3FB4]  }
0x2c: {  	s7 =	sld [smem:$0x3FB5]  }
0x2d: {  	s3 =	simm.s32 $0x108;
	s8 =	sld [smem:$0x3FB6]  }
0x2e: {  	s3 =	simm.s32 @!p0 $0x1082;
	s9 =	sld [smem:$0x3FB7]  }
0x2f: {  	lr =	sadd.s32 s0, s3;
	s0 =	sld [smem:$0x3FAE]  }
0x30: {  	s3 =	sld [smem:$0x3FB1]  }
0x31: {  	[smem:$0x3FBA] =	sst s10  }
0x32: {  	s10 =	sld [smem:$0x3FB8];
	_ =	sdelay $0x3  }
0x33: {  	p0 =	seq.s32 s10, $0x1;
	s10 =	sld [smem:$0x3FBA];
	_ =	sdelay $0x3  }
0x34: {  	[smem:$0x3FBA] =	sst s10  }
0x35: {  	s10 =	sld [smem:$0x3FB9];
	_ =	sdelay $0x3  }
0x36: {  	p1 =	seq.s32 s10, $0x1;
	s10 =	sld [smem:$0x3FBA];
	_ =	sdelay $0x3  }
0x37: {  	[smem:$0x3FBA] =	sst s10  }
0x38: {  	s10 =	sld [smem:$0x3FBB]  }
0x39: {  	_ = 	snop;
	(pc) =	sbr.ind lr, $3  }
0x3a: {  	_ = 	snop  }
0x3b: {  	_ = 	snop  }
0x3c: {  	p2 =	seq.s32 s10, $0x1;
	s10 =	sld [smem:$0x3FBA]  }
0x3d: {  	_ =	shalt  }
0x3e: {  	_ =	shalt  }
0x3f: {  	_ =	shalt  }
0x40: {  	_ =	shalt  }
0x41: {  	_ =	shalt  }
0x42: {  	_ =	shalt  }
0x43: {  	_ =	shalt  }
0x44: {  	_ =	shalt  }
0x45: {  	_ =	shalt  }
0x46: {  	_ =	shalt  }
0x47: {  	_ =	shalt  }
0x48: {  	_ =	shalt  }
0x49: {  	_ =	shalt  }
0x4a: {  	_ =	shalt  }
0x4b: {  	_ =	shalt  }
0x4c: {  	_ =	shalt  }
0x4d: {  	_ =	shalt  }
0x4e: {  	_ =	shalt  }
0x4f: {  	_ =	shalt  }
0x50: {  	_ =	shalt  }
0x51: {  	_ =	shalt  }
0x52: {  	_ =	shalt  }
0x53: {  	_ =	shalt  }
0x54: {  	_ =	shalt  }
0x55: {  	_ =	shalt  }
0x56: {  	_ =	shalt  }
0x57: {  	_ =	shalt  }
0x58: {  	_ =	shalt  }
0x59: {  	_ =	shalt  }
0x5a: {  	_ =	shalt  }
0x5b: {  	_ =	shalt  }
0x5c: {  	_ =	shalt  }
0x5d: {  	_ =	shalt  }
0x5e: {  	_ =	shalt  }
0x5f: {  	_ =	shalt  }
0x60: {  	_ =	shalt  }
0x61: {  	_ =	shalt  }
0x62: {  	_ =	shalt  }
0x63: {  	_ =	shalt  }
0x64: {  	_ =	shalt  }
0x65: {  	_ =	shalt  }
0x66: {  	_ =	shalt  }
0x67: {  	_ =	shalt  }
0x68: {  	_ =	shalt  }
0x69: {  	_ =	shalt  }
0x6a: {  	_ =	shalt  }
0x6b: {  	_ =	shalt  }
0x6c: {  	_ =	shalt  }
0x6d: {  	_ =	shalt  }
0x6e: {  	_ =	shalt  }
0x6f: {  	_ =	shalt  }
0x70: {  	_ =	shalt  }
0x71: {  	_ =	shalt  }
0x72: {  	_ =	shalt  }
0x73: {  	_ =	shalt  }
0x74: {  	_ =	shalt  }
0x75: {  	_ =	shalt  }
0x76: {  	_ =	shalt  }
0x77: {  	_ =	shalt  }
0x78: {  	_ =	shalt  }
0x79: {  	_ =	shalt  }
0x7a: {  	_ =	shalt  }
0x7b: {  	_ =	shalt  }
0x7c: {  	_ =	shalt  }
0x7d: {  	_ =	shalt  }
0x7e: {  	_ =	shalt  }
0x7f: {  	_ =	shalt  }
0x80: {  	_ =	shalt  }
0x81: {  	_ =	shalt  }
0x82: {  	_ =	shalt  }
0x83: {  	_ =	shalt  }
0x84: {  	_ =	shalt  }
0x85: {  	_ =	shalt  }
0x86: {  	_ =	shalt  }
0x87: {  	_ =	shalt  }
.Lfunc_end0:
.L_simem_size_0:
called_computation_lowered:
.L_overlay_start_0:
0x88: {  	s2 =	sld [smem:$0x3FD9]  }
0x89: {  	s3 =	sld [smem:$0x3FFE];
	_ =	sdelay $0x1  }
0x8a: {  	s1 =	srdreg.scid  }
0x8b: {  	s0 =	sand.u32 $0x1, s1  }
0x8c: {  	s15 =	sshll.u32 s0, $0xA;
	s2 =	sadd.s32 s3, s2  }
0x8d: {  	s2 =	sadd.s32 s2, s15  }
0x8e: {  	[smem:$0x3FC6] =	sst s2  }
0x8f: {  	_ = 	snop  }
0x90: {  	s2 =	sld [smem:$0x3FD0];
	_ =	sdelay $0x2  }
0x91: {  	s4 =	simm.s32 $0xA;
	s5 =	simm.s32 $0x10;
	s16 =	sld [smem:$0x3FC8]  }
0x92: {  	[smem:s5], [sflag:s4] =	dma.local [hbm:s2], $0x1  }
0x93: {  	_ =	swait.eq [sflag:s4], $0x1  }
0x94: {  	[sflag:s4] =	ssyncset.done $0x0  }
0x95: {  	[sflag:s4] =	ssyncadd.s32 $0xFFFFFFFF  }
0x96: {  	s17 =	sld [smem:$0x11];
	(tm) =	ssettm $0x1  }
0x97: {  	s18 =	sld [smem:$0x3FFB];
	_ =	sdelay $0x3  }
0x98: {  	_ =	strace s18  }
0x99: {  	s4 =	sld [smem:$0x3FFC];
	_ =	sdelay $0x3  }
0x9a: {  	_ =	strace s4  }
0x9b: {  	s4 =	sld [smem:$0x3FFD];
	_ =	sdelay $0x3  }
0x9c: {  	_ =	strace s4  }
0x9d: {  	_ =	strace $0x8FFFFFFF  }
0x9e: {  	s19 =	sld [smem:$0x3FDB];
	_ =	sdelay $0x1  }
0x9f: {  	s20 =	simm.s32 $_scs_section_size  }
0xa0: {  	s6 =	simm.s32 $_size__tile_overlayer_lowered;
	s7 =	simm.s32 $_tile_overlayer_lowered  }
0xa1: {  	s23 =	simm.s32 $0x1BFF;
	s22 =	sshll.u32 s7, $0x1;
	s4 =	sadd.s32 s20, s19  }
0xa2: {  	s8 =	simm.s32 $0x0;
	s21 =	sshll.u32 s6, $0x1;
	s6 =	sadd.s32 s22, s4  }
0xa3: {  	[timem:s8], [sflag:s23] =	dma.local [hbm:s6], s21  }
0xa4: {  	_ =	swait.ge [sflag:s23], s21  }
0xa5: {  	s5 =	ssub.s32 $0x0, s21;
	[sflag:s23] =	ssyncset.done $0x0  }
0xa6: {  	[sflag:s23] =	ssyncadd.s32 s5;
	_ =	sdelay $0x1  }
0xa7: {  	s24 =	simm.s32 $0x1B8B  }
0xa8: {  	_ =	swait.ge [sflag:s24], $0x1  }
0xa9: {  	[sflag:s24] =	ssyncset.done $0x0  }
0xaa: {  	s25 =	simm.s32 $0x1B8E;
	[sflag:s24] =	ssyncadd.s32 $0xFFFFFFFF  }
0xab: {  	s26 =	simm.s32 $execute0_lowered;
	[smem:$0x3FD2] =	sst s25  }
0xac: {  	s5 =	sshll.u32 s26, $0x1;
	_ =	strace $0x80000046;
	[dreg:$0x1] =	wrdreg $0xFFFFFFFF  }
0xad: {  	s28 =	simm.s32 $_size_execute0_lowered;
	s4 =	sadd.s32 s4, s5;
	[dreg:$0x0] =	wrdreg $0x0  }
0xae: {  	s5 =	sshll.u32 s28, $0x1;
	[dreg:$0x2] =	wrdreg s4  }
0xaf: {  	[dreg:$0x3] =	wrdreg s5  }
0xb0: {  	[dreg:$0x4] =	wrdreg $0xC0  }
0xb1: {  	_ =	task [dreg:s8], $0x5FFFF  }
0xb2: {  	[dreg:$0x1] =	wrdreg $0xFFFFFFFF  }
0xb3: {  	[dreg:$0x0] =	wrdreg $0x60  }
0xb4: {  	[dreg:$0x2] =	wrdreg s16  }
0xb5: {  	[dreg:$0x3] =	wrdreg s17  }
0xb6: {  	[dreg:$0x4] =	wrdreg $0x9  }
0xb7: {  	_ =	task.clear_ibuf [dreg:s8], $0x5FFFF;
	_ =	strace $0x90000046  }
0xb8: {  	s29 =	simm.s32 $0x9;
	_ =	strace $0x80000048  }
0xb9: {  	_ =	swait.ge [sflag:s29], $0x1  }
0xba: {  	[sflag:s29] =	ssyncadd.s32 $0xFFFFFFFF  }
0xbb: {  	_ =	strace $0x90000048  }
0xbc: {  	_ =	sfence  }
0xbd: {  	s30 =	sld [smem:$0x0];
	_ =	sdelay $0x2  }
0xbe: {  	s31 =	sshll.u32 s1, $0xD;
	s1 =	sshrl.u32 s1, $0x2  }
0xbf: {  	s3 =	sand.u32 $0x4000, s31;
	s1 =	sadd.s32 s1, s30  }
0xc0: {  	s0 =	sor.u32 s3, s0;
	s1 =	sshll.u32 s1, $0x11  }
0xc1: {  	s0 =	sor.u32 s1, s0  }
0xc2: {  	s0 =	sadd.s32 $0x8F2B, s0  }
0xc3: {  	[sflag:s0] =	ssyncadd.remote.s32 $0x1  }
0xc4: {  	_ =	sfence.sel $0xFFFF  }
0xc5: {  	[dreg:$0x0] =	wrdreg $0xFFFFFFFF;
	(pc) =	sbr.abs _section_cstart, $3  }
0xc6: {  	[dreg:$0x1] =	wrdreg $0xFFFFFFFF  }
0xc7: {  	_ =	task.clear_ibuf [dreg:s8], $0x2FFFF;
	_ =	strace $0x9FFFFFFF  }
0xc8: {  	(tm) =	ssettm $0x7FFFFFFF  }
0xc9: {  	_ =	shalt  }
tec
execute0_lowered:
.L_overlay_start_1:
0x0: {  	(tag) =	ssettag $0x1  }
0x1: {  	s1 =	srdreg.scid;
	s0 =	stileid.u32  }
0x2: {  	s6 =	sand.u32 $0x1, s1;
	s28 =	sshll.u32 s0, $0x1  }
0x3: {  	s11 =	sor.u32 s6, s28  }
0x4: {  	s3 =	smul.u32 $0x147B0, s11  }
0x5: {  	v0 =	vlaneseq.u32  }
0x6: {  	v0 =	vadd.s32 $0x2A, v0;
	s29 =	sadd.s32 $0x14780, s3  }
0x7: {  	v1 =	vadd.s32 s29, v0  }
0x8: {  	v2 =	vshrl.u32 v1, $0x13;
	v3 =	vshll.u32 v1, $0xD  }
0x9: {  	v2 =	vor.u32 v2, v3  }
0xa: {  	v2 =	vxor.u32 v1, v2  }
0xb: {  	v3 =	vshrl.u32 v2, $0x11;
	v4 =	vshll.u32 v2, $0xF  }
0xc: {  	v1 =	vadd.s32 v1, v2;
	v2 =	vor.u32 v3, v4  }
0xd: {  	v2 =	vxor.u32 v1, v2  }
0xe: {  	v3 =	vshrl.u32 v2, $0x6;
	v27 =	vshll.u32 v2, $0x1A  }
0xf: {  	v1 =	vadd.s32 v1, v2;
	v2 =	vor.u32 v3, v27  }
0x10: {  	v2 =	vxor.u32 v1, v2  }
0x11: {  	v3 =	vshrl.u32 v2, $0x1A;
	v28 =	vshll.u32 v2, $0x6  }
0x12: {  	v1 =	vadd.s32 v1, v2;
	v2 =	vor.u32 v3, v28  }
0x13: {  	v2 =	vxor.u32 v1, v2  }
0x14: {  	v2 =	vadd.s32 $0x1BD11BF1, v2  }
0x15: {  	v1 =	vadd.s32 v2, v1;
	v3 =	vshrl.u32 v2, $0xF;
	v2 =	vshll.u32 v2, $0x11  }
0x16: {  	v1 =	vadd.s32 $0x2A, v1;
	v2 =	vor.u32 v3, v2  }
0x17: {  	v2 =	vxor.u32 v1, v2  }
0x18: {  	v3 =	vshrl.u32 v2, $0x3;
	v29 =	vshll.u32 v2, $0x1D  }
0x19: {  	v1 =	vadd.s32 v1, v2;
	v2 =	vor.u32 v3, v29  }
0x1a: {  	v2 =	vxor.u32 v1, v2  }
0x1b: {  	v3 =	vshrl.u32 v2, $0x10;
	v30 =	vshll.u32 v2, $0x10  }
0x1c: {  	v1 =	vadd.s32 v1, v2;
	v2 =	vor.u32 v3, v30  }
0x1d: {  	v2 =	vxor.u32 v1, v2  }
0x1e: {  	v3 =	vshrl.u32 v2, $0x8;
	v31 =	vshll.u32 v2, $0x18  }
0x1f: {  	v1 =	vadd.s32 v1, v2;
	v2 =	vor.u32 v3, v31  }
0x20: {  	v2 =	vxor.u32 v1, v2  }
0x21: {  	v2 =	vadd.s32 $0x2, v2  }
0x22: {  	v1 =	vadd.s32 v2, v1;
	v3 =	vshrl.u32 v2, $0x13;
	v2 =	vshll.u32 v2, $0xD  }
0x23: {  	v1 =	vadd.s32 $0x1BD11BF0, v1;
	v2 =	vor.u32 v3, v2  }
0x24: {  	v2 =	vxor.u32 v1, v2  }
0x25: {  	v3 =	vshrl.u32 v2, $0x11;
	v32 =	vshll.u32 v2, $0xF  }
0x26: {  	v1 =	vadd.s32 v1, v2;
	v2 =	vor.u32 v3, v32  }
0x27: {  	v2 =	vxor.u32 v1, v2  }
0x28: {  	v3 =	vshrl.u32 v2, $0x6;
	v33 =	vshll.u32 v2, $0x1A  }
0x29: {  	v1 =	vadd.s32 v1, v2;
	v2 =	vor.u32 v3, v33  }
0x2a: {  	v2 =	vxor.u32 v1, v2  }
0x2b: {  	v3 =	vshrl.u32 v2, $0x1A;
	v34 =	vshll.u32 v2, $0x6  }
0x2c: {  	v1 =	vadd.s32 v1, v2;
	v2 =	vor.u32 v3, v34  }
0x2d: {  	s30 =	sadd.s32 $0x14790, s3;
	v2 =	vxor.u32 v1, v2  }
0x2e: {  	s31 =	sadd.s32 $0x147A0, s3;
	v36 =	vadd.s32 s30, v0;
	v2 =	vadd.s32 $0x2D, v2  }
0x2f: {  	v53 =	vadd.s32 s31, v0;
	v3 =	vshrl.u32 v2, $0xF;
	v35 =	vshll.u32 v2, $0x11  }
0x30: {  	v6 =	vshrl.u32 v36, $0x13;
	v1 =	vadd.s32 v1, v2;
	v2 =	vor.u32 v3, v35  }
0x31: {  	v7 =	vshll.u32 v36, $0xD;
	v54 =	vshrl.u32 v53, $0x13;
	v2 =	vxor.u32 v1, v2  }
0x32: {  	v55 =	vshll.u32 v53, $0xD;
	v3 =	vshrl.u32 v2, $0x3;
	v5 =	vshll.u32 v2, $0x1D  }
0x33: {  	v1 =	vadd.s32 v1, v2;
	v2 =	vor.u32 v3, v5;
	v3 =	vor.u32 v6, v7  }
0x34: {  	v6 =	vor.u32 v54, v55;
	v2 =	vxor.u32 v1, v2;
	v3 =	vxor.u32 v36, v3  }
0x35: {  	v6 =	vxor.u32 v53, v6;
	v37 =	vshrl.u32 v2, $0x10;
	v38 =	vshrl.u32 v3, $0x11  }
0x36: {  	v39 =	vshll.u32 v3, $0xF;
	v8 =	vshll.u32 v2, $0x10;
	v3 =	vadd.s32 v36, v3  }
0x37: {  	v1 =	vadd.s32 v1, v2;
	v57 =	vshrl.u32 v6, $0x11;
	v58 =	vshll.u32 v6, $0xF  }
0x38: {  	v5 =	vadd.s32 v53, v6;
	v40 =	vor.u32 v38, v39;
	v2 =	vor.u32 v37, v8  }
0x39: {  	v59 =	vor.u32 v57, v58;
	v4 =	vxor.u32 v3, v40;
	v2 =	vxor.u32 v1, v2  }
0x3a: {  	v6 =	vxor.u32 v5, v59;
	v41 =	vshrl.u32 v4, $0x6;
	v42 =	vshll.u32 v4, $0x1A  }
0x3b: {  	v1 =	vadd.s32 v1, v2;
	v3 =	vadd.s32 v3, v4;
	v44 =	vshrl.u32 v2, $0x8  }
0x3c: {  	v2 =	vshll.u32 v2, $0x18;
	v61 =	vshrl.u32 v6, $0x6;
	v9 =	vshll.u32 v6, $0x1A  }
0x3d: {  	v5 =	vadd.s32 v5, v6;
	v43 =	vor.u32 v41, v42;
	v62 =	vor.u32 v61, v9  }
0x3e: {  	v2 =	vor.u32 v44, v2;
	v4 =	vxor.u32 v3, v43;
	v6 =	vxor.u32 v5, v62  }
0x3f: {  	v45 =	vshrl.u32 v4, $0x1A;
	v46 =	vshll.u32 v4, $0x6;
	v3 =	vadd.s32 v3, v4  }
0x40: {  	v63 =	vshrl.u32 v6, $0x1A;
	v12 =	vshll.u32 v6, $0x6;
	v47 =	vor.u32 v45, v46  }
0x41: {  	v5 =	vadd.s32 v5, v6;
	v13 =	vor.u32 v63, v12;
	v4 =	vxor.u32 v3, v47  }
0x42: {  	v2 =	vxor.u32 v1, v2;
	v6 =	vxor.u32 v5, v13;
	v4 =	vadd.s32 $0x1BD11BF1, v4  }
0x43: {  	v6 =	vadd.s32 $0x1BD11BF1, v6;
	v3 =	vadd.s32 v4, v3;
	v48 =	vshrl.u32 v4, $0xF  }
0x44: {  	v4 =	vshll.u32 v4, $0x11;
	v5 =	vadd.s32 v6, v5;
	v16 =	vshrl.u32 v6, $0xF  }
0x45: {  	v6 =	vshll.u32 v6, $0x11;
	v3 =	vadd.s32 $0x2A, v3;
	v4 =	vor.u32 v48, v4  }
0x46: {  	v5 =	vadd.s32 $0x2A, v5;
	v6 =	vor.u32 v16, v6;
	v4 =	vxor.u32 v3, v4  }
0x47: {  	v2 =	vadd.s32 $0x1BD11BF4, v2;
	v6 =	vxor.u32 v5, v6;
	v50 =	vshrl.u32 v4, $0x3  }
0x48: {  	v51 =	vshll.u32 v4, $0x1D;
	v3 =	vadd.s32 v3, v4;
	v5 =	vadd.s32 v5, v6  }
0x49: {  	v17 =	vshrl.u32 v6, $0x3;
	v6 =	vshll.u32 v6, $0x1D;
	v52 =	vor.u32 v50, v51  }
0x4a: {  	v1 =	vadd.s32 v2, v1;
	v6 =	vor.u32 v17, v6;
	v4 =	vxor.u32 v3, v52  }
0x4b: {  	v6 =	vxor.u32 v5, v6;
	v3 =	vadd.s32 v3, v4;
	v56 =	vshrl.u32 v4, $0x10  }
0x4c: {  	v4 =	vshll.u32 v4, $0x10;
	v21 =	vshrl.u32 v6, $0x10;
	v22 =	vshll.u32 v6, $0x10  }
0x4d: {  	v5 =	vadd.s32 v5, v6;
	v4 =	vor.u32 v56, v4;
	v23 =	vor.u32 v21, v22  }
0x4e: {  	v49 =	vshrl.u32 v2, $0x13;
	v4 =	vxor.u32 v3, v4;
	v6 =	vxor.u32 v5, v23  }
0x4f: {  	v3 =	vadd.s32 v3, v4;
	v60 =	vshrl.u32 v4, $0x8;
	v4 =	vshll.u32 v4, $0x18  }
0x50: {  	v25 =	vshrl.u32 v6, $0x8;
	v26 =	vshll.u32 v6, $0x18;
	v4 =	vor.u32 v60, v4  }
0x51: {  	v5 =	vadd.s32 v5, v6;
	v27 =	vor.u32 v25, v26;
	v4 =	vxor.u32 v3, v4  }
0x52: {  	v2 =	vshll.u32 v2, $0xD;
	v6 =	vxor.u32 v5, v27;
	v4 =	vadd.s32 $0x2, v4  }
0x53: {  	v1 =	vadd.s32 $0x2A, v1;
	v6 =	vadd.s32 $0x2, v6;
	v3 =	vadd.s32 v4, v3  }
0x54: {  	v15 =	vshrl.u32 v4, $0x13;
	v4 =	vshll.u32 v4, $0xD;
	v5 =	vadd.s32 v6, v5  }
0x55: {  	v29 =	vshrl.u32 v6, $0x13;
	v6 =	vshll.u32 v6, $0xD;
	v3 =	vadd.s32 $0x1BD11BF0, v3  }
0x56: {  	v4 =	vor.u32 v15, v4;
	v5 =	vadd.s32 $0x1BD11BF0, v5;
	v6 =	vor.u32 v29, v6  }
0x57: {  	v2 =	vor.u32 v49, v2;
	v4 =	vxor.u32 v3, v4;
	v6 =	vxor.u32 v5, v6  }
0x58: {  	v18 =	vshrl.u32 v4, $0x11;
	v19 =	vshll.u32 v4, $0xF;
	v3 =	vadd.s32 v3, v4  }
0x59: {  	v30 =	vshrl.u32 v6, $0x11;
	v31 =	vshll.u32 v6, $0xF;
	v20 =	vor.u32 v18, v19  }
0x5a: {  	v5 =	vadd.s32 v5, v6;
	v32 =	vor.u32 v30, v31;
	v4 =	vxor.u32 v3, v20  }
0x5b: {  	v6 =	vxor.u32 v5, v32;
	v3 =	vadd.s32 v3, v4;
	v24 =	vshrl.u32 v4, $0x6  }
0x5c: {  	v4 =	vshll.u32 v4, $0x1A;
	v34 =	vshrl.u32 v6, $0x6;
	v35 =	vshll.u32 v6, $0x1A  }
0x5d: {  	v5 =	vadd.s32 v5, v6;
	v4 =	vor.u32 v24, v4;
	v36 =	vor.u32 v34, v35  }
0x5e: {  	v2 =	vxor.u32 v1, v2;
	v4 =	vxor.u32 v3, v4;
	v6 =	vxor.u32 v5, v36  }
0x5f: {  	v3 =	vadd.s32 v3, v4;
	v28 =	vshrl.u32 v4, $0x1A;
	v4 =	vshll.u32 v4, $0x6  }
0x60: {  	v38 =	vshrl.u32 v6, $0x1A;
	v39 =	vshll.u32 v6, $0x6;
	v4 =	vor.u32 v28, v4  }
0x61: {  	v5 =	vadd.s32 v5, v6;
	v40 =	vor.u32 v38, v39;
	v4 =	vxor.u32 v3, v4  }
0x62: {  	v1 =	vadd.s32 v1, v2;
	v6 =	vxor.u32 v5, v40;
	v4 =	vadd.s32 $0x2D, v4  }
0x63: {  	v6 =	vadd.s32 $0x2D, v6;
	v3 =	vadd.s32 v3, v4;
	v33 =	vshrl.u32 v4, $0xF  }
0x64: {  	v4 =	vshll.u32 v4, $0x11;
	v42 =	vshrl.u32 v6, $0xF;
	v43 =	vshll.u32 v6, $0x11  }
0x65: {  	v5 =	vadd.s32 v5, v6;
	v4 =	vor.u32 v33, v4;
	v44 =	vor.u32 v42, v43  }
0x66: {  	v14 =	vshrl.u32 v2, $0x11;
	v4 =	vxor.u32 v3, v4;
	v6 =	vxor.u32 v5, v44  }
0x67: {  	v3 =	vadd.s32 v3, v4;
	v37 =	vshrl.u32 v4, $0x3;
	v4 =	vshll.u32 v4, $0x1D  }
0x68: {  	v5 =	vadd.s32 v5, v6;
	v46 =	vshrl.u32 v6, $0x3;
	v6 =	vshll.u32 v6, $0x1D  }
0x69: {  	v2 =	vshll.u32 v2, $0xF;
	v4 =	vor.u32 v37, v4;
	v6 =	vor.u32 v46, v6  }
0x6a: {  	v2 =	vor.u32 v14, v2;
	v4 =	vxor.u32 v3, v4;
	v6 =	vxor.u32 v5, v6  }
0x6b: {  	v3 =	vadd.s32 v3, v4;
	v41 =	vshrl.u32 v4, $0x10;
	v4 =	vshll.u32 v4, $0x10  }
0x6c: {  	v50 =	vshrl.u32 v6, $0x10;
	v51 =	vshll.u32 v6, $0x10;
	v4 =	vor.u32 v41, v4  }
0x6d: {  	v5 =	vadd.s32 v5, v6;
	v52 =	vor.u32 v50, v51;
	v4 =	vxor.u32 v3, v4  }
0x6e: {  	v2 =	vxor.u32 v1, v2;
	v6 =	vxor.u32 v5, v52;
	v47 =	vshrl.u32 v4, $0x8  }
0x6f: {  	v48 =	vshll.u32 v4, $0x18;
	v3 =	vadd.s32 v3, v4;
	v5 =	vadd.s32 v5, v6  }
0x70: {  	v53 =	vshrl.u32 v6, $0x8;
	v6 =	vshll.u32 v6, $0x18;
	v49 =	vor.u32 v47, v48  }
0x71: {  	v1 =	vadd.s32 v1, v2;
	v6 =	vor.u32 v53, v6;
	v4 =	vxor.u32 v3, v49  }
0x72: {  	v45 =	vshrl.u32 v2, $0x6;
	v6 =	vxor.u32 v5, v6;
	v4 =	vadd.s32 $0x1BD11BF4, v4  }
0x73: {  	v2 =	vshll.u32 v2, $0x1A;
	v6 =	vadd.s32 $0x1BD11BF4, v6;
	v3 =	vadd.s32 v4, v3  }
0x74: {  	v54 =	vshrl.u32 v4, $0x13;
	v4 =	vshll.u32 v4, $0xD;
	v5 =	vadd.s32 v6, v5  }
0x75: {  	v55 =	vshrl.u32 v6, $0x13;
	v6 =	vshll.u32 v6, $0xD;
	v3 =	vadd.s32 $0x2A, v3  }
0x76: {  	v4 =	vor.u32 v54, v4;
	v5 =	vadd.s32 $0x2A, v5;
	v6 =	vor.u32 v55, v6  }
0x77: {  	v2 =	vor.u32 v45, v2;
	v4 =	vxor.u32 v3, v4;
	v6 =	vxor.u32 v5, v6  }
0x78: {  	v3 =	vadd.s32 v3, v4;
	v56 =	vshrl.u32 v4, $0x11;
	v4 =	vshll.u32 v4, $0xF  }
0x79: {  	s5 =	rddreg [dreg:$0x0];
	v57 =	vshrl.u32 v6, $0x11;
	v58 =	vshll.u32 v6, $0xF;
	v4 =	vor.u32 v56, v4  }
0x7a: {  	s8 =	rddreg [dreg:$0x1];
	v5 =	vadd.s32 v5, v6;
	v59 =	vor.u32 v57, v58;
	v4 =	vxor.u32 v3, v4  }
0x7b: {  	s2 =	simm.s32 $0x0;
	s1 =	rddreg [dreg:$0x2];
	v6 =	vxor.u32 v5, v59;
	v3 =	vadd.s32 v3, v4;
	v60 =	vshrl.u32 v4, $0x6  }
0x7c: {  	[smem:$0x7FF] =	sst s2;
	s4 =	ssub.s32 $0x2, s6;
	v4 =	vshll.u32 v4, $0x1A;
	v61 =	vshrl.u32 v6, $0x6;
	v62 =	vshll.u32 v6, $0x1A  }
0x7d: {  	s12 =	smul.u32 $0x28F60, s0;
	_ =	strace $0x80000047;
	s7 =	sshrl.u32 s4, $0x1;
	v5 =	vadd.s32 v5, v6;
	v4 =	vor.u32 v60, v4;
	v63 =	vor.u32 v61, v62  }
0x7e: {  	s13 =	smul.u32 $0x147B0, s6;
	p0 =	seq.s32 s11, $0x1F;
	s10 =	ssub.s32 s4, s7;
	v2 =	vxor.u32 v1, v2;
	v4 =	vxor.u32 v3, v4;
	v6 =	vxor.u32 v5, v63  }
0x7f: {  	s4 =	sadd.s32 $0x4F5CA, s5;
	s7 =	sadd.s32 $0x4F5CA, s8;
	s9 =	sshrl.u32 s3, $0x3;
	v1 =	vadd.s32 v2, v1;
	v2 =	vadd.s32 v4, v3;
	v3 =	vadd.s32 v6, v5  }
0x80: {  	s3 =	sadd.s32 s5, s9;
	s5 =	sadd.s32 $0x51EB8, s5;
	s6 =	sadd.s32 s8, s9;
	v1 =	vadd.s32 $0x1BD11BF0, v1;
	v2 =	vadd.s32 $0x1BD11BF0, v2;
	v3 =	vadd.s32 $0x1BD11BF0, v3  }
0x81: {  	s8 =	sadd.s32 $0x51EB8, s8;
	s9 =	smax.u32 s10, $0x1;
	s10 =	sadd.s32 s13, s12;
	vm2 =	vgt.s32 v1, $0xFFFFFFFF;
	vm0 =	vgt.s32 v3, $0xFFFFFFFF;
	vm1 =	vgt.s32 v2, $0xFFFFFFFF  }
.LBB2_1:
0x82: {  	v2 =	vadd.s32 s10, v0  }
0x83: {  	s11 =	sadd.s32 $0x10, s10;
	s12 =	sadd.s32 $0x20, s10;
	v3 =	vshrl.u32 v2, $0x13  }
0x84: {  	s28 =	sadd.s32 $0x30, s10;
	s29 =	sadd.s32 $0x40, s10;
	v4 =	vshll.u32 v2, $0xD;
	v1 =	vadd.s32 s11, v0;
	v5 =	vadd.s32 s12, v0  }
0x85: {  	v20 =	vadd.s32 s29, v0;
	v3 =	vor.u32 v3, v4;
	v4 =	vadd.s32 s28, v0  }
0x86: {  	v6 =	vshrl.u32 v5, $0x13;
	v7 =	vshll.u32 v5, $0xD;
	v10 =	vshrl.u32 v1, $0x13  }
0x87: {  	s30 =	sadd.s32 $0x20, s29;
	s14 =	sadd.s32 $0x30, s29;
	v11 =	vshll.u32 v1, $0xD;
	v21 =	vshrl.u32 v20, $0x13;
	v22 =	vshll.u32 v20, $0xD  }
0x88: {  	v23 =	vadd.s32 s30, v0;
	v24 =	vadd.s32 s14, v0;
	v8 =	vshrl.u32 v4, $0x13  }
0x89: {  	v3 =	vxor.u32 v2, v3;
	v6 =	vor.u32 v6, v7;
	v7 =	vshll.u32 v4, $0xD  }
0x8a: {  	v49 =	vor.u32 v10, v11;
	v10 =	vor.u32 v21, v22;
	v13 =	vshrl.u32 v23, $0x13  }
0x8b: {  	v14 =	vshll.u32 v23, $0xD;
	v25 =	vshll.u32 v24, $0xD;
	v2 =	vadd.s32 v2, v3  }
0x8c: {  	v9 =	vshrl.u32 v3, $0x11;
	v7 =	vor.u32 v8, v7;
	v3 =	vshll.u32 v3, $0xF  }
0x8d: {  	v6 =	vxor.u32 v5, v6;
	v10 =	vxor.u32 v20, v10;
	v13 =	vor.u32 v13, v14  }
0x8e: {  	v7 =	vxor.u32 v4, v7;
	v3 =	vor.u32 v9, v3;
	v5 =	vadd.s32 v5, v6  }
0x8f: {  	v8 =	vshrl.u32 v6, $0x11;
	v6 =	vshll.u32 v6, $0xF;
	v9 =	vxor.u32 v1, v49  }
0x90: {  	v13 =	vxor.u32 v23, v13;
	v4 =	vadd.s32 v4, v7;
	v33 =	vshrl.u32 v7, $0x11  }
0x91: {  	v3 =	vxor.u32 v2, v3;
	v6 =	vor.u32 v8, v6;
	v7 =	vshll.u32 v7, $0xF  }
0x92: {  	s31 =	sadd.s32 $0x10, s29;
	v50 =	vshll.u32 v9, $0xF;
	v1 =	vadd.s32 v1, v9;
	v11 =	vadd.s32 v23, v13  }
0x93: {  	v26 =	vshrl.u32 v13, $0x11;
	v13 =	vshll.u32 v13, $0xF;
	v23 =	vadd.s32 s31, v0  }
0x94: {  	v2 =	vadd.s32 v2, v3;
	v8 =	vshrl.u32 v3, $0x6;
	v7 =	vor.u32 v33, v7  }
0x95: {  	v3 =	vshll.u32 v3, $0x1A;
	v6 =	vxor.u32 v5, v6;
	v13 =	vor.u32 v26, v13  }
0x96: {  	v7 =	vxor.u32 v4, v7;
	v3 =	vor.u32 v8, v3;
	v5 =	vadd.s32 v5, v6  }
0x97: {  	v8 =	vshrl.u32 v6, $0x6;
	v6 =	vshll.u32 v6, $0x1A;
	v13 =	vxor.u32 v11, v13  }
0x98: {  	v4 =	vadd.s32 v4, v7;
	v34 =	vshrl.u32 v7, $0x6;
	v3 =	vxor.u32 v2, v3  }
0x99: {  	v6 =	vor.u32 v8, v6;
	v7 =	vshll.u32 v7, $0x1A;
	v11 =	vadd.s32 v11, v13  }
0x9a: {  	v29 =	vshrl.u32 v13, $0x6;
	v13 =	vshll.u32 v13, $0x1A;
	v2 =	vadd.s32 v2, v3  }
0x9b: {  	v8 =	vshrl.u32 v3, $0x1A;
	v7 =	vor.u32 v34, v7;
	v3 =	vshll.u32 v3, $0x6  }
0x9c: {  	v6 =	vxor.u32 v5, v6;
	v13 =	vor.u32 v29, v13;
	v7 =	vxor.u32 v4, v7  }
0x9d: {  	v3 =	vor.u32 v8, v3;
	v5 =	vadd.s32 v5, v6;
	v8 =	vshrl.u32 v6, $0x1A  }
0x9e: {  	v6 =	vshll.u32 v6, $0x6;
	v13 =	vxor.u32 v11, v13;
	v4 =	vadd.s32 v4, v7  }
0x9f: {  	v35 =	vshrl.u32 v7, $0x1A;
	v3 =	vxor.u32 v2, v3;
	v6 =	vor.u32 v8, v6  }
0xa0: {  	v7 =	vshll.u32 v7, $0x6;
	v11 =	vadd.s32 v11, v13;
	v32 =	vshrl.u32 v13, $0x1A  }
0xa1: {  	v13 =	vshll.u32 v13, $0x6;
	v3 =	vadd.s32 $0x1BD11BF1, v3;
	v6 =	vxor.u32 v5, v6  }
0xa2: {  	v7 =	vor.u32 v35, v7;
	v13 =	vor.u32 v32, v13;
	v2 =	vadd.s32 v3, v2  }
0xa3: {  	v8 =	vshrl.u32 v3, $0xF;
	v7 =	vxor.u32 v4, v7;
	v3 =	vshll.u32 v3, $0x11  }
0xa4: {  	v6 =	vadd.s32 $0x1BD11BF1, v6;
	v13 =	vxor.u32 v11, v13;
	v7 =	vadd.s32 $0x1BD11BF1, v7  }
0xa5: {  	v2 =	vadd.s32 $0x2A, v2;
	v3 =	vor.u32 v8, v3;
	v5 =	vadd.s32 v6, v5  }
0xa6: {  	v8 =	vshrl.u32 v6, $0xF;
	v6 =	vshll.u32 v6, $0x11;
	v13 =	vadd.s32 $0x1BD11BF1, v13  }
0xa7: {  	v4 =	vadd.s32 v7, v4;
	v3 =	vxor.u32 v2, v3;
	v36 =	vshrl.u32 v7, $0xF  }
0xa8: {  	v7 =	vshll.u32 v7, $0x11;
	v5 =	vadd.s32 $0x2A, v5;
	v6 =	vor.u32 v8, v6  }
0xa9: {  	v11 =	vadd.s32 v13, v11;
	v35 =	vshrl.u32 v13, $0xF;
	v13 =	vshll.u32 v13, $0x11  }
0xaa: {  	v4 =	vadd.s32 $0x2A, v4;
	v2 =	vadd.s32 v2, v3;
	v8 =	vshrl.u32 v3, $0x3  }
0xab: {  	v7 =	vor.u32 v36, v7;
	v3 =	vshll.u32 v3, $0x1D;
	v6 =	vxor.u32 v5, v6  }
0xac: {  	v11 =	vadd.s32 $0x2A, v11;
	v13 =	vor.u32 v35, v13;
	v7 =	vxor.u32 v4, v7  }
0xad: {  	v3 =	vor.u32 v8, v3;
	v5 =	vadd.s32 v5, v6;
	v8 =	vshrl.u32 v6, $0x3  }
0xae: {  	v6 =	vshll.u32 v6, $0x1D;
	v13 =	vxor.u32 v11, v13;
	v4 =	vadd.s32 v4, v7  }
0xaf: {  	v37 =	vshrl.u32 v7, $0x3;
	v3 =	vxor.u32 v2, v3;
	v6 =	vor.u32 v8, v6  }
0xb0: {  	v7 =	vshll.u32 v7, $0x1D;
	v11 =	vadd.s32 v11, v13;
	v2 =	vadd.s32 v2, v3  }
0xb1: {  	v8 =	vshrl.u32 v3, $0x10;
	v7 =	vor.u32 v37, v7;
	v3 =	vshll.u32 v3, $0x10  }
0xb2: {  	v6 =	vxor.u32 v5, v6;
	v7 =	vxor.u32 v4, v7;
	v3 =	vor.u32 v8, v3  }
0xb3: {  	v5 =	vadd.s32 v5, v6;
	v8 =	vshrl.u32 v6, $0x10;
	v6 =	vshll.u32 v6, $0x10  }
0xb4: {  	v4 =	vadd.s32 v4, v7;
	v38 =	vshrl.u32 v7, $0x10;
	v3 =	vxor.u32 v2, v3  }
0xb5: {  	v6 =	vor.u32 v8, v6;
	v7 =	vshll.u32 v7, $0x10;
	v2 =	vadd.s32 v2, v3  }
0xb6: {  	v8 =	vshrl.u32 v3, $0x8;
	v7 =	vor.u32 v38, v7;
	v3 =	vshll.u32 v3, $0x18  }
0xb7: {  	v6 =	vxor.u32 v5, v6;
	v38 =	vshrl.u32 v13, $0x3;
	v13 =	vshll.u32 v13, $0x1D  }
0xb8: {  	v7 =	vxor.u32 v4, v7;
	v3 =	vor.u32 v8, v3;
	v5 =	vadd.s32 v5, v6  }
0xb9: {  	v8 =	vshrl.u32 v6, $0x8;
	v6 =	vshll.u32 v6, $0x18;
	v13 =	vor.u32 v38, v13  }
0xba: {  	v4 =	vadd.s32 v4, v7;
	v39 =	vshrl.u32 v7, $0x8;
	v3 =	vxor.u32 v2, v3  }
0xbb: {  	v6 =	vor.u32 v8, v6;
	v7 =	vshll.u32 v7, $0x18;
	v13 =	vxor.u32 v11, v13  }
0xbc: {  	v3 =	vadd.s32 $0x2, v3;
	v6 =	vxor.u32 v5, v6;
	v7 =	vor.u32 v39, v7  }
0xbd: {  	v11 =	vadd.s32 v11, v13;
	v2 =	vadd.s32 v3, v2;
	v8 =	vshrl.u32 v3, $0x13  }
0xbe: {  	v7 =	vxor.u32 v4, v7;
	v3 =	vshll.u32 v3, $0xD;
	v6 =	vadd.s32 $0x2, v6  }
0xbf: {  	v7 =	vadd.s32 $0x2, v7;
	v2 =	vadd.s32 $0x1BD11BF0, v2;
	v3 =	vor.u32 v8, v3  }
0xc0: {  	v5 =	vadd.s32 v6, v5;
	v8 =	vshrl.u32 v6, $0x13;
	v6 =	vshll.u32 v6, $0xD  }
0xc1: {  	v4 =	vadd.s32 v7, v4;
	v3 =	vxor.u32 v2, v3;
	v40 =	vshrl.u32 v7, $0x13  }
0xc2: {  	v7 =	vshll.u32 v7, $0xD;
	v5 =	vadd.s32 $0x1BD11BF0, v5;
	v6 =	vor.u32 v8, v6  }
0xc3: {  	v4 =	vadd.s32 $0x1BD11BF0, v4;
	v2 =	vadd.s32 v2, v3;
	v8 =	vshrl.u32 v3, $0x11  }
0xc4: {  	v7 =	vor.u32 v40, v7;
	v3 =	vshll.u32 v3, $0xF;
	v6 =	vxor.u32 v5, v6  }
0xc5: {  	v7 =	vxor.u32 v4, v7;
	v3 =	vor.u32 v8, v3;
	v5 =	vadd.s32 v5, v6  }
0xc6: {  	v8 =	vshrl.u32 v6, $0x11;
	v6 =	vshll.u32 v6, $0xF;
	v4 =	vadd.s32 v4, v7  }
0xc7: {  	v41 =	vshrl.u32 v7, $0x11;
	v3 =	vxor.u32 v2, v3;
	v6 =	vor.u32 v8, v6  }
0xc8: {  	v7 =	vshll.u32 v7, $0xF;
	v2 =	vadd.s32 v2, v3;
	v8 =	vshrl.u32 v3, $0x6  }
0xc9: {  	v7 =	vor.u32 v41, v7;
	v3 =	vshll.u32 v3, $0x1A;
	v6 =	vxor.u32 v5, v6  }
0xca: {  	v41 =	vshrl.u32 v13, $0x10;
	v13 =	vshll.u32 v13, $0x10;
	v7 =	vxor.u32 v4, v7  }
0xcb: {  	v3 =	vor.u32 v8, v3;
	v5 =	vadd.s32 v5, v6;
	v8 =	vshrl.u32 v6, $0x6  }
0xcc: {  	v6 =	vshll.u32 v6, $0x1A;
	v13 =	vor.u32 v41, v13;
	v4 =	vadd.s32 v4, v7  }
0xcd: {  	v42 =	vshrl.u32 v7, $0x6;
	v3 =	vxor.u32 v2, v3;
	v6 =	vor.u32 v8, v6  }
0xce: {  	v7 =	vshll.u32 v7, $0x1A;
	v13 =	vxor.u32 v11, v13;
	v2 =	vadd.s32 v2, v3  }
0xcf: {  	v8 =	vshrl.u32 v3, $0x1A;
	v7 =	vor.u32 v42, v7;
	v3 =	vshll.u32 v3, $0x6  }
0xd0: {  	v6 =	vxor.u32 v5, v6;
	v11 =	vadd.s32 v11, v13;
	v7 =	vxor.u32 v4, v7  }
0xd1: {  	v3 =	vor.u32 v8, v3;
	v5 =	vadd.s32 v5, v6;
	v8 =	vshrl.u32 v6, $0x1A  }
0xd2: {  	v6 =	vshll.u32 v6, $0x6;
	v4 =	vadd.s32 v4, v7;
	v43 =	vshrl.u32 v7, $0x1A  }
0xd3: {  	v3 =	vxor.u32 v2, v3;
	v6 =	vor.u32 v8, v6;
	v7 =	vshll.u32 v7, $0x6  }
0xd4: {  	v3 =	vadd.s32 $0x2D, v3;
	v6 =	vxor.u32 v5, v6;
	v7 =	vor.u32 v43, v7  }
0xd5: {  	v2 =	vadd.s32 v2, v3;
	v8 =	vshrl.u32 v3, $0xF;
	v7 =	vxor.u32 v4, v7  }
0xd6: {  	v3 =	vshll.u32 v3, $0x11;
	v6 =	vadd.s32 $0x2D, v6;
	v7 =	vadd.s32 $0x2D, v7  }
0xd7: {  	v3 =	vor.u32 v8, v3;
	v5 =	vadd.s32 v5, v6;
	v8 =	vshrl.u32 v6, $0xF  }
0xd8: {  	v6 =	vshll.u32 v6, $0x11;
	v4 =	vadd.s32 v4, v7;
	v44 =	vshrl.u32 v7, $0xF  }
0xd9: {  	v3 =	vxor.u32 v2, v3;
	v6 =	vor.u32 v8, v6;
	v7 =	vshll.u32 v7, $0x11  }
0xda: {  	v2 =	vadd.s32 v2, v3;
	v8 =	vshrl.u32 v3, $0x3;
	v7 =	vor.u32 v44, v7  }
0xdb: {  	v3 =	vshll.u32 v3, $0x1D;
	v6 =	vxor.u32 v5, v6;
	v44 =	vshrl.u32 v13, $0x8  }
0xdc: {  	v13 =	vshll.u32 v13, $0x18;
	v7 =	vxor.u32 v4, v7;
	v3 =	vor.u32 v8, v3  }
0xdd: {  	v5 =	vadd.s32 v5, v6;
	v8 =	vshrl.u32 v6, $0x3;
	v6 =	vshll.u32 v6, $0x1D  }
0xde: {  	v13 =	vor.u32 v44, v13;
	v4 =	vadd.s32 v4, v7;
	v45 =	vshrl.u32 v7, $0x3  }
0xdf: {  	v3 =	vxor.u32 v2, v3;
	v6 =	vor.u32 v8, v6;
	v7 =	vshll.u32 v7, $0x1D  }
0xe0: {  	v13 =	vxor.u32 v11, v13;
	v2 =	vadd.s32 v2, v3;
	v8 =	vshrl.u32 v3, $0x10  }
0xe1: {  	v7 =	vor.u32 v45, v7;
	v3 =	vshll.u32 v3, $0x10;
	v6 =	vxor.u32 v5, v6  }
0xe2: {  	v13 =	vadd.s32 $0x2, v13;
	v7 =	vxor.u32 v4, v7;
	v3 =	vor.u32 v8, v3  }
0xe3: {  	v5 =	vadd.s32 v5, v6;
	v8 =	vshrl.u32 v6, $0x10;
	v6 =	vshll.u32 v6, $0x10  }
0xe4: {  	v11 =	vadd.s32 v13, v11;
	v4 =	vadd.s32 v4, v7;
	v46 =	vshrl.u32 v7, $0x10  }
0xe5: {  	v3 =	vxor.u32 v2, v3;
	v6 =	vor.u32 v8, v6;
	v7 =	vshll.u32 v7, $0x10  }
0xe6: {  	v11 =	vadd.s32 $0x1BD11BF0, v11;
	v2 =	vadd.s32 v2, v3;
	v8 =	vshrl.u32 v3, $0x8  }
0xe7: {  	v7 =	vor.u32 v46, v7;
	v3 =	vshll.u32 v3, $0x18;
	v6 =	vxor.u32 v5, v6  }
0xe8: {  	v7 =	vxor.u32 v4, v7;
	v3 =	vor.u32 v8, v3;
	v5 =	vadd.s32 v5, v6  }
0xe9: {  	v8 =	vshrl.u32 v6, $0x8;
	v6 =	vshll.u32 v6, $0x18;
	v4 =	vadd.s32 v4, v7  }
0xea: {  	v47 =	vshrl.u32 v7, $0x8;
	v3 =	vxor.u32 v2, v3;
	v6 =	vor.u32 v8, v6  }
0xeb: {  	v7 =	vshll.u32 v7, $0x18;
	v3 =	vadd.s32 $0x1BD11BF4, v3;
	v6 =	vxor.u32 v5, v6  }
0xec: {  	v7 =	vor.u32 v47, v7;
	v47 =	vshrl.u32 v13, $0x13;
	v13 =	vshll.u32 v13, $0xD  }
0xed: {  	v2 =	vadd.s32 v3, v2;
	v8 =	vshrl.u32 v3, $0x13;
	v7 =	vxor.u32 v4, v7  }
0xee: {  	v3 =	vshll.u32 v3, $0xD;
	v6 =	vadd.s32 $0x1BD11BF4, v6;
	v13 =	vor.u32 v47, v13  }
0xef: {  	v7 =	vadd.s32 $0x1BD11BF4, v7;
	v2 =	vadd.s32 $0x2A, v2;
	v3 =	vor.u32 v8, v3  }
0xf0: {  	v5 =	vadd.s32 v6, v5;
	v8 =	vshrl.u32 v6, $0x13;
	v6 =	vshll.u32 v6, $0xD  }
0xf1: {  	v13 =	vxor.u32 v11, v13;
	v4 =	vadd.s32 v7, v4;
	v3 =	vxor.u32 v2, v3  }
0xf2: {  	v48 =	vshrl.u32 v7, $0x13;
	v7 =	vshll.u32 v7, $0xD;
	v5 =	vadd.s32 $0x2A, v5  }
0xf3: {  	v6 =	vor.u32 v8, v6;
	v11 =	vadd.s32 v11, v13;
	v4 =	vadd.s32 $0x2A, v4  }
0xf4: {  	v2 =	vadd.s32 v2, v3;
	v8 =	vshrl.u32 v3, $0x11;
	v7 =	vor.u32 v48, v7  }
0xf5: {  	v3 =	vshll.u32 v3, $0xF;
	v6 =	vxor.u32 v5, v6;
	v7 =	vxor.u32 v4, v7  }
0xf6: {  	v3 =	vor.u32 v8, v3;
	v8 =	vshrl.u32 v9, $0x11;
	v5 =	vadd.s32 v5, v6  }
0xf7: {  	v51 =	vshrl.u32 v6, $0x11;
	v6 =	vshll.u32 v6, $0xF;
	v9 =	vadd.s32 v20, v10  }
0xf8: {  	v8 =	vor.u32 v8, v50;
	v4 =	vadd.s32 v4, v7;
	v12 =	vshrl.u32 v7, $0x11  }
0xf9: {  	v3 =	vxor.u32 v2, v3;
	v6 =	vor.u32 v51, v6;
	v7 =	vshll.u32 v7, $0xF  }
0xfa: {  	v50 =	vshrl.u32 v13, $0x11;
	v13 =	vshll.u32 v13, $0xF;
	v8 =	vxor.u32 v1, v8  }
0xfb: {  	v2 =	vadd.s32 v2, v3;
	v56 =	vshrl.u32 v3, $0x6;
	v7 =	vor.u32 v12, v7  }
0xfc: {  	v3 =	vshll.u32 v3, $0x1A;
	v6 =	vxor.u32 v5, v6;
	v13 =	vor.u32 v50, v13  }
0xfd: {  	v52 =	vshrl.u32 v8, $0x6;
	v53 =	vshll.u32 v8, $0x1A;
	v1 =	vadd.s32 v1, v8  }
0xfe: {  	v7 =	vxor.u32 v4, v7;
	v3 =	vor.u32 v56, v3;
	v5 =	vadd.s32 v5, v6  }
0xff: {  	v60 =	vshrl.u32 v6, $0x6;
	v6 =	vshll.u32 v6, $0x1A;
	v13 =	vxor.u32 v11, v13  }
0x100: {  	v8 =	vor.u32 v52, v53;
	v4 =	vadd.s32 v4, v7;
	v61 =	vshrl.u32 v7, $0x6  }
0x101: {  	v3 =	vxor.u32 v2, v3;
	v6 =	vor.u32 v60, v6;
	v7 =	vshll.u32 v7, $0x1A  }
0x102: {  	v11 =	vadd.s32 v11, v13;
	v53 =	vshrl.u32 v13, $0x6;
	v13 =	vshll.u32 v13, $0x1A  }
0x103: {  	v8 =	vxor.u32 v1, v8;
	v2 =	vadd.s32 v3, v2;
	v6 =	vxor.u32 v5, v6  }
0x104: {  	v13 =	vor.u32 v53, v13;
	v54 =	vshrl.u32 v8, $0x1A;
	v55 =	vshll.u32 v8, $0x6  }
0x105: {  	v1 =	vadd.s32 v1, v8;
	v13 =	vxor.u32 v11, v13;
	v8 =	vor.u32 v54, v55  }
0x106: {  	s11 =	simm.s32 @p0 $0x0;
	v11 =	vadd.s32 v11, v13;
	v56 =	vshrl.u32 v13, $0x1A;
	v13 =	vshll.u32 v13, $0x6  }
0x107: {  	[tilespmem:s11], [sflag:$0x1] =	stream.linear.gather @p0 [hbm4b:s4+s11], $0x14770, $0x38;
	v7 =	vor.u32 v61, v7;
	v8 =	vxor.u32 v1, v8;
	v13 =	vor.u32 v56, v13;
	[tilespmem:$0x14880] =	vst v63  }
0x108: {  	s12 =	simm.s32 @p0 $0x1;
	v2 =	vadd.s32 $0x1BD11BF0, v2;
	v8 =	vadd.s32 $0x1BD11BF1, v8;
	v13 =	vxor.u32 v11, v13  }
0x109: {  	_ =	swait.ge @p0 [sflag:s12], $0x14770;
	v1 =	vadd.s32 v8, v1;
	v57 =	vshrl.u32 v8, $0xF;
	v8 =	vshll.u32 v8, $0x11  }
0x10a: {  	[sflag:s12] =	ssyncset.done @p0 $0x0;
	v13 =	vadd.s32 $0x2D, v13;
	v1 =	vadd.s32 $0x2A, v1;
	v8 =	vor.u32 v57, v8  }
0x10b: {  	s13 =	simm.s32 @p0 $0x14800;
	[sflag:s12] =	ssyncadd.s32 @p0 $0xFFFEB890;
	v5 =	vadd.s32 v6, v5;
	v11 =	vadd.s32 v11, v13;
	v8 =	vxor.u32 v1, v8  }
0x10c: {  	[tilespmem:s13], [sflag:$0x1] =	stream.linear.gather @p0 [hbm4b:s5+s11], $0x2, $0x38;
	v58 =	vshrl.u32 v8, $0x3;
	v59 =	vshll.u32 v8, $0x1D;
	v1 =	vadd.s32 v1, v8;
	[tilespmem:$0x14880] =	vst v63  }
0x10d: {  	_ =	swait.ge @p0 [sflag:s12], $0x2;
	v8 =	vor.u32 v58, v59;
	v59 =	vshrl.u32 v13, $0xF;
	v13 =	vshll.u32 v13, $0x11  }
0x10e: {  	[sflag:s12] =	ssyncset.done @p0 $0x0;
	v6 =	vxor.u32 v4, v7;
	v8 =	vxor.u32 v1, v8;
	v13 =	vor.u32 v59, v13  }
0x10f: {  	s11 =	simm.s32 @!p0 $0x0;
	[sflag:s12] =	ssyncadd.s32 @p0 $0xFFFFFFFE;
	v62 =	vshrl.u32 v8, $0x10;
	v63 =	vshll.u32 v8, $0x10;
	v13 =	vxor.u32 v11, v13  }
0x110: {  	[tilespmem:s11], [sflag:$0x1] =	stream.linear.gather @!p0 [hbm4b:s3+s11], $0x147B0, $0x38;
	v1 =	vadd.s32 v1, v8;
	v8 =	vor.u32 v62, v63;
	v11 =	vadd.s32 v11, v13;
	[tilespmem:$0x14880] =	vst v63  }
0x111: {  	s11 =	simm.s32 @!p0 $0x1;
	v62 =	vshrl.u32 v13, $0x3;
	v13 =	vshll.u32 v13, $0x1D;
	v3 =	vxor.u32 v1, v8  }
0x112: {  	_ =	swait.ge @!p0 [sflag:s11], $0x147B0;
	vm3 =	vgt.s32 v2, $0xFFFFFFFF;
	v13 =	vor.u32 v62, v13;
	v15 =	vshrl.u32 v3, $0x8  }
0x113: {  	[sflag:s11] =	ssyncset.done @!p0 $0x0;
	v16 =	vshll.u32 v3, $0x18;
	v1 =	vadd.s32 v1, v3;
	v13 =	vxor.u32 v11, v13  }
0x114: {  	[sflag:s11] =	ssyncadd.s32 @!p0 $0xFFFEB850;
	s11 =	simm.s32 $0x20;
	v3 =	vor.u32 v15, v16;
	v15 =	vshrl.u32 v24, $0x13;
	v16 =	vshrl.u32 v10, $0x11  }
0x115: {  	v8 =	vld [tilespmem:s11+$0xFFFFFFE0];
	v10 =	vshll.u32 v10, $0xF;
	v11 =	vadd.s32 v11, v13;
	v21 =	vshrl.u32 v13, $0x10  }
0x116: {  	v13 =	vshll.u32 v13, $0x10;
	v3 =	vxor.u32 v1, v3;
	v14 =	vor.u32 v15, v25  }
0x117: {  	v10 =	vor.u32 v16, v10;
	v13 =	vor.u32 v21, v13;
	v2 =	vadd.s32 $0x2, v3  }
0x118: {  	v14 =	vxor.u32 v24, v14;
	v10 =	vxor.u32 v9, v10;
	v13 =	vxor.u32 v11, v13  }
0x119: {  	v17 =	vld [tilespmem:s11+$0x0];
	v1 =	vadd.s32 v2, v1;
	v3 =	vshrl.u32 v2, $0x13;
	v2 =	vshll.u32 v2, $0xD  }
0x11a: {  	v8 =	vadd.f32 v8, v8;
	v12 =	vadd.s32 v24, v14;
	v27 =	vshrl.u32 v14, $0x11  }
0x11b: {  	v14 =	vshll.u32 v14, $0xF;
	v9 =	vadd.s32 v9, v10;
	v28 =	vshrl.u32 v10, $0x6  }
0x11c: {  	v10 =	vshll.u32 v10, $0x1A;
	v11 =	vadd.s32 v11, v13;
	v25 =	vshrl.u32 v13, $0x8  }
0x11d: {  	v13 =	vshll.u32 v13, $0x18;
	v1 =	vadd.s32 $0x1BD11BF0, v1;
	v2 =	vor.u32 v3, v2  }
0x11e: {  	v3 =	vadd.s32 v6, v4;
	v4 =	vadd.s32 $0x1BD11BF0, v5;
	v5 =	vadd.f32 v17, v17  }
0x11f: {  	v14 =	vor.u32 v27, v14;
	v10 =	vor.u32 v28, v10;
	v13 =	vor.u32 v25, v13  }
0x120: {  	v2 =	vxor.u32 v1, v2;
	v3 =	vadd.s32 $0x1BD11BF0, v3;
	v14 =	vxor.u32 v12, v14  }
0x121: {  	v7 =	vld [tilespmem:s11+$0x10];
	v10 =	vxor.u32 v9, v10;
	v13 =	vxor.u32 v11, v13;
	v6 =	vshrl.u32 v2, $0x11  }
0x122: {  	v18 =	vshll.u32 v2, $0xF;
	v1 =	vadd.s32 v1, v2;
	vm4 =	vgt.s32 v3, $0xFFFFFFFF  }
0x123: {  	v12 =	vadd.s32 v12, v14;
	v30 =	vshrl.u32 v14, $0x6;
	v14 =	vshll.u32 v14, $0x1A  }
0x124: {  	v9 =	vadd.s32 v9, v10;
	v31 =	vshrl.u32 v10, $0x1A;
	v10 =	vshll.u32 v10, $0x6  }
0x125: {  	v13 =	vadd.s32 $0x1BD11BF4, v13;
	v2 =	vor.u32 v6, v18;
	v6 =	vnsel vm3, $0x0, v8  }
0x126: {  	vm3 =	vgt.s32 v4, $0xFFFFFFFF;
	v4 =	vadd.f32 v7, v7;
	v14 =	vor.u32 v30, v14  }
0x127: {  	v10 =	vor.u32 v31, v10;
	v11 =	vadd.s32 v13, v11;
	v28 =	vshrl.u32 v13, $0x13  }
0x128: {  	v13 =	vshll.u32 v13, $0xD;
	v2 =	vxor.u32 v1, v2;
	v14 =	vxor.u32 v12, v14  }
0x129: {  	v10 =	vxor.u32 v9, v10;
	v13 =	vor.u32 v28, v13;
	v12 =	vadd.s32 v12, v14  }
0x12a: {  	v33 =	vshrl.u32 v14, $0x1A;
	v14 =	vshll.u32 v14, $0x6;
	v10 =	vadd.s32 $0x1BD11BF1, v10  }
0x12b: {  	v11 =	vadd.s32 $0x2A, v11;
	v14 =	vor.u32 v33, v14;
	v9 =	vadd.s32 v10, v9  }
0x12c: {  	v34 =	vshrl.u32 v10, $0xF;
	v10 =	vshll.u32 v10, $0x11;
	v14 =	vxor.u32 v12, v14  }
0x12d: {  	v9 =	vadd.s32 $0x2A, v9;
	v10 =	vor.u32 v34, v10;
	v14 =	vadd.s32 $0x1BD11BF1, v14  }
0x12e: {  	v10 =	vxor.u32 v9, v10;
	v12 =	vadd.s32 v14, v12;
	v36 =	vshrl.u32 v14, $0xF  }
0x12f: {  	v14 =	vshll.u32 v14, $0x11;
	v9 =	vadd.s32 v9, v10;
	v37 =	vshrl.u32 v10, $0x3  }
0x130: {  	v10 =	vshll.u32 v10, $0x1D;
	v12 =	vadd.s32 $0x2A, v12;
	v14 =	vor.u32 v36, v14  }
0x131: {  	v7 =	vshrl.u32 v2, $0x6;
	v10 =	vor.u32 v37, v10;
	v14 =	vxor.u32 v12, v14  }
0x132: {  	v8 =	vshll.u32 v2, $0x1A;
	v10 =	vxor.u32 v9, v10;
	v12 =	vadd.s32 v12, v14  }
0x133: {  	v39 =	vshrl.u32 v14, $0x3;
	v14 =	vshll.u32 v14, $0x1D;
	v9 =	vadd.s32 v9, v10  }
0x134: {  	v40 =	vshrl.u32 v10, $0x10;
	v10 =	vshll.u32 v10, $0x10;
	v14 =	vor.u32 v39, v14  }
0x135: {  	v2 =	vadd.s32 v1, v2;
	v10 =	vor.u32 v40, v10;
	v14 =	vxor.u32 v12, v14  }
0x136: {  	v13 =	vxor.u32 v11, v13;
	v10 =	vxor.u32 v9, v10;
	v12 =	vadd.s32 v12, v14  }
0x137: {  	v42 =	vshrl.u32 v14, $0x10;
	v14 =	vshll.u32 v14, $0x10;
	v9 =	vadd.s32 v9, v10  }
0x138: {  	v43 =	vshrl.u32 v10, $0x8;
	v10 =	vshll.u32 v10, $0x18;
	v14 =	vor.u32 v42, v14  }
0x139: {  	v1 =	vor.u32 v7, v8;
	v10 =	vor.u32 v43, v10;
	v14 =	vxor.u32 v12, v14  }
0x13a: {  	v8 =	vnsel vm3, $0x0, v5;
	v10 =	vxor.u32 v9, v10;
	v12 =	vadd.s32 v12, v14  }
0x13b: {  	v45 =	vshrl.u32 v14, $0x8;
	v14 =	vshll.u32 v14, $0x18;
	v10 =	vadd.s32 $0x2, v10  }
0x13c: {  	v7 =	vnsel vm4, $0x0, v4;
	v14 =	vor.u32 v45, v14;
	v9 =	vadd.s32 v10, v9  }
0x13d: {  	v46 =	vshrl.u32 v10, $0x13;
	v10 =	vshll.u32 v10, $0xD;
	v14 =	vxor.u32 v12, v14  }
0x13e: {  	v9 =	vadd.s32 $0x1BD11BF0, v9;
	v10 =	vor.u32 v46, v10;
	v14 =	vadd.s32 $0x2, v14  }
0x13f: {  	v10 =	vxor.u32 v9, v10;
	v12 =	vadd.s32 v14, v12;
	v48 =	vshrl.u32 v14, $0x13  }
0x140: {  	v14 =	vshll.u32 v14, $0xD;
	v9 =	vadd.s32 v9, v10;
	v49 =	vshrl.u32 v10, $0x11  }
0x141: {  	v10 =	vshll.u32 v10, $0xF;
	v12 =	vadd.s32 $0x1BD11BF0, v12;
	v14 =	vor.u32 v48, v14  }
0x142: {  	v11 =	vadd.s32 v11, v13;
	v10 =	vor.u32 v49, v10;
	v14 =	vxor.u32 v12, v14  }
0x143: {  	v31 =	vshrl.u32 v13, $0x11;
	v10 =	vxor.u32 v9, v10;
	v12 =	vadd.s32 v12, v14  }
0x144: {  	v51 =	vshrl.u32 v14, $0x11;
	v14 =	vshll.u32 v14, $0xF;
	v9 =	vadd.s32 v9, v10  }
0x145: {  	v19 =	vld [tilespmem:s11+$0xFFFFFFF0];
	v52 =	vshrl.u32 v10, $0x6;
	v10 =	vshll.u32 v10, $0x1A;
	v14 =	vor.u32 v51, v14  }
0x146: {  	v13 =	vshll.u32 v13, $0xF;
	v10 =	vor.u32 v52, v10;
	v14 =	vxor.u32 v12, v14  }
0x147: {  	v3 =	vxor.u32 v2, v1;
	v10 =	vxor.u32 v9, v10;
	v12 =	vadd.s32 v12, v14  }
0x148: {  	v54 =	vshrl.u32 v14, $0x6;
	v14 =	vshll.u32 v14, $0x1A;
	v9 =	vadd.s32 v9, v10  }
0x149: {  	v55 =	vshrl.u32 v10, $0x1A;
	v10 =	vshll.u32 v10, $0x6;
	v14 =	vor.u32 v54, v14  }
0x14a: {  	v1 =	vadd.f32 v19, v19;
	v10 =	vor.u32 v55, v10;
	v14 =	vxor.u32 v12, v14  }
0x14b: {  	v13 =	vor.u32 v31, v13;
	v10 =	vxor.u32 v9, v10;
	v12 =	vadd.s32 v12, v14  }
0x14c: {  	v57 =	vshrl.u32 v14, $0x1A;
	v14 =	vshll.u32 v14, $0x6;
	v10 =	vadd.s32 $0x2D, v10  }
0x14d: {  	v4 =	vshrl.u32 v3, $0x1A;
	v14 =	vor.u32 v57, v14;
	v9 =	vadd.s32 v9, v10  }
0x14e: {  	v58 =	vshrl.u32 v10, $0xF;
	v10 =	vshll.u32 v10, $0x11;
	v14 =	vxor.u32 v12, v14  }
0x14f: {  	v5 =	vshll.u32 v3, $0x6;
	v10 =	vor.u32 v58, v10;
	v14 =	vadd.s32 $0x2D, v14  }
0x150: {  	v2 =	vadd.s32 v2, v3;
	v10 =	vxor.u32 v9, v10;
	v12 =	vadd.s32 v12, v14  }
0x151: {  	v60 =	vshrl.u32 v14, $0xF;
	v14 =	vshll.u32 v14, $0x11;
	v9 =	vadd.s32 v9, v10  }
0x152: {  	v61 =	vshrl.u32 v10, $0x3;
	v10 =	vshll.u32 v10, $0x1D;
	v14 =	vor.u32 v60, v14  }
0x153: {  	v4 =	vor.u32 v4, v5;
	v10 =	vor.u32 v61, v10;
	v14 =	vxor.u32 v12, v14  }
0x154: {  	v36 =	vshrl.u32 v23, $0x13;
	v10 =	vxor.u32 v9, v10;
	v12 =	vadd.s32 v12, v14  }
0x155: {  	v63 =	vshrl.u32 v14, $0x3;
	v14 =	vshll.u32 v14, $0x1D;
	v9 =	vadd.s32 v9, v10  }
0x156: {  	[tilespmem:s11+$0xFFFFFFE0] =	vst v6;
	v20 =	vshrl.u32 v10, $0x10;
	v10 =	vshll.u32 v10, $0x10;
	v14 =	vor.u32 v63, v14  }
0x157: {  	[tilespmem:s11+$0x0] =	vst v8;
	v37 =	vshll.u32 v23, $0xD;
	v10 =	vor.u32 v20, v10;
	v14 =	vxor.u32 v12, v14  }
0x158: {  	s12 =	simm.s32 $0x60;
	[tilespmem:s11+$0x10] =	vst v7;
	v4 =	vxor.u32 v2, v4;
	v10 =	vxor.u32 v9, v10;
	v12 =	vadd.s32 v12, v14  }
0x159: {  	v34 =	vld [tilespmem:s12+$0x0];
	v22 =	vshrl.u32 v14, $0x10;
	v14 =	vshll.u32 v14, $0x10;
	v9 =	vadd.s32 v9, v10  }
0x15a: {  	v24 =	vshrl.u32 v10, $0x8;
	v10 =	vshll.u32 v10, $0x18;
	v14 =	vor.u32 v22, v14  }
0x15b: {  	v4 =	vadd.s32 $0x2D, v4;
	v10 =	vor.u32 v24, v10;
	v14 =	vxor.u32 v12, v14  }
0x15c: {  	v2 =	vadd.s32 v2, v4;
	v10 =	vxor.u32 v9, v10;
	v12 =	vadd.s32 v12, v14  }
0x15d: {  	v26 =	vshrl.u32 v14, $0x8;
	v14 =	vshll.u32 v14, $0x18;
	v10 =	vadd.s32 $0x1BD11BF4, v10  }
0x15e: {  	v38 =	vadd.f32 v34, v34;
	v14 =	vor.u32 v26, v14;
	v9 =	vadd.s32 v10, v9  }
0x15f: {  	v27 =	vshrl.u32 v10, $0x13;
	v10 =	vshll.u32 v10, $0xD;
	v14 =	vxor.u32 v12, v14  }
0x160: {  	v9 =	vadd.s32 $0x2A, v9;
	v10 =	vor.u32 v27, v10;
	v14 =	vadd.s32 $0x1BD11BF4, v14  }
0x161: {  	v10 =	vxor.u32 v9, v10;
	v12 =	vadd.s32 v14, v12;
	v29 =	vshrl.u32 v14, $0x13  }
0x162: {  	v14 =	vshll.u32 v14, $0xD;
	v9 =	vadd.s32 v9, v10;
	v30 =	vshrl.u32 v10, $0x11  }
0x163: {  	v10 =	vshll.u32 v10, $0xF;
	v12 =	vadd.s32 $0x2A, v12;
	v14 =	vor.u32 v29, v14  }
0x164: {  	v42 =	vshrl.u32 v4, $0xF;
	v10 =	vor.u32 v30, v10;
	v14 =	vxor.u32 v12, v14  }
0x165: {  	v43 =	vshll.u32 v4, $0x11;
	v10 =	vxor.u32 v9, v10;
	v12 =	vadd.s32 v12, v14  }
0x166: {  	v6 =	vshrl.u32 v14, $0x11;
	v8 =	vshll.u32 v14, $0xF;
	v9 =	vadd.s32 v9, v10  }
0x167: {  	v32 =	vshrl.u32 v10, $0x6;
	v7 =	vshll.u32 v10, $0x1A;
	v6 =	vor.u32 v6, v8  }
0x168: {  	v8 =	vxor.u32 v11, v13;
	v7 =	vor.u32 v32, v7;
	v6 =	vxor.u32 v12, v6  }
0x169: {  	v11 =	vadd.s32 v11, v8;
	v13 =	vshrl.u32 v8, $0x6;
	v8 =	vshll.u32 v8, $0x1A  }
0x16a: {  	v7 =	vxor.u32 v9, v7;
	v12 =	vadd.s32 v12, v6;
	v35 =	vshrl.u32 v6, $0x6  }
0x16b: {  	v33 =	vld [tilespmem:s12+$0xFFFFFFE0];
	v8 =	vor.u32 v13, v8;
	v6 =	vshll.u32 v6, $0x1A;
	v7 =	vadd.s32 v7, v9  }
0x16c: {  	v9 =	vor.u32 v36, v37;
	v8 =	vxor.u32 v11, v8;
	v6 =	vor.u32 v35, v6  }
0x16d: {  	v7 =	vadd.s32 $0x1BD11BF0, v7;
	v9 =	vxor.u32 v23, v9;
	v8 =	vadd.s32 v8, v11  }
0x16e: {  	v6 =	vxor.u32 v12, v6;
	v5 =	vshrl.u32 v9, $0x11;
	v39 =	vshll.u32 v9, $0xF  }
0x16f: {  	vm3 =	vgt.s32 v7, $0xFFFFFFFF;
	v3 =	vadd.s32 v23, v9;
	v5 =	vor.u32 v5, v39  }
0x170: {  	v7 =	vadd.f32 v33, v33;
	v6 =	vadd.s32 v6, v12;
	v5 =	vxor.u32 v3, v5  }
0x171: {  	v8 =	vadd.s32 $0x1BD11BF0, v8;
	v40 =	vshrl.u32 v5, $0x6;
	v41 =	vshll.u32 v5, $0x1A  }
0x172: {  	v6 =	vadd.s32 $0x1BD11BF0, v6;
	v3 =	vadd.s32 v3, v5;
	v5 =	vor.u32 v40, v41  }
0x173: {  	v7 =	vnsel vm3, $0x0, v7;
	vm3 =	vgt.s32 v8, $0xFFFFFFFF;
	v4 =	vxor.u32 v3, v5  }
0x174: {  	v5 =	vor.u32 v42, v43;
	v44 =	vshrl.u32 v4, $0x1A;
	v45 =	vshll.u32 v4, $0x6  }
0x175: {  	v8 =	vld [tilespmem:s12+$0x10];
	v5 =	vxor.u32 v2, v5;
	v3 =	vadd.s32 v3, v4;
	v4 =	vor.u32 v44, v45  }
0x176: {  	v48 =	vnsel vm3, $0x0, v38;
	v46 =	vshrl.u32 v5, $0x3;
	v4 =	vxor.u32 v3, v4  }
0x177: {  	v47 =	vshll.u32 v5, $0x1D;
	v2 =	vadd.s32 v2, v5;
	v4 =	vadd.s32 $0x1BD11BF1, v4  }
0x178: {  	v3 =	vadd.s32 v4, v3;
	v5 =	vshrl.u32 v4, $0xF;
	v4 =	vshll.u32 v4, $0x11  }
0x179: {  	v9 =	vor.u32 v46, v47;
	v3 =	vadd.s32 $0x2A, v3;
	v4 =	vor.u32 v5, v4  }
0x17a: {  	v8 =	vadd.f32 v8, v8;
	v5 =	vxor.u32 v2, v9;
	v4 =	vxor.u32 v3, v4  }
0x17b: {  	v9 =	vshrl.u32 v5, $0x10;
	v49 =	vshrl.u32 v4, $0x3;
	v50 =	vshll.u32 v4, $0x1D  }
0x17c: {  	v51 =	vshll.u32 v5, $0x10;
	v3 =	vadd.s32 v3, v4;
	v4 =	vor.u32 v49, v50  }
0x17d: {  	v2 =	vadd.s32 v2, v5;
	v5 =	vor.u32 v9, v51;
	v4 =	vxor.u32 v3, v4  }
0x17e: {  	v5 =	vxor.u32 v2, v5;
	v52 =	vshrl.u32 v4, $0x10;
	v53 =	vshll.u32 v4, $0x10  }
0x17f: {  	v54 =	vshrl.u32 v5, $0x8;
	v3 =	vadd.s32 v3, v4;
	v4 =	vor.u32 v52, v53  }
0x180: {  	v55 =	vshll.u32 v5, $0x18;
	v2 =	vadd.s32 v2, v5;
	v4 =	vxor.u32 v3, v4  }
0x181: {  	v5 =	vor.u32 v54, v55;
	v56 =	vshrl.u32 v4, $0x8;
	v57 =	vshll.u32 v4, $0x18  }
0x182: {  	v5 =	vxor.u32 v2, v5;
	v3 =	vadd.s32 v3, v4;
	v4 =	vor.u32 v56, v57  }
0x183: {  	vm3 =	vgt.s32 v6, $0xFFFFFFFF;
	v5 =	vadd.s32 $0x1BD11BF4, v5;
	v4 =	vxor.u32 v3, v4  }
0x184: {  	v6 =	vnsel vm3, $0x0, v8;
	v2 =	vadd.s32 v5, v2;
	v4 =	vadd.s32 $0x2, v4  }
0x185: {  	v3 =	vadd.s32 v4, v3;
	v8 =	vshrl.u32 v4, $0x13;
	v4 =	vshll.u32 v4, $0xD  }
0x186: {  	v58 =	vshrl.u32 v5, $0x13;
	v3 =	vadd.s32 $0x1BD11BF0, v3;
	v4 =	vor.u32 v8, v4  }
0x187: {  	v5 =	vshll.u32 v5, $0xD;
	v2 =	vadd.s32 $0x2A, v2;
	v4 =	vxor.u32 v3, v4  }
0x188: {  	v5 =	vor.u32 v58, v5;
	v8 =	vld [tilespmem:s12+$0xFFFFFFF0];
	v59 =	vshrl.u32 v4, $0x11;
	v60 =	vshll.u32 v4, $0xF  }
0x189: {  	v61 =	vxor.u32 v2, v5;
	v3 =	vadd.s32 v3, v4;
	v4 =	vor.u32 v59, v60  }
0x18a: {  	v62 =	vshrl.u32 v61, $0x11;
	v63 =	vshll.u32 v61, $0xF;
	v4 =	vxor.u32 v3, v4  }
0x18b: {  	[tilespmem:s12+$0xFFFFFFE0] =	vst v7;
	v5 =	vadd.s32 v3, v4;
	v3 =	vshrl.u32 v4, $0x6;
	v4 =	vshll.u32 v4, $0x1A  }
0x18c: {  	[tilespmem:s12+$0x0] =	vst v48;
	v7 =	vor.u32 v62, v63;
	v4 =	vor.u32 v3, v4;
	v3 =	vadd.s32 v2, v61  }
0x18d: {  	s15 =	sadd.s32 $0x40, s29;
	s14 =	simm.s32 $0x4;
	s13 =	simm.s32 $0x60;
	[tilespmem:s12+$0x10] =	vst v6;
	v2 =	vadd.f32 v8, v8;
	v6 =	vxor.u32 v5, v4;
	v4 =	vxor.u32 v3, v7  }
.LBB2_2:
0x18e: {  	v10 =	vadd.s32 s15, v0;
	s16 =	sadd.s32 $0x10, s15;
	v8 =	vshrl.u32 v6, $0x1A;
	v9 =	vshll.u32 v6, $0x6  }
0x18f: {  	s17 =	sadd.s32 $0x30, s15;
	v11 =	vshrl.u32 v10, $0x13;
	v12 =	vshll.u32 v10, $0xD;
	v7 =	vadd.s32 s16, v0;
	s16 =	sadd.s32 $0x20, s15  }
0x190: {  	v13 =	vadd.s32 s17, v0;
	v11 =	vor.u32 v11, v12;
	v12 =	vadd.s32 s16, v0  }
0x191: {  	v16 =	vshrl.u32 v13, $0x13;
	v14 =	vshrl.u32 v12, $0x13;
	v15 =	vshll.u32 v12, $0xD  }
0x192: {  	v11 =	vxor.u32 v10, v11;
	v14 =	vor.u32 v14, v15;
	v15 =	vshll.u32 v13, $0xD  }
0x193: {  	v10 =	vadd.s32 v10, v11;
	v17 =	vshrl.u32 v11, $0x11;
	v15 =	vor.u32 v16, v15  }
0x194: {  	v11 =	vshll.u32 v11, $0xF;
	v14 =	vxor.u32 v12, v14;
	v15 =	vxor.u32 v13, v15  }
0x195: {  	v11 =	vor.u32 v17, v11;
	v12 =	vadd.s32 v12, v14;
	v13 =	vadd.s32 v13, v15  }
0x196: {  	v16 =	vshrl.u32 v14, $0x11;
	v14 =	vshll.u32 v14, $0xF;
	v17 =	vshrl.u32 v15, $0x11  }
0x197: {  	v11 =	vxor.u32 v10, v11;
	v14 =	vor.u32 v16, v14;
	v15 =	vshll.u32 v15, $0xF  }
0x198: {  	v10 =	vadd.s32 v10, v11;
	v16 =	vshrl.u32 v11, $0x6;
	v15 =	vor.u32 v17, v15  }
0x199: {  	v11 =	vshll.u32 v11, $0x1A;
	v14 =	vxor.u32 v12, v14;
	v15 =	vxor.u32 v13, v15  }
0x19a: {  	v11 =	vor.u32 v16, v11;
	v12 =	vadd.s32 v12, v14;
	v13 =	vadd.s32 v13, v15  }
0x19b: {  	v16 =	vshrl.u32 v14, $0x6;
	v14 =	vshll.u32 v14, $0x1A;
	v17 =	vshrl.u32 v15, $0x6  }
0x19c: {  	v11 =	vxor.u32 v10, v11;
	v14 =	vor.u32 v16, v14;
	v15 =	vshll.u32 v15, $0x1A  }
0x19d: {  	v10 =	vadd.s32 v10, v11;
	v16 =	vshrl.u32 v11, $0x1A;
	v15 =	vor.u32 v17, v15  }
0x19e: {  	v11 =	vshll.u32 v11, $0x6;
	v14 =	vxor.u32 v12, v14;
	v15 =	vxor.u32 v13, v15  }
0x19f: {  	v11 =	vor.u32 v16, v11;
	v12 =	vadd.s32 v12, v14;
	v13 =	vadd.s32 v13, v15  }
0x1a0: {  	v16 =	vshrl.u32 v14, $0x1A;
	v14 =	vshll.u32 v14, $0x6;
	v17 =	vshrl.u32 v15, $0x1A  }
0x1a1: {  	v11 =	vxor.u32 v10, v11;
	v14 =	vor.u32 v16, v14;
	v15 =	vshll.u32 v15, $0x6  }
0x1a2: {  	v11 =	vadd.s32 $0x1BD11BF1, v11;
	v14 =	vxor.u32 v12, v14;
	v15 =	vor.u32 v17, v15  }
0x1a3: {  	v10 =	vadd.s32 v11, v10;
	v16 =	vshrl.u32 v11, $0xF;
	v15 =	vxor.u32 v13, v15  }
0x1a4: {  	v11 =	vshll.u32 v11, $0x11;
	v14 =	vadd.s32 $0x1BD11BF1, v14;
	v15 =	vadd.s32 $0x1BD11BF1, v15  }
0x1a5: {  	v10 =	vadd.s32 $0x2A, v10;
	v11 =	vor.u32 v16, v11;
	v12 =	vadd.s32 v14, v12  }
0x1a6: {  	v16 =	vshrl.u32 v14, $0xF;
	v14 =	vshll.u32 v14, $0x11;
	v13 =	vadd.s32 v15, v13  }
0x1a7: {  	v11 =	vxor.u32 v10, v11;
	v17 =	vshrl.u32 v15, $0xF;
	v15 =	vshll.u32 v15, $0x11  }
0x1a8: {  	v12 =	vadd.s32 $0x2A, v12;
	v14 =	vor.u32 v16, v14;
	v13 =	vadd.s32 $0x2A, v13  }
0x1a9: {  	v10 =	vadd.s32 v10, v11;
	v16 =	vshrl.u32 v11, $0x3;
	v15 =	vor.u32 v17, v15  }
0x1aa: {  	v11 =	vshll.u32 v11, $0x1D;
	v14 =	vxor.u32 v12, v14;
	v15 =	vxor.u32 v13, v15  }
0x1ab: {  	v11 =	vor.u32 v16, v11;
	v12 =	vadd.s32 v12, v14;
	v13 =	vadd.s32 v13, v15  }
0x1ac: {  	v16 =	vshrl.u32 v14, $0x3;
	v14 =	vshll.u32 v14, $0x1D;
	v17 =	vshrl.u32 v15, $0x3  }
0x1ad: {  	v11 =	vxor.u32 v10, v11;
	v14 =	vor.u32 v16, v14;
	v15 =	vshll.u32 v15, $0x1D  }
0x1ae: {  	v10 =	vadd.s32 v10, v11;
	v16 =	vshrl.u32 v11, $0x10;
	v15 =	vor.u32 v17, v15  }
0x1af: {  	v11 =	vshll.u32 v11, $0x10;
	v14 =	vxor.u32 v12, v14;
	v15 =	vxor.u32 v13, v15  }
0x1b0: {  	v11 =	vor.u32 v16, v11;
	v12 =	vadd.s32 v12, v14;
	v13 =	vadd.s32 v13, v15  }
0x1b1: {  	v16 =	vshrl.u32 v14, $0x10;
	v14 =	vshll.u32 v14, $0x10;
	v17 =	vshrl.u32 v15, $0x10  }
0x1b2: {  	v11 =	vxor.u32 v10, v11;
	v14 =	vor.u32 v16, v14;
	v15 =	vshll.u32 v15, $0x10  }
0x1b3: {  	v10 =	vadd.s32 v10, v11;
	v16 =	vshrl.u32 v11, $0x8;
	v15 =	vor.u32 v17, v15  }
0x1b4: {  	v11 =	vshll.u32 v11, $0x18;
	v14 =	vxor.u32 v12, v14;
	v15 =	vxor.u32 v13, v15  }
0x1b5: {  	v11 =	vor.u32 v16, v11;
	v12 =	vadd.s32 v12, v14;
	v13 =	vadd.s32 v13, v15  }
0x1b6: {  	v16 =	vshrl.u32 v14, $0x8;
	v14 =	vshll.u32 v14, $0x18;
	v17 =	vshrl.u32 v15, $0x8  }
0x1b7: {  	v11 =	vxor.u32 v10, v11;
	v14 =	vor.u32 v16, v14;
	v15 =	vshll.u32 v15, $0x18  }
0x1b8: {  	s14 =	sadd.s32 $0x4, s14;
	v11 =	vadd.s32 $0x2, v11;
	v14 =	vxor.u32 v12, v14;
	v15 =	vor.u32 v17, v15  }
0x1b9: {  	p1 =	slt.u32 s14, $0x1474;
	v10 =	vadd.s32 v11, v10;
	v16 =	vshrl.u32 v11, $0x13;
	v15 =	vxor.u32 v13, v15  }
0x1ba: {  	v11 =	vshll.u32 v11, $0xD;
	v14 =	vadd.s32 $0x2, v14;
	v15 =	vadd.s32 $0x2, v15  }
0x1bb: {  	v10 =	vadd.s32 $0x1BD11BF0, v10;
	v11 =	vor.u32 v16, v11;
	v12 =	vadd.s32 v14, v12  }
0x1bc: {  	v16 =	vshrl.u32 v14, $0x13;
	v14 =	vshll.u32 v14, $0xD;
	v13 =	vadd.s32 v15, v13  }
0x1bd: {  	v11 =	vxor.u32 v10, v11;
	v17 =	vshrl.u32 v15, $0x13;
	v15 =	vshll.u32 v15, $0xD  }
0x1be: {  	v12 =	vadd.s32 $0x1BD11BF0, v12;
	v14 =	vor.u32 v16, v14;
	v13 =	vadd.s32 $0x1BD11BF0, v13  }
0x1bf: {  	v10 =	vadd.s32 v10, v11;
	v16 =	vshrl.u32 v11, $0x11;
	v15 =	vor.u32 v17, v15  }
0x1c0: {  	v11 =	vshll.u32 v11, $0xF;
	v14 =	vxor.u32 v12, v14;
	v15 =	vxor.u32 v13, v15  }
0x1c1: {  	v11 =	vor.u32 v16, v11;
	v12 =	vadd.s32 v12, v14;
	v13 =	vadd.s32 v13, v15  }
0x1c2: {  	v16 =	vshrl.u32 v14, $0x11;
	v14 =	vshll.u32 v14, $0xF;
	v17 =	vshrl.u32 v15, $0x11  }
0x1c3: {  	v11 =	vxor.u32 v10, v11;
	v14 =	vor.u32 v16, v14;
	v15 =	vshll.u32 v15, $0xF  }
0x1c4: {  	v10 =	vadd.s32 v10, v11;
	v16 =	vshrl.u32 v11, $0x6;
	v15 =	vor.u32 v17, v15  }
0x1c5: {  	v11 =	vshll.u32 v11, $0x1A;
	v14 =	vxor.u32 v12, v14;
	v15 =	vxor.u32 v13, v15  }
0x1c6: {  	v11 =	vor.u32 v16, v11;
	v12 =	vadd.s32 v12, v14;
	v13 =	vadd.s32 v13, v15  }
0x1c7: {  	v16 =	vshrl.u32 v14, $0x6;
	v14 =	vshll.u32 v14, $0x1A;
	v17 =	vshrl.u32 v15, $0x6  }
0x1c8: {  	v11 =	vxor.u32 v10, v11;
	v14 =	vor.u32 v16, v14;
	v15 =	vshll.u32 v15, $0x1A  }
0x1c9: {  	v10 =	vadd.s32 v10, v11;
	v16 =	vshrl.u32 v11, $0x1A;
	v15 =	vor.u32 v17, v15  }
0x1ca: {  	v11 =	vshll.u32 v11, $0x6;
	v14 =	vxor.u32 v12, v14;
	v15 =	vxor.u32 v13, v15  }
0x1cb: {  	v11 =	vor.u32 v16, v11;
	v12 =	vadd.s32 v12, v14;
	v13 =	vadd.s32 v13, v15  }
0x1cc: {  	v16 =	vshrl.u32 v14, $0x1A;
	v14 =	vshll.u32 v14, $0x6;
	v17 =	vshrl.u32 v15, $0x1A  }
0x1cd: {  	v11 =	vxor.u32 v10, v11;
	v14 =	vor.u32 v16, v14;
	v15 =	vshll.u32 v15, $0x6  }
0x1ce: {  	v11 =	vadd.s32 $0x2D, v11;
	v14 =	vxor.u32 v12, v14;
	v15 =	vor.u32 v17, v15  }
0x1cf: {  	v10 =	vadd.s32 v10, v11;
	v16 =	vshrl.u32 v11, $0xF;
	v15 =	vxor.u32 v13, v15  }
0x1d0: {  	v11 =	vshll.u32 v11, $0x11;
	v14 =	vadd.s32 $0x2D, v14;
	v15 =	vadd.s32 $0x2D, v15  }
0x1d1: {  	v11 =	vor.u32 v16, v11;
	v12 =	vadd.s32 v12, v14;
	v13 =	vadd.s32 v13, v15  }
0x1d2: {  	v16 =	vshrl.u32 v14, $0xF;
	v14 =	vshll.u32 v14, $0x11;
	v17 =	vshrl.u32 v15, $0xF  }
0x1d3: {  	v11 =	vxor.u32 v10, v11;
	v14 =	vor.u32 v16, v14;
	v15 =	vshll.u32 v15, $0x11  }
0x1d4: {  	v10 =	vadd.s32 v10, v11;
	v16 =	vshrl.u32 v11, $0x3;
	v15 =	vor.u32 v17, v15  }
0x1d5: {  	v11 =	vshll.u32 v11, $0x1D;
	v14 =	vxor.u32 v12, v14;
	v15 =	vxor.u32 v13, v15  }
0x1d6: {  	v11 =	vor.u32 v16, v11;
	v12 =	vadd.s32 v12, v14;
	v13 =	vadd.s32 v13, v15  }
0x1d7: {  	v16 =	vshrl.u32 v14, $0x3;
	v14 =	vshll.u32 v14, $0x1D;
	v17 =	vshrl.u32 v15, $0x3  }
0x1d8: {  	v11 =	vxor.u32 v10, v11;
	v14 =	vor.u32 v16, v14;
	v15 =	vshll.u32 v15, $0x1D  }
0x1d9: {  	v10 =	vadd.s32 v10, v11;
	v16 =	vshrl.u32 v11, $0x10;
	v15 =	vor.u32 v17, v15  }
0x1da: {  	v11 =	vshll.u32 v11, $0x10;
	v14 =	vxor.u32 v12, v14;
	v15 =	vxor.u32 v13, v15  }
0x1db: {  	v11 =	vor.u32 v16, v11;
	v12 =	vadd.s32 v12, v14;
	v13 =	vadd.s32 v13, v15  }
0x1dc: {  	v16 =	vshrl.u32 v14, $0x10;
	v14 =	vshll.u32 v14, $0x10;
	v17 =	vshrl.u32 v15, $0x10  }
0x1dd: {  	v11 =	vxor.u32 v10, v11;
	v14 =	vor.u32 v16, v14;
	v15 =	vshll.u32 v15, $0x10  }
0x1de: {  	v10 =	vadd.s32 v10, v11;
	v16 =	vshrl.u32 v11, $0x8;
	v15 =	vor.u32 v17, v15  }
0x1df: {  	v11 =	vshll.u32 v11, $0x18;
	v14 =	vxor.u32 v12, v14;
	v15 =	vxor.u32 v13, v15  }
0x1e0: {  	v11 =	vor.u32 v16, v11;
	v12 =	vadd.s32 v12, v14;
	v13 =	vadd.s32 v13, v15  }
0x1e1: {  	v16 =	vshrl.u32 v14, $0x8;
	v14 =	vshll.u32 v14, $0x18;
	v17 =	vshrl.u32 v15, $0x8  }
0x1e2: {  	v11 =	vxor.u32 v10, v11;
	v14 =	vor.u32 v16, v14;
	v15 =	vshll.u32 v15, $0x18  }
0x1e3: {  	v11 =	vadd.s32 $0x1BD11BF4, v11;
	v14 =	vxor.u32 v12, v14;
	v15 =	vor.u32 v17, v15  }
0x1e4: {  	v10 =	vadd.s32 v11, v10;
	v16 =	vshrl.u32 v11, $0x13;
	v15 =	vxor.u32 v13, v15  }
0x1e5: {  	v11 =	vshll.u32 v11, $0xD;
	v14 =	vadd.s32 $0x1BD11BF4, v14;
	v15 =	vadd.s32 $0x1BD11BF4, v15  }
0x1e6: {  	v10 =	vadd.s32 $0x2A, v10;
	v11 =	vor.u32 v16, v11;
	v12 =	vadd.s32 v14, v12  }
0x1e7: {  	v16 =	vshrl.u32 v14, $0x13;
	v14 =	vshll.u32 v14, $0xD;
	v13 =	vadd.s32 v15, v13  }
0x1e8: {  	v11 =	vxor.u32 v10, v11;
	v17 =	vshrl.u32 v15, $0x13;
	v15 =	vshll.u32 v15, $0xD  }
0x1e9: {  	v12 =	vadd.s32 $0x2A, v12;
	v14 =	vor.u32 v16, v14;
	v13 =	vadd.s32 $0x2A, v13  }
0x1ea: {  	v10 =	vadd.s32 v10, v11;
	v16 =	vshrl.u32 v11, $0x11;
	v15 =	vor.u32 v17, v15  }
0x1eb: {  	v11 =	vshll.u32 v11, $0xF;
	v14 =	vxor.u32 v12, v14;
	v15 =	vxor.u32 v13, v15  }
0x1ec: {  	v11 =	vor.u32 v16, v11;
	v12 =	vadd.s32 v12, v14;
	v13 =	vadd.s32 v13, v15  }
0x1ed: {  	v16 =	vshrl.u32 v14, $0x11;
	v14 =	vshll.u32 v14, $0xF;
	v17 =	vshrl.u32 v15, $0x11  }
0x1ee: {  	v11 =	vxor.u32 v10, v11;
	v14 =	vor.u32 v16, v14;
	v15 =	vshll.u32 v15, $0xF  }
0x1ef: {  	v10 =	vadd.s32 v10, v11;
	v16 =	vshrl.u32 v11, $0x6;
	v15 =	vor.u32 v17, v15  }
0x1f0: {  	s12 =	sadd.s32 $0x40, s12;
	v11 =	vshll.u32 v11, $0x1A;
	v14 =	vxor.u32 v12, v14;
	v15 =	vxor.u32 v13, v15  }
0x1f1: {  	v11 =	vor.u32 v16, v11;
	v12 =	vadd.s32 v12, v14;
	v13 =	vadd.s32 v13, v15;
	v16 =	vld [tilespmem:s12+$0xFFFFFFE0]  }
0x1f2: {  	v17 =	vshrl.u32 v14, $0x6;
	v14 =	vshll.u32 v14, $0x1A;
	v19 =	vshrl.u32 v15, $0x6;
	v18 =	vld [tilespmem:s12+$0x0]  }
0x1f3: {  	v11 =	vxor.u32 v10, v11;
	v14 =	vor.u32 v17, v14;
	v15 =	vshll.u32 v15, $0x1A;
	v17 =	vld [tilespmem:s12+$0x10]  }
0x1f4: {  	v10 =	vadd.s32 v11, v10;
	v14 =	vxor.u32 v12, v14;
	v15 =	vor.u32 v19, v15;
	v11 =	vld [tilespmem:s12+$0xFFFFFFF0]  }
0x1f5: {  	v10 =	vadd.s32 $0x1BD11BF0, v10;
	v12 =	vadd.s32 v14, v12;
	v14 =	vxor.u32 v13, v15  }
0x1f6: {  	vm3 =	vgt.s32 v10, $0xFFFFFFFF;
	v13 =	vadd.s32 v14, v13;
	v10 =	vadd.f32 v16, v16  }
0x1f7: {  	v12 =	vadd.s32 $0x1BD11BF0, v12;
	v13 =	vadd.s32 $0x1BD11BF0, v13;
	v14 =	vadd.f32 v18, v18  }
0x1f8: {  	v10 =	vnsel vm3, $0x0, v10;
	vm3 =	vgt.s32 v12, $0xFFFFFFFF;
	v12 =	vadd.f32 v17, v17  }
0x1f9: {  	[tilespmem:s12+$0xFFFFFFE0] =	vst v10;
	v10 =	vshrl.u32 v7, $0x13;
	v14 =	vnsel vm3, $0x0, v14;
	vm3 =	vgt.s32 v13, $0xFFFFFFFF  }
0x1fa: {  	v8 =	vor.u32 v8, v9;
	v13 =	vshll.u32 v7, $0xD;
	[tilespmem:s12+$0x0] =	vst v14;
	v12 =	vnsel vm3, $0x0, v12  }
0x1fb: {  	v5 =	vadd.s32 v5, v6;
	v6 =	vshrl.u32 v4, $0x6;
	v9 =	vor.u32 v10, v13;
	[tilespmem:s12+$0x10] =	vst v12  }
0x1fc: {  	v8 =	vxor.u32 v5, v8;
	v10 =	vshll.u32 v4, $0x1A;
	v9 =	vxor.u32 v7, v9  }
0x1fd: {  	v7 =	vadd.s32 v7, v9;
	v12 =	vshrl.u32 v9, $0x11;
	v9 =	vshll.u32 v9, $0xF  }
0x1fe: {  	v8 =	vadd.s32 $0x2D, v8;
	v6 =	vor.u32 v6, v10;
	v9 =	vor.u32 v12, v9  }
0x1ff: {  	v10 =	vshrl.u32 v8, $0xF;
	v12 =	vshll.u32 v8, $0x11;
	v9 =	vxor.u32 v7, v9  }
0x200: {  	v7 =	vadd.s32 v7, v9;
	v13 =	vshrl.u32 v9, $0x6;
	v9 =	vshll.u32 v9, $0x1A  }
0x201: {  	v5 =	vadd.s32 v5, v8;
	v8 =	vor.u32 v10, v12;
	v9 =	vor.u32 v13, v9  }
0x202: {  	v3 =	vadd.s32 v3, v4;
	v8 =	vxor.u32 v5, v8;
	v9 =	vxor.u32 v7, v9  }
0x203: {  	v4 =	vadd.s32 v7, v9;
	v7 =	vshrl.u32 v9, $0x1A;
	v9 =	vshll.u32 v9, $0x6  }
0x204: {  	v10 =	vshll.u32 v8, $0x1D;
	v7 =	vor.u32 v7, v9;
	v9 =	vshrl.u32 v8, $0x3  }
0x205: {  	v5 =	vadd.s32 v5, v8;
	v7 =	vxor.u32 v4, v7;
	v8 =	vor.u32 v9, v10  }
0x206: {  	v6 =	vxor.u32 v3, v6;
	v7 =	vadd.s32 $0x1BD11BF1, v7;
	v8 =	vxor.u32 v5, v8  }
0x207: {  	v4 =	vadd.s32 v7, v4;
	v9 =	vshrl.u32 v7, $0xF;
	v7 =	vshll.u32 v7, $0x11  }
0x208: {  	v4 =	vadd.s32 $0x2A, v4;
	v7 =	vor.u32 v9, v7;
	v9 =	vshrl.u32 v8, $0x10  }
0x209: {  	v5 =	vadd.s32 v5, v8;
	v8 =	vshll.u32 v8, $0x10;
	v7 =	vxor.u32 v4, v7  }
0x20a: {  	v4 =	vadd.s32 v4, v7;
	v10 =	vshrl.u32 v7, $0x3;
	v7 =	vshll.u32 v7, $0x1D  }
0x20b: {  	v3 =	vadd.s32 v6, v3;
	v8 =	vor.u32 v9, v8;
	v7 =	vor.u32 v10, v7  }
0x20c: {  	v3 =	vadd.s32 $0x1BD11BF0, v3;
	v6 =	vxor.u32 v4, v7;
	v7 =	vxor.u32 v5, v8  }
0x20d: {  	v4 =	vadd.s32 v4, v6;
	v8 =	vshrl.u32 v6, $0x10;
	v6 =	vshll.u32 v6, $0x10  }
0x20e: {  	v9 =	vshll.u32 v7, $0x18;
	v6 =	vor.u32 v8, v6;
	v8 =	vshrl.u32 v7, $0x8  }
0x20f: {  	v5 =	vadd.s32 v5, v7;
	v6 =	vxor.u32 v4, v6;
	v7 =	vor.u32 v8, v9  }
0x210: {  	v4 =	vadd.s32 v4, v6;
	v8 =	vshrl.u32 v6, $0x8;
	v6 =	vshll.u32 v6, $0x18  }
0x211: {  	v7 =	vxor.u32 v5, v7;
	v6 =	vor.u32 v8, v6;
	v8 =	vadd.f32 v11, v11  }
0x212: {  	vm3 =	vgt.s32 v3, $0xFFFFFFFF;
	v7 =	vadd.s32 $0x1BD11BF4, v7;
	v6 =	vxor.u32 v4, v6  }
0x213: {  	v5 =	vadd.s32 v7, v5;
	v3 =	vadd.s32 $0x2, v6;
	v6 =	vshrl.u32 v7, $0x13  }
0x214: {  	v4 =	vadd.s32 v3, v4;
	v9 =	vshrl.u32 v3, $0x13;
	v3 =	vshll.u32 v3, $0xD  }
0x215: {  	v7 =	vshll.u32 v7, $0xD;
	v4 =	vadd.s32 $0x1BD11BF0, v4;
	v3 =	vor.u32 v9, v3  }
0x216: {  	v9 =	vadd.s32 $0x2A, v5;
	v5 =	vor.u32 v6, v7;
	v3 =	vxor.u32 v4, v3  }
0x217: {  	v4 =	vadd.s32 v4, v3;
	v6 =	vshrl.u32 v3, $0x11;
	v3 =	vshll.u32 v3, $0xF  }
.Ltmp0:
0x218: {  	v3 =	vor.u32 v6, v3;
	v6 =	vxor.u32 v9, v5;
	v5 =	vnsel vm3, $0x0, v1;
	v1 =	vmovc v2;
	v2 =	vmovc v8;
	(pc) =	sbr.rel @p1 .LBB2_2-.Ltmp0, $4  }
0x219: {  	v3 =	vxor.u32 v4, v3;
	v7 =	vshrl.u32 v6, $0x11;
	v8 =	vshll.u32 v6, $0xF;
	[tilespmem:s11+$0xFFFFFFF0] =	vst v5;
	s11 =	smov.u32 s13;
	s13 =	smov.u32 s12  }
0x21a: {  	v5 =	vadd.s32 v4, v3;
	v4 =	vshrl.u32 v3, $0x6;
	v3 =	vshll.u32 v3, $0x1A  }
0x21b: {  	v7 =	vor.u32 v7, v8;
	v4 =	vor.u32 v4, v3;
	v3 =	vadd.s32 v9, v6  }
0x21c: {  	s15 =	sadd.s32 $0x40, s15;
	v6 =	vxor.u32 v5, v4;
	v4 =	vxor.u32 v3, v7  }
0x21d: {  	v7 =	vshrl.u32 v6, $0x1A;
	v8 =	vshll.u32 v6, $0x6  }
0x21e: {  	v5 =	vadd.s32 v5, v6;
	v7 =	vor.u32 v7, v8  }
0x21f: {  	v6 =	vxor.u32 v5, v7  }
0x220: {  	v6 =	vadd.s32 $0x2D, v6  }
0x221: {  	v46 =	vshrl.u32 v6, $0xF;
	v47 =	vshll.u32 v6, $0x11  }
0x222: {  	v5 =	vadd.s32 v5, v6;
	v48 =	vor.u32 v46, v47  }
0x223: {  	v6 =	vxor.u32 v5, v48  }
0x224: {  	v49 =	vshrl.u32 v6, $0x3;
	v50 =	vshll.u32 v6, $0x1D  }
0x225: {  	v5 =	vadd.s32 v5, v6;
	v51 =	vor.u32 v49, v50  }
0x226: {  	v6 =	vxor.u32 v5, v51  }
0x227: {  	v52 =	vshrl.u32 v6, $0x10;
	v53 =	vshll.u32 v6, $0x10  }
0x228: {  	v5 =	vadd.s32 v5, v6;
	v54 =	vor.u32 v52, v53  }
0x229: {  	v6 =	vxor.u32 v5, v54  }
0x22a: {  	v55 =	vshrl.u32 v6, $0x8;
	v56 =	vshll.u32 v6, $0x18  }
0x22b: {  	v5 =	vadd.s32 v5, v6;
	v57 =	vor.u32 v55, v56  }
0x22c: {  	v6 =	vxor.u32 v5, v57  }
0x22d: {  	v6 =	vadd.s32 $0x1BD11BF4, v6  }
0x22e: {  	v5 =	vadd.s32 v6, v5;
	v58 =	vshrl.u32 v6, $0x13;
	v6 =	vshll.u32 v6, $0xD  }
0x22f: {  	v5 =	vadd.s32 $0x2A, v5;
	v6 =	vor.u32 v58, v6  }
0x230: {  	v6 =	vxor.u32 v5, v6  }
0x231: {  	v60 =	vshrl.u32 v6, $0x11;
	v9 =	vshll.u32 v6, $0xF  }
0x232: {  	v59 =	vshrl.u32 v4, $0x6;
	v5 =	vadd.s32 v5, v6;
	v8 =	vor.u32 v60, v9  }
0x233: {  	v61 =	vshll.u32 v4, $0x1A;
	v3 =	vadd.s32 v3, v4;
	v62 =	vxor.u32 v5, v8  }
0x234: {  	v6 =	vor.u32 v59, v61;
	v63 =	vshrl.u32 v62, $0x6;
	v8 =	vshll.u32 v62, $0x1A  }
0x235: {  	v6 =	vxor.u32 v3, v6;
	v5 =	vadd.s32 v5, v62;
	v4 =	vor.u32 v63, v8  }
0x236: {  	v3 =	vadd.s32 v6, v3;
	v4 =	vxor.u32 v5, v4  }
0x237: {  	v3 =	vadd.s32 $0x1BD11BF0, v3;
	v4 =	vadd.s32 v4, v5  }
0x238: {  	vm3 =	vgt.s32 v3, $0xFFFFFFFF;
	v3 =	vadd.s32 $0x1BD11BF0, v4  }
0x239: {  	v1 =	vnsel vm3, $0x0, v1;
	vm3 =	vgt.s32 v3, $0xFFFFFFFF  }
0x23a: {  	[tilespmem:s11+$0xFFFFFFF0] =	vst v1;
	v1 =	vnsel vm3, $0x0, v2  }
0x23b: {  	[tilespmem:s13+$0xFFFFFFF0] =	vst v1  }
0x23c: {  	v1 =	vld [tilespmem:$0x14780]  }
0x23d: {  	v2 =	vld [tilespmem:$0x14790]  }
0x23e: {  	v3 =	vld [tilespmem:$0x147A0]  }
0x23f: {  	v4 =	vld @p0 [tilespmem:$0x14800];
	_ =	sdelay $0x1  }
0x240: {  	vm4 =	vcmask @p0 $0x73C;
	vm3 =	vcmask @p0 $0x130C;
	v1 =	vadd.f32 v1, v1  }
0x241: {  	vm3 =	vmor @p0 vm4, vm3;
	vm4 =	vcmask @p0 $0x2B28;
	v2 =	vadd.f32 v2, v2  }
0x242: {  	vm3 =	vmor @p0 vm3, vm4;
	v3 =	vadd.f32 v3, v3;
	v1 =	vnsel vm2, $0x0, v1  }
0x243: {  	vm4 =	vcmask @p0 $0x3330;
	v2 =	vnsel vm1, $0x0, v2;
	[tilespmem:$0x14780] =	vst v1;
	v1 =	vadd.f32 @p0 v4, v4  }
0x244: {  	vm3 =	vmor @p0 vm3, vm4;
	[tilespmem:$0x14790] =	vst v2;
	v2 =	vnsel vm0, $0x0, v3  }
0x245: {  	[tilespmem:$0x147A0] =	vst v2;
	v1 =	vsel @p0 vm3, $0x0, v1  }
0x246: {  	s12 =	simm.s32 @p0 $0x1;
	s11 =	simm.s32 @p0 $0x0;
	[tilespmem:$0x14800] =	vst @p0 v1  }
0x247: {  	[hbm4b:s7+s11] =	stream.linear.scatter @p0 [tilespmem:s11], [sflag:$0x1], $0x14770, $0x38;
	[tilespmem:$0x14880] =	vst v63  }
0x248: {  	_ =	swait.ge @p0 [sflag:s12], $0x14770  }
0x249: {  	[sflag:s12] =	ssyncset.done @p0 $0x0  }
0x24a: {  	s13 =	simm.s32 @p0 $0x14800;
	[sflag:s12] =	ssyncadd.s32 @p0 $0xFFFEB890  }
0x24b: {  	[hbm4b:s8+s11] =	stream.linear.scatter @p0 [tilespmem:s13], [sflag:$0x1], $0x2, $0x38;
	[tilespmem:$0x14880] =	vst v63  }
0x24c: {  	_ =	swait.ge @p0 [sflag:s12], $0x2  }
0x24d: {  	s2 =	sadd.s32 $0x1, s2;
	[sflag:s12] =	ssyncset.done @p0 $0x0  }
0x24e: {  	p1 =	sne.s32 s2, s9;
	s11 =	simm.s32 @!p0 $0x0;
	[sflag:s12] =	ssyncadd.s32 @p0 $0xFFFFFFFE  }
0x24f: {  	[hbm4b:s6+s11] =	stream.linear.scatter @!p0 [tilespmem:s11], [sflag:$0x1], $0x147B0, $0x38;
	[tilespmem:$0x14880] =	vst v63  }
.Ltmp1:
0x250: {  	_ = 	snop;
	(pc) =	sbr.rel @p1 .LBB2_1-.Ltmp1, $4  }
0x251: {  	s11 =	simm.s32 @!p0 $0x1  }
0x252: {  	_ =	swait.ge @!p0 [sflag:s11], $0x147B0  }
0x253: {  	[sflag:s11] =	ssyncset.done @!p0 $0x0  }
0x254: {  	[sflag:s11] =	ssyncadd.s32 @!p0 $0xFFFEB850  }
0x255: {  	_ =	sfence.sel $0x180000  }
0x256: {  	[bflag:$0x0] =	sbarrier.arrive $0xFFFF  }
0x257: {  	p0 =	sne.s32 s0, $0x0;
	_ =	strace $0x90000047  }
0x258: {  	s0 =	sadd.s32 @!p0 $0x100000, s1;
	[bflag:$0x2] =	sbarrier.arrive $0xFFFF  }
0x259: {  	[sflag:s0] =	ssyncadd.tile.s32 @!p0 $0x1;
	_ =	shalt  }
.Lfunc_end2:
_tile_overlayer_lowered:
.L_overlay_start_2:
0x25a: {  	(tag) =	ssettag $0x2  }
0x25b: {  	s0 =	rddreg [dreg:$0x0];
	s2 =	stileid.u32  }
0x25c: {  	s1 =	rddreg [dreg:$0x1];
	p0 =	sne.s32 s2, $0x0  }
0x25d: {  	s3 =	rddreg [dreg:$0x2];
	[bflag:$0x3] =	sbarrier.arrive $0xFFFF;
	s2 =	simm.s32 @!p0 $0x1C01  }
0x25e: {  	[timem:s3], [sflag:s2] =	dma.local @!p0 [hbm:s0], s1  }
0x25f: {  	s0 =	simm.s32 @!p0 $0x1  }
0x260: {  	_ =	swait.ge @!p0 [sflag:s0], s1  }
0x261: {  	s1 =	ssub.s32 @!p0 $0x0, s1;
	[sflag:s0] =	ssyncset.done @!p0 $0x0  }
0x262: {  	[sflag:s0] =	ssyncadd.s32 @!p0 s1  }
0x263: {  	[bflag:$0x3] =	sbarrier.arrive $0xFFFF  }
0x264: {  	_ =	shalt  }

</sc_bundles>
